<compile_context>
chip_gen: v7x
topology: tpu7x:2x2x1
jax: 0.10.2.dev20260603
libtpu: 0.0.44.dev20260713+nightly
codegen_flags: <defaults>
</compile_context>

<pallas_src>
import math
import functools

import jax
import jax.numpy as jnp
from jax import lax
from jax.experimental import pallas as pl
from jax.experimental.pallas import tpu as pltpu
from jax.experimental.pallas import tpu_sc as plsc

D_EMBED = 128
SCALE = math.sqrt(float(D_EMBED))

_NC = 2
_NS = 16
_NW = _NC * _NS
_LANES = 16
_BPC = 2
_NBUF = 8
_LEAD = 5


def _make_gather(n_batch: int, seq_len: int):
    rows_per_chunk = _BPC * seq_len
    assert n_batch % (_NW * _BPC) == 0
    batch_per_w = n_batch // _NW
    n_chunks = batch_per_w // _BPC
    assert n_chunks % _NBUF == 0
    mesh = plsc.VectorSubcoreMesh(core_axis_name="c", subcore_axis_name="s")

    @functools.partial(
        pl.kernel,
        mesh=mesh,
        out_type=jax.ShapeDtypeStruct((n_batch, seq_len, D_EMBED), jnp.float32),
        scratch_types=(
            [
                pltpu.VMEM((n_chunks, rows_per_chunk), jnp.int32),
                pltpu.VMEM((_NBUF, rows_per_chunk, D_EMBED), jnp.float32),
            ]
            + [pltpu.SemaphoreType.DMA] * (2 * _NBUF)
        ),
    )
    def grab(table_hbm, idx_hbm, out_hbm, idx_v, rows_v, *sems):
        gsem = sems[:_NBUF]
        osem = sems[_NBUF:]
        wid = lax.axis_index("s") * _NC + lax.axis_index("c")
        bbase = wid * batch_per_w
        pltpu.sync_copy(idx_hbm.at[wid], idx_v)

        def start_gather(chunk, slot):
            pltpu.async_copy(
                table_hbm.at[idx_v.at[chunk]], rows_v.at[slot], gsem[slot]
            )

        def drain_out(slot):
            for h in range(_BPC):
                pltpu.make_async_copy(
                    rows_v.at[slot, pl.ds(h * seq_len, seq_len)],
                    out_hbm.at[bbase],
                    osem[slot],
                ).wait()

        for b in range(_LEAD):
            start_gather(b, b)

        @pl.loop(0, n_chunks, step=_NBUF)
        def _outer(j0):
            for b in range(_NBUF):
                i = j0 + b
                slot_g = (b + _LEAD) % _NBUF

                @pl.when(i + _LEAD < n_chunks)
                def _():
                    @pl.when(i >= _NBUF - _LEAD)
                    def _():
                        drain_out(slot_g)

                    start_gather(i + _LEAD, slot_g)

                pltpu.make_async_copy(
                    table_hbm.at[idx_v.at[i]], rows_v.at[b], gsem[b]
                ).wait()

                @pl.loop(0, rows_per_chunk)
                def _row(r):
                    for c in range(D_EMBED // _LANES):
                        sl = pl.ds(c * _LANES, _LANES)
                        rows_v[b, r, sl] = rows_v[b, r, sl] * SCALE

                for h in range(_BPC):
                    pltpu.async_copy(
                        rows_v.at[b, pl.ds(h * seq_len, seq_len)],
                        out_hbm.at[bbase + i * _BPC + h],
                        osem[b],
                    )

        for b in range(_NBUF):
            drain_out(b)

    return grab


def kernel(x, table):
    n_batch, seq_len = x.shape
    idx = (
        x.reshape(-1)
        .astype(jnp.int32)
        .reshape(_NW, -1, _BPC * seq_len)
    )
    return _make_gather(n_batch, seq_len)(table, idx)

# --- scband reference (transcript-rebuilt; emitter-appended) ---
"""Pipeline reference for scband-token-embedding-17076789968954 (READ-ONLY COPY).

The authoritative reference and input builder live on the scoring server;
editing this copy changes nothing except your own understanding.
"""

import jax, jax.numpy as jnp
import numpy as np
import math

D_EMBED = 128
VOCAB = 100000
B, L = 4096, 50
PADDING_IDX = 0


def setup_inputs(seed: int = 0) -> dict:
    key = jax.random.key(seed)
    k_idx, k_tab = jax.random.split(key)
    x = jax.random.randint(k_idx, (B, L), 0, VOCAB, dtype=jnp.int64 if jax.config.jax_enable_x64 else jnp.int32)
    table = jax.random.normal(k_tab, (VOCAB, D_EMBED), dtype=jnp.float32)
    # torch nn.Embedding initializes the padding_idx row to zeros
    table = table.at[PADDING_IDX].set(0.0)
    return {"x": x, "table": table}


def reference(x, table):
    # out = embedding(x) * sqrt(d_embed)
    out = jnp.take(table, x, axis=0) * math.sqrt(D_EMBED)
    return out

if __name__ == "__main__":
    import jax
    _d = setup_inputs()
    print(jax.jit(kernel)(*tuple(_d.values())))

</pallas_src>

<mosaic_0001>
#map = affine_map<(d0, d1) -> (0, 0)>
#map1 = affine_map<(d0, d1) -> (0, 0, 0)>
module attributes {stable_mosaic.version = 14 : i64} {
  func.func @grab(%arg0: i32, %arg1: i32, %arg2: memref<100000x128xf32, #tpu.memory_space<hbm>>, %arg3: memref<32x64x100xi32, #tpu.memory_space<hbm>>, %arg4: memref<4096x50x128xf32, #tpu.memory_space<hbm>>, %arg5: memref<64x100xi32, #tpu.memory_space<vmem>>, %arg6: memref<8x100x128xf32, #tpu.memory_space<vmem>>, %arg7: memref<!tpu.dma_semaphore, #tpu.memory_space<semaphore_mem>>, %arg8: memref<!tpu.dma_semaphore, #tpu.memory_space<semaphore_mem>>, %arg9: memref<!tpu.dma_semaphore, #tpu.memory_space<semaphore_mem>>, %arg10: memref<!tpu.dma_semaphore, #tpu.memory_space<semaphore_mem>>, %arg11: memref<!tpu.dma_semaphore, #tpu.memory_space<semaphore_mem>>, %arg12: memref<!tpu.dma_semaphore, #tpu.memory_space<semaphore_mem>>, %arg13: memref<!tpu.dma_semaphore, #tpu.memory_space<semaphore_mem>>, %arg14: memref<!tpu.dma_semaphore, #tpu.memory_space<semaphore_mem>>, %arg15: memref<!tpu.dma_semaphore, #tpu.memory_space<semaphore_mem>>, %arg16: memref<!tpu.dma_semaphore, #tpu.memory_space<semaphore_mem>>, %arg17: memref<!tpu.dma_semaphore, #tpu.memory_space<semaphore_mem>>, %arg18: memref<!tpu.dma_semaphore, #tpu.memory_space<semaphore_mem>>, %arg19: memref<!tpu.dma_semaphore, #tpu.memory_space<semaphore_mem>>, %arg20: memref<!tpu.dma_semaphore, #tpu.memory_space<semaphore_mem>>, %arg21: memref<!tpu.dma_semaphore, #tpu.memory_space<semaphore_mem>>, %arg22: memref<!tpu.dma_semaphore, #tpu.memory_space<semaphore_mem>>) attributes {dimension_semantics = [#tpu.dimension_semantics<core_parallel>, #tpu.dimension_semantics<subcore_parallel>], iteration_bounds = array<i64: 2, 16>, scalar_prefetch = 0 : i64, scratch_operands = 18 : i64, tpu.core_type = #tpu.core_type<sc_vector_subcore>, window_params = [{transform_indices = #map}, {transform_indices = #map1}, {transform_indices = #map1}]} {
    %mul3A = arith.constant 2 : i32
    %mul3A_0 = arith.muli %arg1, %mul3A : i32
    %add3A = arith.addi %mul3A_0, %arg0 : i32
    %mul3A_1 = arith.constant 128 : i32
    %mul3A_2 = arith.muli %add3A, %mul3A_1 : i32
    "tpu.region"() ({
      %run_scoped3A = tpu.sem_alloc : memref<!tpu.dma_semaphore, #tpu.memory_space<semaphore_mem>>
      %dma_start3A_337 = arith.constant 0 : i32
      %dma_start3A_338 = arith.constant 0 : i32
      %dma_start3A_339 = tpu.memref_slice %arg3[%add3A, %dma_start3A_337, %dma_start3A_338] : memref<32x64x100xi32, #tpu.memory_space<hbm>> -> memref<1x64x100xi32, #tpu.memory_space<hbm>>
      %dma_start3A_340 = tpu.memref_squeeze %dma_start3A_339 : memref<1x64x100xi32, #tpu.memory_space<hbm>> -> memref<64x100xi32, #tpu.memory_space<hbm>>
      %dma_start3A_341 = arith.constant 0 : i32
      %dma_start3A_342 = arith.constant 0 : i32
      %dma_start3A_343 = tpu.memref_slice %arg3[%add3A, %dma_start3A_341, %dma_start3A_342] : memref<32x64x100xi32, #tpu.memory_space<hbm>> -> memref<1x64x100xi32, #tpu.memory_space<hbm>>
      %dma_start3A_344 = tpu.memref_squeeze %dma_start3A_343 : memref<1x64x100xi32, #tpu.memory_space<hbm>> -> memref<64x100xi32, #tpu.memory_space<hbm>>
      tpu.enqueue_dma source(%dma_start3A_344 : memref<64x100xi32, #tpu.memory_space<hbm>>) target(%arg5 : memref<64x100xi32, #tpu.memory_space<vmem>>) target_semaphore(%run_scoped3A : memref<!tpu.dma_semaphore, #tpu.memory_space<semaphore_mem>>)
      %dma_wait3A_345 = arith.constant 0 : i32
      %dma_wait3A_346 = arith.constant 0 : i32
      %dma_wait3A_347 = tpu.memref_slice %arg3[%add3A, %dma_wait3A_345, %dma_wait3A_346] : memref<32x64x100xi32, #tpu.memory_space<hbm>> -> memref<1x64x100xi32, #tpu.memory_space<hbm>>
      %dma_wait3A_348 = tpu.memref_squeeze %dma_wait3A_347 : memref<1x64x100xi32, #tpu.memory_space<hbm>> -> memref<64x100xi32, #tpu.memory_space<hbm>>
      %dma_wait3A_349 = arith.constant 0 : i32
      %dma_wait3A_350 = arith.constant 0 : i32
      %dma_wait3A_351 = tpu.memref_slice %arg3[%add3A, %dma_wait3A_349, %dma_wait3A_350] : memref<32x64x100xi32, #tpu.memory_space<hbm>> -> memref<1x64x100xi32, #tpu.memory_space<hbm>>
      %dma_wait3A_352 = tpu.memref_squeeze %dma_wait3A_351 : memref<1x64x100xi32, #tpu.memory_space<hbm>> -> memref<64x100xi32, #tpu.memory_space<hbm>>
      tpu.wait_dma2 semaphore(%run_scoped3A : memref<!tpu.dma_semaphore, #tpu.memory_space<semaphore_mem>>) src(%dma_wait3A_352 : memref<64x100xi32, #tpu.memory_space<hbm>>) dst(%arg5 : memref<64x100xi32, #tpu.memory_space<vmem>>)
      tpu.yield
    }) : () -> ()
    %dma_start3A = arith.constant 0 : i32
    %dma_start3A_3 = arith.constant 0 : i32
    %dma_start3A_4 = arith.constant 0 : i32
    %dma_start3A_5 = arith.constant 0 : i32
    %dma_start3A_6 = tpu.memref_slice %arg6[%dma_start3A_3, %dma_start3A_4, %dma_start3A_5] : memref<8x100x128xf32, #tpu.memory_space<vmem>> -> memref<1x100x128xf32, #tpu.memory_space<vmem>>
    %dma_start3A_7 = tpu.memref_squeeze %dma_start3A_6 : memref<1x100x128xf32, #tpu.memory_space<vmem>> -> memref<100x128xf32, #tpu.memory_space<vmem>>
    %dma_start3A_8 = arith.constant 0 : i32
    %dma_start3A_9 = tpu.memref_slice %arg5[%dma_start3A, %dma_start3A_8] : memref<64x100xi32, #tpu.memory_space<vmem>> -> memref<1x100xi32, #tpu.memory_space<vmem>>
    %dma_start3A_10 = tpu.memref_squeeze %dma_start3A_9 : memref<1x100xi32, #tpu.memory_space<vmem>> -> memref<100xi32, #tpu.memory_space<vmem>>
    %dma_start3A_11 = arith.constant 0 : i32
    %dma_start3A_12 = arith.constant 0 : i32
    %dma_start3A_13 = tpu.memref_slice %arg2[%dma_start3A_11, %dma_start3A_12] : memref<100000x128xf32, #tpu.memory_space<hbm>> -> memref<100000x128xf32, #tpu.memory_space<hbm>>
    tpu.enqueue_indirect_dma source(%dma_start3A_13 : memref<100000x128xf32, #tpu.memory_space<hbm>>) target(%dma_start3A_7 : memref<100x128xf32, #tpu.memory_space<vmem>>) offsets(%dma_start3A_10 : memref<100xi32, #tpu.memory_space<vmem>>) semaphore(%arg7 : memref<!tpu.dma_semaphore, #tpu.memory_space<semaphore_mem>>)
    %dma_start3A_14 = arith.constant 1 : i32
    %dma_start3A_15 = arith.constant 1 : i32
    %dma_start3A_16 = arith.constant 0 : i32
    %dma_start3A_17 = arith.constant 0 : i32
    %dma_start3A_18 = tpu.memref_slice %arg6[%dma_start3A_15, %dma_start3A_16, %dma_start3A_17] : memref<8x100x128xf32, #tpu.memory_space<vmem>> -> memref<1x100x128xf32, #tpu.memory_space<vmem>>
    %dma_start3A_19 = tpu.memref_squeeze %dma_start3A_18 : memref<1x100x128xf32, #tpu.memory_space<vmem>> -> memref<100x128xf32, #tpu.memory_space<vmem>>
    %dma_start3A_20 = arith.constant 0 : i32
    %dma_start3A_21 = tpu.memref_slice %arg5[%dma_start3A_14, %dma_start3A_20] : memref<64x100xi32, #tpu.memory_space<vmem>> -> memref<1x100xi32, #tpu.memory_space<vmem>>
    %dma_start3A_22 = tpu.memref_squeeze %dma_start3A_21 : memref<1x100xi32, #tpu.memory_space<vmem>> -> memref<100xi32, #tpu.memory_space<vmem>>
    %dma_start3A_23 = arith.constant 0 : i32
    %dma_start3A_24 = arith.constant 0 : i32
    %dma_start3A_25 = tpu.memref_slice %arg2[%dma_start3A_23, %dma_start3A_24] : memref<100000x128xf32, #tpu.memory_space<hbm>> -> memref<100000x128xf32, #tpu.memory_space<hbm>>
    tpu.enqueue_indirect_dma source(%dma_start3A_25 : memref<100000x128xf32, #tpu.memory_space<hbm>>) target(%dma_start3A_19 : memref<100x128xf32, #tpu.memory_space<vmem>>) offsets(%dma_start3A_22 : memref<100xi32, #tpu.memory_space<vmem>>) semaphore(%arg8 : memref<!tpu.dma_semaphore, #tpu.memory_space<semaphore_mem>>)
    %dma_start3A_26 = arith.constant 2 : i32
    %dma_start3A_27 = arith.constant 2 : i32
    %dma_start3A_28 = arith.constant 0 : i32
    %dma_start3A_29 = arith.constant 0 : i32
    %dma_start3A_30 = tpu.memref_slice %arg6[%dma_start3A_27, %dma_start3A_28, %dma_start3A_29] : memref<8x100x128xf32, #tpu.memory_space<vmem>> -> memref<1x100x128xf32, #tpu.memory_space<vmem>>
    %dma_start3A_31 = tpu.memref_squeeze %dma_start3A_30 : memref<1x100x128xf32, #tpu.memory_space<vmem>> -> memref<100x128xf32, #tpu.memory_space<vmem>>
    %dma_start3A_32 = arith.constant 0 : i32
    %dma_start3A_33 = tpu.memref_slice %arg5[%dma_start3A_26, %dma_start3A_32] : memref<64x100xi32, #tpu.memory_space<vmem>> -> memref<1x100xi32, #tpu.memory_space<vmem>>
    %dma_start3A_34 = tpu.memref_squeeze %dma_start3A_33 : memref<1x100xi32, #tpu.memory_space<vmem>> -> memref<100xi32, #tpu.memory_space<vmem>>
    %dma_start3A_35 = arith.constant 0 : i32
    %dma_start3A_36 = arith.constant 0 : i32
    %dma_start3A_37 = tpu.memref_slice %arg2[%dma_start3A_35, %dma_start3A_36] : memref<100000x128xf32, #tpu.memory_space<hbm>> -> memref<100000x128xf32, #tpu.memory_space<hbm>>
    tpu.enqueue_indirect_dma source(%dma_start3A_37 : memref<100000x128xf32, #tpu.memory_space<hbm>>) target(%dma_start3A_31 : memref<100x128xf32, #tpu.memory_space<vmem>>) offsets(%dma_start3A_34 : memref<100xi32, #tpu.memory_space<vmem>>) semaphore(%arg9 : memref<!tpu.dma_semaphore, #tpu.memory_space<semaphore_mem>>)
    %dma_start3A_38 = arith.constant 3 : i32
    %dma_start3A_39 = arith.constant 3 : i32
    %dma_start3A_40 = arith.constant 0 : i32
    %dma_start3A_41 = arith.constant 0 : i32
    %dma_start3A_42 = tpu.memref_slice %arg6[%dma_start3A_39, %dma_start3A_40, %dma_start3A_41] : memref<8x100x128xf32, #tpu.memory_space<vmem>> -> memref<1x100x128xf32, #tpu.memory_space<vmem>>
    %dma_start3A_43 = tpu.memref_squeeze %dma_start3A_42 : memref<1x100x128xf32, #tpu.memory_space<vmem>> -> memref<100x128xf32, #tpu.memory_space<vmem>>
    %dma_start3A_44 = arith.constant 0 : i32
    %dma_start3A_45 = tpu.memref_slice %arg5[%dma_start3A_38, %dma_start3A_44] : memref<64x100xi32, #tpu.memory_space<vmem>> -> memref<1x100xi32, #tpu.memory_space<vmem>>
    %dma_start3A_46 = tpu.memref_squeeze %dma_start3A_45 : memref<1x100xi32, #tpu.memory_space<vmem>> -> memref<100xi32, #tpu.memory_space<vmem>>
    %dma_start3A_47 = arith.constant 0 : i32
    %dma_start3A_48 = arith.constant 0 : i32
    %dma_start3A_49 = tpu.memref_slice %arg2[%dma_start3A_47, %dma_start3A_48] : memref<100000x128xf32, #tpu.memory_space<hbm>> -> memref<100000x128xf32, #tpu.memory_space<hbm>>
    tpu.enqueue_indirect_dma source(%dma_start3A_49 : memref<100000x128xf32, #tpu.memory_space<hbm>>) target(%dma_start3A_43 : memref<100x128xf32, #tpu.memory_space<vmem>>) offsets(%dma_start3A_46 : memref<100xi32, #tpu.memory_space<vmem>>) semaphore(%arg10 : memref<!tpu.dma_semaphore, #tpu.memory_space<semaphore_mem>>)
    %dma_start3A_50 = arith.constant 4 : i32
    %dma_start3A_51 = arith.constant 4 : i32
    %dma_start3A_52 = arith.constant 0 : i32
    %dma_start3A_53 = arith.constant 0 : i32
    %dma_start3A_54 = tpu.memref_slice %arg6[%dma_start3A_51, %dma_start3A_52, %dma_start3A_53] : memref<8x100x128xf32, #tpu.memory_space<vmem>> -> memref<1x100x128xf32, #tpu.memory_space<vmem>>
    %dma_start3A_55 = tpu.memref_squeeze %dma_start3A_54 : memref<1x100x128xf32, #tpu.memory_space<vmem>> -> memref<100x128xf32, #tpu.memory_space<vmem>>
    %dma_start3A_56 = arith.constant 0 : i32
    %dma_start3A_57 = tpu.memref_slice %arg5[%dma_start3A_50, %dma_start3A_56] : memref<64x100xi32, #tpu.memory_space<vmem>> -> memref<1x100xi32, #tpu.memory_space<vmem>>
    %dma_start3A_58 = tpu.memref_squeeze %dma_start3A_57 : memref<1x100xi32, #tpu.memory_space<vmem>> -> memref<100xi32, #tpu.memory_space<vmem>>
    %dma_start3A_59 = arith.constant 0 : i32
    %dma_start3A_60 = arith.constant 0 : i32
    %dma_start3A_61 = tpu.memref_slice %arg2[%dma_start3A_59, %dma_start3A_60] : memref<100000x128xf32, #tpu.memory_space<hbm>> -> memref<100000x128xf32, #tpu.memory_space<hbm>>
    tpu.enqueue_indirect_dma source(%dma_start3A_61 : memref<100000x128xf32, #tpu.memory_space<hbm>>) target(%dma_start3A_55 : memref<100x128xf32, #tpu.memory_space<vmem>>) offsets(%dma_start3A_58 : memref<100xi32, #tpu.memory_space<vmem>>) semaphore(%arg11 : memref<!tpu.dma_semaphore, #tpu.memory_space<semaphore_mem>>)
    %scan3A = arith.constant 0 : i32
    %scan3A_62 = arith.constant 8 : i32
    %scan3A_63 = arith.addi %scan3A, %scan3A_62 : i32
    %scan3A_64 = arith.constant 1 : i32
    scf.for %scan3A_337 = %scan3A to %scan3A_63 step %scan3A_64  : i32 {
      %mul3A_338 = arith.constant 8 : i32
      %mul3A_339 = arith.muli %scan3A_337, %mul3A_338 : i32
      %add3A_340 = arith.constant 0 : i32
      %add3A_341 = arith.addi %add3A_340, %mul3A_339 : i32
      %add3A_342 = arith.constant 0 : i32
      %add3A_343 = arith.addi %add3A_341, %add3A_342 : i32
      %add3A_344 = arith.constant 5 : i32
      %add3A_345 = arith.addi %add3A_343, %add3A_344 : i32
      %lt3A = arith.constant 64 : i32
      %lt3A_346 = arith.cmpi slt, %add3A_345, %lt3A : i32
      %convert_element_type3A = arith.extui %lt3A_346 : i1 to i32
      %cond3A = arith.constant 0 : i32
      %cond3A_347 = arith.cmpi ne, %convert_element_type3A, %cond3A : i32
      scf.if %cond3A_347 {
        %ge3A = arith.constant 3 : i32
        %ge3A_891 = arith.cmpi sge, %add3A_343, %ge3A : i32
        %convert_element_type3A_892 = arith.extui %ge3A_891 : i1 to i32
        %cond3A_893 = arith.constant 0 : i32
        %cond3A_894 = arith.cmpi ne, %convert_element_type3A_892, %cond3A_893 : i32
        scf.if %cond3A_894 {
          %dma_wait3A_908 = arith.constant 5 : i32
          %dma_wait3A_909 = arith.constant 0 : i32
          %dma_wait3A_910 = arith.constant 0 : i32
          %dma_wait3A_911 = tpu.memref_slice %arg6[%dma_wait3A_908, %dma_wait3A_909, %dma_wait3A_910] : memref<8x100x128xf32, #tpu.memory_space<vmem>> -> memref<1x50x128xf32, #tpu.memory_space<vmem>>
          %dma_wait3A_912 = tpu.memref_squeeze %dma_wait3A_911 : memref<1x50x128xf32, #tpu.memory_space<vmem>> -> memref<50x128xf32, #tpu.memory_space<vmem>>
          %dma_wait3A_913 = arith.constant 0 : i32
          %dma_wait3A_914 = arith.constant 0 : i32
          %dma_wait3A_915 = tpu.memref_slice %arg4[%mul3A_2, %dma_wait3A_913, %dma_wait3A_914] : memref<4096x50x128xf32, #tpu.memory_space<hbm>> -> memref<1x50x128xf32, #tpu.memory_space<hbm>>
          %dma_wait3A_916 = tpu.memref_squeeze %dma_wait3A_915 : memref<1x50x128xf32, #tpu.memory_space<hbm>> -> memref<50x128xf32, #tpu.memory_space<hbm>>
          %dma_wait3A_917 = arith.constant 0 : i32
          %dma_wait3A_918 = arith.constant 0 : i32
          %dma_wait3A_919 = tpu.memref_slice %arg4[%mul3A_2, %dma_wait3A_917, %dma_wait3A_918] : memref<4096x50x128xf32, #tpu.memory_space<hbm>> -> memref<1x50x128xf32, #tpu.memory_space<hbm>>
          %dma_wait3A_920 = tpu.memref_squeeze %dma_wait3A_919 : memref<1x50x128xf32, #tpu.memory_space<hbm>> -> memref<50x128xf32, #tpu.memory_space<hbm>>
          %dma_wait3A_921 = arith.constant 0 : i32
          %dma_wait3A_922 = arith.constant 0 : i32
          %dma_wait3A_923 = tpu.memref_slice %arg6[%dma_wait3A_908, %dma_wait3A_921, %dma_wait3A_922] : memref<8x100x128xf32, #tpu.memory_space<vmem>> -> memref<1x50x128xf32, #tpu.memory_space<vmem>>
          %dma_wait3A_924 = tpu.memref_squeeze %dma_wait3A_923 : memref<1x50x128xf32, #tpu.memory_space<vmem>> -> memref<50x128xf32, #tpu.memory_space<vmem>>
          tpu.wait_dma2 semaphore(%arg20 : memref<!tpu.dma_semaphore, #tpu.memory_space<semaphore_mem>>) src(%dma_wait3A_924 : memref<50x128xf32, #tpu.memory_space<vmem>>) dst(%dma_wait3A_920 : memref<50x128xf32, #tpu.memory_space<hbm>>)
          %dma_wait3A_925 = arith.constant 5 : i32
          %dma_wait3A_926 = arith.constant 50 : i32
          %dma_wait3A_927 = arith.constant 0 : i32
          %dma_wait3A_928 = tpu.memref_slice %arg6[%dma_wait3A_925, %dma_wait3A_926, %dma_wait3A_927] : memref<8x100x128xf32, #tpu.memory_space<vmem>> -> memref<1x50x128xf32, #tpu.memory_space<vmem>>
          %dma_wait3A_929 = tpu.memref_squeeze %dma_wait3A_928 : memref<1x50x128xf32, #tpu.memory_space<vmem>> -> memref<50x128xf32, #tpu.memory_space<vmem>>
          %dma_wait3A_930 = arith.constant 0 : i32
          %dma_wait3A_931 = arith.constant 0 : i32
          %dma_wait3A_932 = tpu.memref_slice %arg4[%mul3A_2, %dma_wait3A_930, %dma_wait3A_931] : memref<4096x50x128xf32, #tpu.memory_space<hbm>> -> memref<1x50x128xf32, #tpu.memory_space<hbm>>
          %dma_wait3A_933 = tpu.memref_squeeze %dma_wait3A_932 : memref<1x50x128xf32, #tpu.memory_space<hbm>> -> memref<50x128xf32, #tpu.memory_space<hbm>>
          %dma_wait3A_934 = arith.constant 0 : i32
          %dma_wait3A_935 = arith.constant 0 : i32
          %dma_wait3A_936 = tpu.memref_slice %arg4[%mul3A_2, %dma_wait3A_934, %dma_wait3A_935] : memref<4096x50x128xf32, #tpu.memory_space<hbm>> -> memref<1x50x128xf32, #tpu.memory_space<hbm>>
          %dma_wait3A_937 = tpu.memref_squeeze %dma_wait3A_936 : memref<1x50x128xf32, #tpu.memory_space<hbm>> -> memref<50x128xf32, #tpu.memory_space<hbm>>
          %dma_wait3A_938 = arith.constant 50 : i32
          %dma_wait3A_939 = arith.constant 0 : i32
          %dma_wait3A_940 = tpu.memref_slice %arg6[%dma_wait3A_925, %dma_wait3A_938, %dma_wait3A_939] : memref<8x100x128xf32, #tpu.memory_space<vmem>> -> memref<1x50x128xf32, #tpu.memory_space<vmem>>
          %dma_wait3A_941 = tpu.memref_squeeze %dma_wait3A_940 : memref<1x50x128xf32, #tpu.memory_space<vmem>> -> memref<50x128xf32, #tpu.memory_space<vmem>>
          tpu.wait_dma2 semaphore(%arg20 : memref<!tpu.dma_semaphore, #tpu.memory_space<semaphore_mem>>) src(%dma_wait3A_941 : memref<50x128xf32, #tpu.memory_space<vmem>>) dst(%dma_wait3A_937 : memref<50x128xf32, #tpu.memory_space<hbm>>)
        } else {
        }
        %add3A_895 = arith.constant 5 : i32
        %add3A_896 = arith.addi %add3A_343, %add3A_895 : i32
        %dma_start3A_897 = arith.constant 5 : i32
        %dma_start3A_898 = arith.constant 0 : i32
        %dma_start3A_899 = arith.constant 0 : i32
        %dma_start3A_900 = tpu.memref_slice %arg6[%dma_start3A_897, %dma_start3A_898, %dma_start3A_899] : memref<8x100x128xf32, #tpu.memory_space<vmem>> -> memref<1x100x128xf32, #tpu.memory_space<vmem>>
        %dma_start3A_901 = tpu.memref_squeeze %dma_start3A_900 : memref<1x100x128xf32, #tpu.memory_space<vmem>> -> memref<100x128xf32, #tpu.memory_space<vmem>>
        %dma_start3A_902 = arith.constant 0 : i32
        %dma_start3A_903 = tpu.memref_slice %arg5[%add3A_896, %dma_start3A_902] : memref<64x100xi32, #tpu.memory_space<vmem>> -> memref<1x100xi32, #tpu.memory_space<vmem>>
        %dma_start3A_904 = tpu.memref_squeeze %dma_start3A_903 : memref<1x100xi32, #tpu.memory_space<vmem>> -> memref<100xi32, #tpu.memory_space<vmem>>
        %dma_start3A_905 = arith.constant 0 : i32
        %dma_start3A_906 = arith.constant 0 : i32
        %dma_start3A_907 = tpu.memref_slice %arg2[%dma_start3A_905, %dma_start3A_906] : memref<100000x128xf32, #tpu.memory_space<hbm>> -> memref<100000x128xf32, #tpu.memory_space<hbm>>
        tpu.enqueue_indirect_dma source(%dma_start3A_907 : memref<100000x128xf32, #tpu.memory_space<hbm>>) target(%dma_start3A_901 : memref<100x128xf32, #tpu.memory_space<vmem>>) offsets(%dma_start3A_904 : memref<100xi32, #tpu.memory_space<vmem>>) semaphore(%arg12 : memref<!tpu.dma_semaphore, #tpu.memory_space<semaphore_mem>>)
      } else {
      }
      %dma_wait3A_348 = arith.constant 0 : i32
      %dma_wait3A_349 = arith.constant 0 : i32
      %dma_wait3A_350 = arith.constant 0 : i32
      %dma_wait3A_351 = tpu.memref_slice %arg6[%dma_wait3A_348, %dma_wait3A_349, %dma_wait3A_350] : memref<8x100x128xf32, #tpu.memory_space<vmem>> -> memref<1x100x128xf32, #tpu.memory_space<vmem>>
      %dma_wait3A_352 = tpu.memref_squeeze %dma_wait3A_351 : memref<1x100x128xf32, #tpu.memory_space<vmem>> -> memref<100x128xf32, #tpu.memory_space<vmem>>
      %dma_wait3A_353 = arith.constant 0 : i32
      %dma_wait3A_354 = tpu.memref_slice %arg5[%add3A_343, %dma_wait3A_353] : memref<64x100xi32, #tpu.memory_space<vmem>> -> memref<1x100xi32, #tpu.memory_space<vmem>>
      %dma_wait3A_355 = tpu.memref_squeeze %dma_wait3A_354 : memref<1x100xi32, #tpu.memory_space<vmem>> -> memref<100xi32, #tpu.memory_space<vmem>>
      %dma_wait3A_356 = arith.constant 0 : i32
      %dma_wait3A_357 = arith.constant 0 : i32
      %dma_wait3A_358 = tpu.memref_slice %arg2[%dma_wait3A_356, %dma_wait3A_357] : memref<100000x128xf32, #tpu.memory_space<hbm>> -> memref<100000x128xf32, #tpu.memory_space<hbm>>
      tpu.wait_indirect_dma semaphore(%arg7 : memref<!tpu.dma_semaphore, #tpu.memory_space<semaphore_mem>>) src(%dma_wait3A_358 : memref<100000x128xf32, #tpu.memory_space<hbm>>) dst(%dma_wait3A_352 : memref<100x128xf32, #tpu.memory_space<vmem>>)
      %scan3A_359 = arith.constant 0 : i32
      %scan3A_360 = arith.constant 100 : i32
      %scan3A_361 = arith.addi %scan3A_359, %scan3A_360 : i32
      %scan3A_362 = arith.constant 1 : i32
      scf.for %scan3A_891 = %scan3A_359 to %scan3A_361 step %scan3A_362  : i32 {
        %mul3A_892 = arith.constant 1 : i32
        %mul3A_893 = arith.muli %scan3A_891, %mul3A_892 : i32
        %add3A_894 = arith.constant 0 : i32
        %add3A_895 = arith.addi %add3A_894, %mul3A_893 : i32
        %get3A = arith.constant 0 : i32
        %get3A_896 = arith.index_cast %get3A : i32 to index
        %get3A_897 = arith.index_cast %add3A_895 : i32 to index
        %get3A_898 = arith.constant 0 : index
        %get3A_899 = tpu.vector_load %arg6[%get3A_896, %get3A_897, %get3A_898] {strides = array<i32>} : memref<8x100x128xf32, #tpu.memory_space<vmem>>, vector<1x1x16xf32>,
        %get3A_900 = vector.shape_cast %get3A_899 : vector<1x1x16xf32> to vector<16xf32>
        %mul3A_901 = arith.constant 11.3137083 : f32
        %mul3A_902 = vector.broadcast %mul3A_901 : f32 to vector<16xf32>
        %mul3A_903 = arith.mulf %get3A_900, %mul3A_902 : vector<16xf32>
        %swap3A = arith.constant 0 : i32
        %swap3A_904 = arith.index_cast %swap3A : i32 to index
        %swap3A_905 = arith.index_cast %add3A_895 : i32 to index
        %swap3A_906 = arith.constant 0 : index
        %swap3A_907 = tpu.vector_load %arg6[%swap3A_904, %swap3A_905, %swap3A_906] {strides = array<i32>} : memref<8x100x128xf32, #tpu.memory_space<vmem>>, vector<1x1x16xf32>,
        %swap3A_908 = vector.shape_cast %swap3A_907 : vector<1x1x16xf32> to vector<16xf32>
        %swap3A_909 = vector.shape_cast %mul3A_903 : vector<16xf32> to vector<1x1x16xf32>
        tpu.vector_store %arg6[%swap3A_904, %swap3A_905, %swap3A_906], %swap3A_909 {strides = array<i32>} : memref<8x100x128xf32, #tpu.memory_space<vmem>>, vector<1x1x16xf32>,
        %get3A_910 = arith.constant 0 : i32
        %get3A_911 = arith.index_cast %get3A_910 : i32 to index
        %get3A_912 = arith.index_cast %add3A_895 : i32 to index
        %get3A_913 = arith.constant 16 : index
        %get3A_914 = tpu.vector_load %arg6[%get3A_911, %get3A_912, %get3A_913] {strides = array<i32>} : memref<8x100x128xf32, #tpu.memory_space<vmem>>, vector<1x1x16xf32>,
        %get3A_915 = vector.shape_cast %get3A_914 : vector<1x1x16xf32> to vector<16xf32>
        %mul3A_916 = arith.constant 11.3137083 : f32
        %mul3A_917 = vector.broadcast %mul3A_916 : f32 to vector<16xf32>
        %mul3A_918 = arith.mulf %get3A_915, %mul3A_917 : vector<16xf32>
        %swap3A_919 = arith.constant 0 : i32
        %swap3A_920 = arith.index_cast %swap3A_919 : i32 to index
        %swap3A_921 = arith.index_cast %add3A_895 : i32 to index
        %swap3A_922 = arith.constant 16 : index
        %swap3A_923 = tpu.vector_load %arg6[%swap3A_920, %swap3A_921, %swap3A_922] {strides = array<i32>} : memref<8x100x128xf32, #tpu.memory_space<vmem>>, vector<1x1x16xf32>,
        %swap3A_924 = vector.shape_cast %swap3A_923 : vector<1x1x16xf32> to vector<16xf32>
        %swap3A_925 = vector.shape_cast %mul3A_918 : vector<16xf32> to vector<1x1x16xf32>
        tpu.vector_store %arg6[%swap3A_920, %swap3A_921, %swap3A_922], %swap3A_925 {strides = array<i32>} : memref<8x100x128xf32, #tpu.memory_space<vmem>>, vector<1x1x16xf32>,
        %get3A_926 = arith.constant 0 : i32
        %get3A_927 = arith.index_cast %get3A_926 : i32 to index
        %get3A_928 = arith.index_cast %add3A_895 : i32 to index
        %get3A_929 = arith.constant 32 : index
        %get3A_930 = tpu.vector_load %arg6[%get3A_927, %get3A_928, %get3A_929] {strides = array<i32>} : memref<8x100x128xf32, #tpu.memory_space<vmem>>, vector<1x1x16xf32>,
        %get3A_931 = vector.shape_cast %get3A_930 : vector<1x1x16xf32> to vector<16xf32>
        %mul3A_932 = arith.constant 11.3137083 : f32
        %mul3A_933 = vector.broadcast %mul3A_932 : f32 to vector<16xf32>
        %mul3A_934 = arith.mulf %get3A_931, %mul3A_933 : vector<16xf32>
        %swap3A_935 = arith.constant 0 : i32
        %swap3A_936 = arith.index_cast %swap3A_935 : i32 to index
        %swap3A_937 = arith.index_cast %add3A_895 : i32 to index
        %swap3A_938 = arith.constant 32 : index
        %swap3A_939 = tpu.vector_load %arg6[%swap3A_936, %swap3A_937, %swap3A_938] {strides = array<i32>} : memref<8x100x128xf32, #tpu.memory_space<vmem>>, vector<1x1x16xf32>,
        %swap3A_940 = vector.shape_cast %swap3A_939 : vector<1x1x16xf32> to vector<16xf32>
        %swap3A_941 = vector.shape_cast %mul3A_934 : vector<16xf32> to vector<1x1x16xf32>
        tpu.vector_store %arg6[%swap3A_936, %swap3A_937, %swap3A_938], %swap3A_941 {strides = array<i32>} : memref<8x100x128xf32, #tpu.memory_space<vmem>>, vector<1x1x16xf32>,
        %get3A_942 = arith.constant 0 : i32
        %get3A_943 = arith.index_cast %get3A_942 : i32 to index
        %get3A_944 = arith.index_cast %add3A_895 : i32 to index
        %get3A_945 = arith.constant 48 : index
        %get3A_946 = tpu.vector_load %arg6[%get3A_943, %get3A_944, %get3A_945] {strides = array<i32>} : memref<8x100x128xf32, #tpu.memory_space<vmem>>, vector<1x1x16xf32>,
        %get3A_947 = vector.shape_cast %get3A_946 : vector<1x1x16xf32> to vector<16xf32>
        %mul3A_948 = arith.constant 11.3137083 : f32
        %mul3A_949 = vector.broadcast %mul3A_948 : f32 to vector<16xf32>
        %mul3A_950 = arith.mulf %get3A_947, %mul3A_949 : vector<16xf32>
        %swap3A_951 = arith.constant 0 : i32
        %swap3A_952 = arith.index_cast %swap3A_951 : i32 to index
        %swap3A_953 = arith.index_cast %add3A_895 : i32 to index
        %swap3A_954 = arith.constant 48 : index
        %swap3A_955 = tpu.vector_load %arg6[%swap3A_952, %swap3A_953, %swap3A_954] {strides = array<i32>} : memref<8x100x128xf32, #tpu.memory_space<vmem>>, vector<1x1x16xf32>,
        %swap3A_956 = vector.shape_cast %swap3A_955 : vector<1x1x16xf32> to vector<16xf32>
        %swap3A_957 = vector.shape_cast %mul3A_950 : vector<16xf32> to vector<1x1x16xf32>
        tpu.vector_store %arg6[%swap3A_952, %swap3A_953, %swap3A_954], %swap3A_957 {strides = array<i32>} : memref<8x100x128xf32, #tpu.memory_space<vmem>>, vector<1x1x16xf32>,
        %get3A_958 = arith.constant 0 : i32
        %get3A_959 = arith.index_cast %get3A_958 : i32 to index
        %get3A_960 = arith.index_cast %add3A_895 : i32 to index
        %get3A_961 = arith.constant 64 : index
        %get3A_962 = tpu.vector_load %arg6[%get3A_959, %get3A_960, %get3A_961] {strides = array<i32>} : memref<8x100x128xf32, #tpu.memory_space<vmem>>, vector<1x1x16xf32>,
        %get3A_963 = vector.shape_cast %get3A_962 : vector<1x1x16xf32> to vector<16xf32>
        %mul3A_964 = arith.constant 11.3137083 : f32
        %mul3A_965 = vector.broadcast %mul3A_964 : f32 to vector<16xf32>
        %mul3A_966 = arith.mulf %get3A_963, %mul3A_965 : vector<16xf32>
        %swap3A_967 = arith.constant 0 : i32
        %swap3A_968 = arith.index_cast %swap3A_967 : i32 to index
        %swap3A_969 = arith.index_cast %add3A_895 : i32 to index
        %swap3A_970 = arith.constant 64 : index
        %swap3A_971 = tpu.vector_load %arg6[%swap3A_968, %swap3A_969, %swap3A_970] {strides = array<i32>} : memref<8x100x128xf32, #tpu.memory_space<vmem>>, vector<1x1x16xf32>,
        %swap3A_972 = vector.shape_cast %swap3A_971 : vector<1x1x16xf32> to vector<16xf32>
        %swap3A_973 = vector.shape_cast %mul3A_966 : vector<16xf32> to vector<1x1x16xf32>
        tpu.vector_store %arg6[%swap3A_968, %swap3A_969, %swap3A_970], %swap3A_973 {strides = array<i32>} : memref<8x100x128xf32, #tpu.memory_space<vmem>>, vector<1x1x16xf32>,
        %get3A_974 = arith.constant 0 : i32
        %get3A_975 = arith.index_cast %get3A_974 : i32 to index
        %get3A_976 = arith.index_cast %add3A_895 : i32 to index
        %get3A_977 = arith.constant 80 : index
        %get3A_978 = tpu.vector_load %arg6[%get3A_975, %get3A_976, %get3A_977] {strides = array<i32>} : memref<8x100x128xf32, #tpu.memory_space<vmem>>, vector<1x1x16xf32>,
        %get3A_979 = vector.shape_cast %get3A_978 : vector<1x1x16xf32> to vector<16xf32>
        %mul3A_980 = arith.constant 11.3137083 : f32
        %mul3A_981 = vector.broadcast %mul3A_980 : f32 to vector<16xf32>
        %mul3A_982 = arith.mulf %get3A_979, %mul3A_981 : vector<16xf32>
        %swap3A_983 = arith.constant 0 : i32
        %swap3A_984 = arith.index_cast %swap3A_983 : i32 to index
        %swap3A_985 = arith.index_cast %add3A_895 : i32 to index
        %swap3A_986 = arith.constant 80 : index
        %swap3A_987 = tpu.vector_load %arg6[%swap3A_984, %swap3A_985, %swap3A_986] {strides = array<i32>} : memref<8x100x128xf32, #tpu.memory_space<vmem>>, vector<1x1x16xf32>,
        %swap3A_988 = vector.shape_cast %swap3A_987 : vector<1x1x16xf32> to vector<16xf32>
        %swap3A_989 = vector.shape_cast %mul3A_982 : vector<16xf32> to vector<1x1x16xf32>
        tpu.vector_store %arg6[%swap3A_984, %swap3A_985, %swap3A_986], %swap3A_989 {strides = array<i32>} : memref<8x100x128xf32, #tpu.memory_space<vmem>>, vector<1x1x16xf32>,
        %get3A_990 = arith.constant 0 : i32
        %get3A_991 = arith.index_cast %get3A_990 : i32 to index
        %get3A_992 = arith.index_cast %add3A_895 : i32 to index
        %get3A_993 = arith.constant 96 : index
        %get3A_994 = tpu.vector_load %arg6[%get3A_991, %get3A_992, %get3A_993] {strides = array<i32>} : memref<8x100x128xf32, #tpu.memory_space<vmem>>, vector<1x1x16xf32>,
        %get3A_995 = vector.shape_cast %get3A_994 : vector<1x1x16xf32> to vector<16xf32>
        %mul3A_996 = arith.constant 11.3137083 : f32
        %mul3A_997 = vector.broadcast %mul3A_996 : f32 to vector<16xf32>
        %mul3A_998 = arith.mulf %get3A_995, %mul3A_997 : vector<16xf32>
        %swap3A_999 = arith.constant 0 : i32
        %swap3A_1000 = arith.index_cast %swap3A_999 : i32 to index
        %swap3A_1001 = arith.index_cast %add3A_895 : i32 to index
        %swap3A_1002 = arith.constant 96 : index
        %swap3A_1003 = tpu.vector_load %arg6[%swap3A_1000, %swap3A_1001, %swap3A_1002] {strides = array<i32>} : memref<8x100x128xf32, #tpu.memory_space<vmem>>, vector<1x1x16xf32>,
        %swap3A_1004 = vector.shape_cast %swap3A_1003 : vector<1x1x16xf32> to vector<16xf32>
        %swap3A_1005 = vector.shape_cast %mul3A_998 : vector<16xf32> to vector<1x1x16xf32>
        tpu.vector_store %arg6[%swap3A_1000, %swap3A_1001, %swap3A_1002], %swap3A_1005 {strides = array<i32>} : memref<8x100x128xf32, #tpu.memory_space<vmem>>, vector<1x1x16xf32>,
        %get3A_1006 = arith.constant 0 : i32
        %get3A_1007 = arith.index_cast %get3A_1006 : i32 to index
        %get3A_1008 = arith.index_cast %add3A_895 : i32 to index
        %get3A_1009 = arith.constant 112 : index
        %get3A_1010 = tpu.vector_load %arg6[%get3A_1007, %get3A_1008, %get3A_1009] {strides = array<i32>} : memref<8x100x128xf32, #tpu.memory_space<vmem>>, vector<1x1x16xf32>,
        %get3A_1011 = vector.shape_cast %get3A_1010 : vector<1x1x16xf32> to vector<16xf32>
        %mul3A_1012 = arith.constant 11.3137083 : f32
        %mul3A_1013 = vector.broadcast %mul3A_1012 : f32 to vector<16xf32>
        %mul3A_1014 = arith.mulf %get3A_1011, %mul3A_1013 : vector<16xf32>
        %swap3A_1015 = arith.constant 0 : i32
        %swap3A_1016 = arith.index_cast %swap3A_1015 : i32 to index
        %swap3A_1017 = arith.index_cast %add3A_895 : i32 to index
        %swap3A_1018 = arith.constant 112 : index
        %swap3A_1019 = tpu.vector_load %arg6[%swap3A_1016, %swap3A_1017, %swap3A_1018] {strides = array<i32>} : memref<8x100x128xf32, #tpu.memory_space<vmem>>, vector<1x1x16xf32>,
        %swap3A_1020 = vector.shape_cast %swap3A_1019 : vector<1x1x16xf32> to vector<16xf32>
        %swap3A_1021 = vector.shape_cast %mul3A_1014 : vector<16xf32> to vector<1x1x16xf32>
        tpu.vector_store %arg6[%swap3A_1016, %swap3A_1017, %swap3A_1018], %swap3A_1021 {strides = array<i32>} : memref<8x100x128xf32, #tpu.memory_space<vmem>>, vector<1x1x16xf32>,
      }
      %scan3A_363 = arith.constant 100 : i32
      %mul3A_364 = arith.constant 2 : i32
      %mul3A_365 = arith.muli %add3A_343, %mul3A_364 : i32
      %add3A_366 = arith.addi %mul3A_2, %mul3A_365 : i32
      %add3A_367 = arith.constant 0 : i32
      %add3A_368 = arith.addi %add3A_366, %add3A_367 : i32
      %dma_start3A_369 = arith.constant 0 : i32
      %dma_start3A_370 = arith.constant 0 : i32
      %dma_start3A_371 = arith.constant 0 : i32
      %dma_start3A_372 = tpu.memref_slice %arg6[%dma_start3A_369, %dma_start3A_370, %dma_start3A_371] : memref<8x100x128xf32, #tpu.memory_space<vmem>> -> memref<1x50x128xf32, #tpu.memory_space<vmem>>
      %dma_start3A_373 = tpu.memref_squeeze %dma_start3A_372 : memref<1x50x128xf32, #tpu.memory_space<vmem>> -> memref<50x128xf32, #tpu.memory_space<vmem>>
      %dma_start3A_374 = arith.constant 0 : i32
      %dma_start3A_375 = arith.constant 0 : i32
      %dma_start3A_376 = tpu.memref_slice %arg4[%add3A_368, %dma_start3A_374, %dma_start3A_375] : memref<4096x50x128xf32, #tpu.memory_space<hbm>> -> memref<1x50x128xf32, #tpu.memory_space<hbm>>
      %dma_start3A_377 = tpu.memref_squeeze %dma_start3A_376 : memref<1x50x128xf32, #tpu.memory_space<hbm>> -> memref<50x128xf32, #tpu.memory_space<hbm>>
      %dma_start3A_378 = arith.constant 0 : i32
      %dma_start3A_379 = arith.constant 0 : i32
      %dma_start3A_380 = tpu.memref_slice %arg4[%add3A_368, %dma_start3A_378, %dma_start3A_379] : memref<4096x50x128xf32, #tpu.memory_space<hbm>> -> memref<1x50x128xf32, #tpu.memory_space<hbm>>
      %dma_start3A_381 = tpu.memref_squeeze %dma_start3A_380 : memref<1x50x128xf32, #tpu.memory_space<hbm>> -> memref<50x128xf32, #tpu.memory_space<hbm>>
      %dma_start3A_382 = arith.constant 0 : i32
      %dma_start3A_383 = arith.constant 0 : i32
      %dma_start3A_384 = tpu.memref_slice %arg6[%dma_start3A_369, %dma_start3A_382, %dma_start3A_383] : memref<8x100x128xf32, #tpu.memory_space<vmem>> -> memref<1x50x128xf32, #tpu.memory_space<vmem>>
      %dma_start3A_385 = tpu.memref_squeeze %dma_start3A_384 : memref<1x50x128xf32, #tpu.memory_space<vmem>> -> memref<50x128xf32, #tpu.memory_space<vmem>>
      tpu.enqueue_dma source(%dma_start3A_385 : memref<50x128xf32, #tpu.memory_space<vmem>>) target(%dma_start3A_381 : memref<50x128xf32, #tpu.memory_space<hbm>>) target_semaphore(%arg15 : memref<!tpu.dma_semaphore, #tpu.memory_space<semaphore_mem>>)
      %mul3A_386 = arith.constant 2 : i32
      %mul3A_387 = arith.muli %add3A_343, %mul3A_386 : i32
      %add3A_388 = arith.addi %mul3A_2, %mul3A_387 : i32
      %add3A_389 = arith.constant 1 : i32
      %add3A_390 = arith.addi %add3A_388, %add3A_389 : i32
      %dma_start3A_391 = arith.constant 0 : i32
      %dma_start3A_392 = arith.constant 50 : i32
      %dma_start3A_393 = arith.constant 0 : i32
      %dma_start3A_394 = tpu.memref_slice %arg6[%dma_start3A_391, %dma_start3A_392, %dma_start3A_393] : memref<8x100x128xf32, #tpu.memory_space<vmem>> -> memref<1x50x128xf32, #tpu.memory_space<vmem>>
      %dma_start3A_395 = tpu.memref_squeeze %dma_start3A_394 : memref<1x50x128xf32, #tpu.memory_space<vmem>> -> memref<50x128xf32, #tpu.memory_space<vmem>>
      %dma_start3A_396 = arith.constant 0 : i32
      %dma_start3A_397 = arith.constant 0 : i32
      %dma_start3A_398 = tpu.memref_slice %arg4[%add3A_390, %dma_start3A_396, %dma_start3A_397] : memref<4096x50x128xf32, #tpu.memory_space<hbm>> -> memref<1x50x128xf32, #tpu.memory_space<hbm>>
      %dma_start3A_399 = tpu.memref_squeeze %dma_start3A_398 : memref<1x50x128xf32, #tpu.memory_space<hbm>> -> memref<50x128xf32, #tpu.memory_space<hbm>>
      %dma_start3A_400 = arith.constant 0 : i32
      %dma_start3A_401 = arith.constant 0 : i32
      %dma_start3A_402 = tpu.memref_slice %arg4[%add3A_390, %dma_start3A_400, %dma_start3A_401] : memref<4096x50x128xf32, #tpu.memory_space<hbm>> -> memref<1x50x128xf32, #tpu.memory_space<hbm>>
      %dma_start3A_403 = tpu.memref_squeeze %dma_start3A_402 : memref<1x50x128xf32, #tpu.memory_space<hbm>> -> memref<50x128xf32, #tpu.memory_space<hbm>>
      %dma_start3A_404 = arith.constant 50 : i32
      %dma_start3A_405 = arith.constant 0 : i32
      %dma_start3A_406 = tpu.memref_slice %arg6[%dma_start3A_391, %dma_start3A_404, %dma_start3A_405] : memref<8x100x128xf32, #tpu.memory_space<vmem>> -> memref<1x50x128xf32, #tpu.memory_space<vmem>>
      %dma_start3A_407 = tpu.memref_squeeze %dma_start3A_406 : memref<1x50x128xf32, #tpu.memory_space<vmem>> -> memref<50x128xf32, #tpu.memory_space<vmem>>
      tpu.enqueue_dma source(%dma_start3A_407 : memref<50x128xf32, #tpu.memory_space<vmem>>) target(%dma_start3A_403 : memref<50x128xf32, #tpu.memory_space<hbm>>) target_semaphore(%arg15 : memref<!tpu.dma_semaphore, #tpu.memory_space<semaphore_mem>>)
      %add3A_408 = arith.constant 1 : i32
      %add3A_409 = arith.addi %add3A_341, %add3A_408 : i32
      %add3A_410 = arith.constant 5 : i32
      %add3A_411 = arith.addi %add3A_409, %add3A_410 : i32
      %lt3A_412 = arith.constant 64 : i32
      %lt3A_413 = arith.cmpi slt, %add3A_411, %lt3A_412 : i32
      %convert_element_type3A_414 = arith.extui %lt3A_413 : i1 to i32
      %cond3A_415 = arith.constant 0 : i32
      %cond3A_416 = arith.cmpi ne, %convert_element_type3A_414, %cond3A_415 : i32
      scf.if %cond3A_416 {
        %ge3A = arith.constant 3 : i32
        %ge3A_891 = arith.cmpi sge, %add3A_409, %ge3A : i32
        %convert_element_type3A_892 = arith.extui %ge3A_891 : i1 to i32
        %cond3A_893 = arith.constant 0 : i32
        %cond3A_894 = arith.cmpi ne, %convert_element_type3A_892, %cond3A_893 : i32
        scf.if %cond3A_894 {
          %dma_wait3A_908 = arith.constant 6 : i32
          %dma_wait3A_909 = arith.constant 0 : i32
          %dma_wait3A_910 = arith.constant 0 : i32
          %dma_wait3A_911 = tpu.memref_slice %arg6[%dma_wait3A_908, %dma_wait3A_909, %dma_wait3A_910] : memref<8x100x128xf32, #tpu.memory_space<vmem>> -> memref<1x50x128xf32, #tpu.memory_space<vmem>>
          %dma_wait3A_912 = tpu.memref_squeeze %dma_wait3A_911 : memref<1x50x128xf32, #tpu.memory_space<vmem>> -> memref<50x128xf32, #tpu.memory_space<vmem>>
          %dma_wait3A_913 = arith.constant 0 : i32
          %dma_wait3A_914 = arith.constant 0 : i32
          %dma_wait3A_915 = tpu.memref_slice %arg4[%mul3A_2, %dma_wait3A_913, %dma_wait3A_914] : memref<4096x50x128xf32, #tpu.memory_space<hbm>> -> memref<1x50x128xf32, #tpu.memory_space<hbm>>
          %dma_wait3A_916 = tpu.memref_squeeze %dma_wait3A_915 : memref<1x50x128xf32, #tpu.memory_space<hbm>> -> memref<50x128xf32, #tpu.memory_space<hbm>>
          %dma_wait3A_917 = arith.constant 0 : i32
          %dma_wait3A_918 = arith.constant 0 : i32
          %dma_wait3A_919 = tpu.memref_slice %arg4[%mul3A_2, %dma_wait3A_917, %dma_wait3A_918] : memref<4096x50x128xf32, #tpu.memory_space<hbm>> -> memref<1x50x128xf32, #tpu.memory_space<hbm>>
          %dma_wait3A_920 = tpu.memref_squeeze %dma_wait3A_919 : memref<1x50x128xf32, #tpu.memory_space<hbm>> -> memref<50x128xf32, #tpu.memory_space<hbm>>
          %dma_wait3A_921 = arith.constant 0 : i32
          %dma_wait3A_922 = arith.constant 0 : i32
          %dma_wait3A_923 = tpu.memref_slice %arg6[%dma_wait3A_908, %dma_wait3A_921, %dma_wait3A_922] : memref<8x100x128xf32, #tpu.memory_space<vmem>> -> memref<1x50x128xf32, #tpu.memory_space<vmem>>
          %dma_wait3A_924 = tpu.memref_squeeze %dma_wait3A_923 : memref<1x50x128xf32, #tpu.memory_space<vmem>> -> memref<50x128xf32, #tpu.memory_space<vmem>>
          tpu.wait_dma2 semaphore(%arg21 : memref<!tpu.dma_semaphore, #tpu.memory_space<semaphore_mem>>) src(%dma_wait3A_924 : memref<50x128xf32, #tpu.memory_space<vmem>>) dst(%dma_wait3A_920 : memref<50x128xf32, #tpu.memory_space<hbm>>)
          %dma_wait3A_925 = arith.constant 6 : i32
          %dma_wait3A_926 = arith.constant 50 : i32
          %dma_wait3A_927 = arith.constant 0 : i32
          %dma_wait3A_928 = tpu.memref_slice %arg6[%dma_wait3A_925, %dma_wait3A_926, %dma_wait3A_927] : memref<8x100x128xf32, #tpu.memory_space<vmem>> -> memref<1x50x128xf32, #tpu.memory_space<vmem>>
          %dma_wait3A_929 = tpu.memref_squeeze %dma_wait3A_928 : memref<1x50x128xf32, #tpu.memory_space<vmem>> -> memref<50x128xf32, #tpu.memory_space<vmem>>
          %dma_wait3A_930 = arith.constant 0 : i32
          %dma_wait3A_931 = arith.constant 0 : i32
          %dma_wait3A_932 = tpu.memref_slice %arg4[%mul3A_2, %dma_wait3A_930, %dma_wait3A_931] : memref<4096x50x128xf32, #tpu.memory_space<hbm>> -> memref<1x50x128xf32, #tpu.memory_space<hbm>>
          %dma_wait3A_933 = tpu.memref_squeeze %dma_wait3A_932 : memref<1x50x128xf32, #tpu.memory_space<hbm>> -> memref<50x128xf32, #tpu.memory_space<hbm>>
          %dma_wait3A_934 = arith.constant 0 : i32
          %dma_wait3A_935 = arith.constant 0 : i32
          %dma_wait3A_936 = tpu.memref_slice %arg4[%mul3A_2, %dma_wait3A_934, %dma_wait3A_935] : memref<4096x50x128xf32, #tpu.memory_space<hbm>> -> memref<1x50x128xf32, #tpu.memory_space<hbm>>
          %dma_wait3A_937 = tpu.memref_squeeze %dma_wait3A_936 : memref<1x50x128xf32, #tpu.memory_space<hbm>> -> memref<50x128xf32, #tpu.memory_space<hbm>>
          %dma_wait3A_938 = arith.constant 50 : i32
          %dma_wait3A_939 = arith.constant 0 : i32
          %dma_wait3A_940 = tpu.memref_slice %arg6[%dma_wait3A_925, %dma_wait3A_938, %dma_wait3A_939] : memref<8x100x128xf32, #tpu.memory_space<vmem>> -> memref<1x50x128xf32, #tpu.memory_space<vmem>>
          %dma_wait3A_941 = tpu.memref_squeeze %dma_wait3A_940 : memref<1x50x128xf32, #tpu.memory_space<vmem>> -> memref<50x128xf32, #tpu.memory_space<vmem>>
          tpu.wait_dma2 semaphore(%arg21 : memref<!tpu.dma_semaphore, #tpu.memory_space<semaphore_mem>>) src(%dma_wait3A_941 : memref<50x128xf32, #tpu.memory_space<vmem>>) dst(%dma_wait3A_937 : memref<50x128xf32, #tpu.memory_space<hbm>>)
        } else {
        }
        %add3A_895 = arith.constant 5 : i32
        %add3A_896 = arith.addi %add3A_409, %add3A_895 : i32
        %dma_start3A_897 = arith.constant 6 : i32
        %dma_start3A_898 = arith.constant 0 : i32
        %dma_start3A_899 = arith.constant 0 : i32
        %dma_start3A_900 = tpu.memref_slice %arg6[%dma_start3A_897, %dma_start3A_898, %dma_start3A_899] : memref<8x100x128xf32, #tpu.memory_space<vmem>> -> memref<1x100x128xf32, #tpu.memory_space<vmem>>
        %dma_start3A_901 = tpu.memref_squeeze %dma_start3A_900 : memref<1x100x128xf32, #tpu.memory_space<vmem>> -> memref<100x128xf32, #tpu.memory_space<vmem>>
        %dma_start3A_902 = arith.constant 0 : i32
        %dma_start3A_903 = tpu.memref_slice %arg5[%add3A_896, %dma_start3A_902] : memref<64x100xi32, #tpu.memory_space<vmem>> -> memref<1x100xi32, #tpu.memory_space<vmem>>
        %dma_start3A_904 = tpu.memref_squeeze %dma_start3A_903 : memref<1x100xi32, #tpu.memory_space<vmem>> -> memref<100xi32, #tpu.memory_space<vmem>>
        %dma_start3A_905 = arith.constant 0 : i32
        %dma_start3A_906 = arith.constant 0 : i32
        %dma_start3A_907 = tpu.memref_slice %arg2[%dma_start3A_905, %dma_start3A_906] : memref<100000x128xf32, #tpu.memory_space<hbm>> -> memref<100000x128xf32, #tpu.memory_space<hbm>>
        tpu.enqueue_indirect_dma source(%dma_start3A_907 : memref<100000x128xf32, #tpu.memory_space<hbm>>) target(%dma_start3A_901 : memref<100x128xf32, #tpu.memory_space<vmem>>) offsets(%dma_start3A_904 : memref<100xi32, #tpu.memory_space<vmem>>) semaphore(%arg13 : memref<!tpu.dma_semaphore, #tpu.memory_space<semaphore_mem>>)
      } else {
      }
      %dma_wait3A_417 = arith.constant 1 : i32
      %dma_wait3A_418 = arith.constant 0 : i32
      %dma_wait3A_419 = arith.constant 0 : i32
      %dma_wait3A_420 = tpu.memref_slice %arg6[%dma_wait3A_417, %dma_wait3A_418, %dma_wait3A_419] : memref<8x100x128xf32, #tpu.memory_space<vmem>> -> memref<1x100x128xf32, #tpu.memory_space<vmem>>
      %dma_wait3A_421 = tpu.memref_squeeze %dma_wait3A_420 : memref<1x100x128xf32, #tpu.memory_space<vmem>> -> memref<100x128xf32, #tpu.memory_space<vmem>>
      %dma_wait3A_422 = arith.constant 0 : i32
      %dma_wait3A_423 = tpu.memref_slice %arg5[%add3A_409, %dma_wait3A_422] : memref<64x100xi32, #tpu.memory_space<vmem>> -> memref<1x100xi32, #tpu.memory_space<vmem>>
      %dma_wait3A_424 = tpu.memref_squeeze %dma_wait3A_423 : memref<1x100xi32, #tpu.memory_space<vmem>> -> memref<100xi32, #tpu.memory_space<vmem>>
      %dma_wait3A_425 = arith.constant 0 : i32
      %dma_wait3A_426 = arith.constant 0 : i32
      %dma_wait3A_427 = tpu.memref_slice %arg2[%dma_wait3A_425, %dma_wait3A_426] : memref<100000x128xf32, #tpu.memory_space<hbm>> -> memref<100000x128xf32, #tpu.memory_space<hbm>>
      tpu.wait_indirect_dma semaphore(%arg8 : memref<!tpu.dma_semaphore, #tpu.memory_space<semaphore_mem>>) src(%dma_wait3A_427 : memref<100000x128xf32, #tpu.memory_space<hbm>>) dst(%dma_wait3A_421 : memref<100x128xf32, #tpu.memory_space<vmem>>)
      %scan3A_428 = arith.constant 0 : i32
      %scan3A_429 = arith.constant 100 : i32
      %scan3A_430 = arith.addi %scan3A_428, %scan3A_429 : i32
      %scan3A_431 = arith.constant 1 : i32
      scf.for %scan3A_891 = %scan3A_428 to %scan3A_430 step %scan3A_431  : i32 {
        %mul3A_892 = arith.constant 1 : i32
        %mul3A_893 = arith.muli %scan3A_891, %mul3A_892 : i32
        %add3A_894 = arith.constant 0 : i32
        %add3A_895 = arith.addi %add3A_894, %mul3A_893 : i32
        %get3A = arith.constant 1 : i32
        %get3A_896 = arith.index_cast %get3A : i32 to index
        %get3A_897 = arith.index_cast %add3A_895 : i32 to index
        %get3A_898 = arith.constant 0 : index
        %get3A_899 = tpu.vector_load %arg6[%get3A_896, %get3A_897, %get3A_898] {strides = array<i32>} : memref<8x100x128xf32, #tpu.memory_space<vmem>>, vector<1x1x16xf32>,
        %get3A_900 = vector.shape_cast %get3A_899 : vector<1x1x16xf32> to vector<16xf32>
        %mul3A_901 = arith.constant 11.3137083 : f32
        %mul3A_902 = vector.broadcast %mul3A_901 : f32 to vector<16xf32>
        %mul3A_903 = arith.mulf %get3A_900, %mul3A_902 : vector<16xf32>
        %swap3A = arith.constant 1 : i32
        %swap3A_904 = arith.index_cast %swap3A : i32 to index
        %swap3A_905 = arith.index_cast %add3A_895 : i32 to index
        %swap3A_906 = arith.constant 0 : index
        %swap3A_907 = tpu.vector_load %arg6[%swap3A_904, %swap3A_905, %swap3A_906] {strides = array<i32>} : memref<8x100x128xf32, #tpu.memory_space<vmem>>, vector<1x1x16xf32>,
        %swap3A_908 = vector.shape_cast %swap3A_907 : vector<1x1x16xf32> to vector<16xf32>
        %swap3A_909 = vector.shape_cast %mul3A_903 : vector<16xf32> to vector<1x1x16xf32>
        tpu.vector_store %arg6[%swap3A_904, %swap3A_905, %swap3A_906], %swap3A_909 {strides = array<i32>} : memref<8x100x128xf32, #tpu.memory_space<vmem>>, vector<1x1x16xf32>,
        %get3A_910 = arith.constant 1 : i32
        %get3A_911 = arith.index_cast %get3A_910 : i32 to index
        %get3A_912 = arith.index_cast %add3A_895 : i32 to index
        %get3A_913 = arith.constant 16 : index
        %get3A_914 = tpu.vector_load %arg6[%get3A_911, %get3A_912, %get3A_913] {strides = array<i32>} : memref<8x100x128xf32, #tpu.memory_space<vmem>>, vector<1x1x16xf32>,
        %get3A_915 = vector.shape_cast %get3A_914 : vector<1x1x16xf32> to vector<16xf32>
        %mul3A_916 = arith.constant 11.3137083 : f32
        %mul3A_917 = vector.broadcast %mul3A_916 : f32 to vector<16xf32>
        %mul3A_918 = arith.mulf %get3A_915, %mul3A_917 : vector<16xf32>
        %swap3A_919 = arith.constant 1 : i32
        %swap3A_920 = arith.index_cast %swap3A_919 : i32 to index
        %swap3A_921 = arith.index_cast %add3A_895 : i32 to index
        %swap3A_922 = arith.constant 16 : index
        %swap3A_923 = tpu.vector_load %arg6[%swap3A_920, %swap3A_921, %swap3A_922] {strides = array<i32>} : memref<8x100x128xf32, #tpu.memory_space<vmem>>, vector<1x1x16xf32>,
        %swap3A_924 = vector.shape_cast %swap3A_923 : vector<1x1x16xf32> to vector<16xf32>
        %swap3A_925 = vector.shape_cast %mul3A_918 : vector<16xf32> to vector<1x1x16xf32>
        tpu.vector_store %arg6[%swap3A_920, %swap3A_921, %swap3A_922], %swap3A_925 {strides = array<i32>} : memref<8x100x128xf32, #tpu.memory_space<vmem>>, vector<1x1x16xf32>,
        %get3A_926 = arith.constant 1 : i32
        %get3A_927 = arith.index_cast %get3A_926 : i32 to index
        %get3A_928 = arith.index_cast %add3A_895 : i32 to index
        %get3A_929 = arith.constant 32 : index
        %get3A_930 = tpu.vector_load %arg6[%get3A_927, %get3A_928, %get3A_929] {strides = array<i32>} : memref<8x100x128xf32, #tpu.memory_space<vmem>>, vector<1x1x16xf32>,
        %get3A_931 = vector.shape_cast %get3A_930 : vector<1x1x16xf32> to vector<16xf32>
        %mul3A_932 = arith.constant 11.3137083 : f32
        %mul3A_933 = vector.broadcast %mul3A_932 : f32 to vector<16xf32>
        %mul3A_934 = arith.mulf %get3A_931, %mul3A_933 : vector<16xf32>
        %swap3A_935 = arith.constant 1 : i32
        %swap3A_936 = arith.index_cast %swap3A_935 : i32 to index
        %swap3A_937 = arith.index_cast %add3A_895 : i32 to index
        %swap3A_938 = arith.constant 32 : index
        %swap3A_939 = tpu.vector_load %arg6[%swap3A_936, %swap3A_937, %swap3A_938] {strides = array<i32>} : memref<8x100x128xf32, #tpu.memory_space<vmem>>, vector<1x1x16xf32>,
        %swap3A_940 = vector.shape_cast %swap3A_939 : vector<1x1x16xf32> to vector<16xf32>
        %swap3A_941 = vector.shape_cast %mul3A_934 : vector<16xf32> to vector<1x1x16xf32>
        tpu.vector_store %arg6[%swap3A_936, %swap3A_937, %swap3A_938], %swap3A_941 {strides = array<i32>} : memref<8x100x128xf32, #tpu.memory_space<vmem>>, vector<1x1x16xf32>,
        %get3A_942 = arith.constant 1 : i32
        %get3A_943 = arith.index_cast %get3A_942 : i32 to index
        %get3A_944 = arith.index_cast %add3A_895 : i32 to index
        %get3A_945 = arith.constant 48 : index
        %get3A_946 = tpu.vector_load %arg6[%get3A_943, %get3A_944, %get3A_945] {strides = array<i32>} : memref<8x100x128xf32, #tpu.memory_space<vmem>>, vector<1x1x16xf32>,
        %get3A_947 = vector.shape_cast %get3A_946 : vector<1x1x16xf32> to vector<16xf32>
        %mul3A_948 = arith.constant 11.3137083 : f32
        %mul3A_949 = vector.broadcast %mul3A_948 : f32 to vector<16xf32>
        %mul3A_950 = arith.mulf %get3A_947, %mul3A_949 : vector<16xf32>
        %swap3A_951 = arith.constant 1 : i32
        %swap3A_952 = arith.index_cast %swap3A_951 : i32 to index
        %swap3A_953 = arith.index_cast %add3A_895 : i32 to index
        %swap3A_954 = arith.constant 48 : index
        %swap3A_955 = tpu.vector_load %arg6[%swap3A_952, %swap3A_953, %swap3A_954] {strides = array<i32>} : memref<8x100x128xf32, #tpu.memory_space<vmem>>, vector<1x1x16xf32>,
        %swap3A_956 = vector.shape_cast %swap3A_955 : vector<1x1x16xf32> to vector<16xf32>
        %swap3A_957 = vector.shape_cast %mul3A_950 : vector<16xf32> to vector<1x1x16xf32>
        tpu.vector_store %arg6[%swap3A_952, %swap3A_953, %swap3A_954], %swap3A_957 {strides = array<i32>} : memref<8x100x128xf32, #tpu.memory_space<vmem>>, vector<1x1x16xf32>,
        %get3A_958 = arith.constant 1 : i32
        %get3A_959 = arith.index_cast %get3A_958 : i32 to index
        %get3A_960 = arith.index_cast %add3A_895 : i32 to index
        %get3A_961 = arith.constant 64 : index
        %get3A_962 = tpu.vector_load %arg6[%get3A_959, %get3A_960, %get3A_961] {strides = array<i32>} : memref<8x100x128xf32, #tpu.memory_space<vmem>>, vector<1x1x16xf32>,
        %get3A_963 = vector.shape_cast %get3A_962 : vector<1x1x16xf32> to vector<16xf32>
        %mul3A_964 = arith.constant 11.3137083 : f32
        %mul3A_965 = vector.broadcast %mul3A_964 : f32 to vector<16xf32>
        %mul3A_966 = arith.mulf %get3A_963, %mul3A_965 : vector<16xf32>
        %swap3A_967 = arith.constant 1 : i32
        %swap3A_968 = arith.index_cast %swap3A_967 : i32 to index
        %swap3A_969 = arith.index_cast %add3A_895 : i32 to index
        %swap3A_970 = arith.constant 64 : index
        %swap3A_971 = tpu.vector_load %arg6[%swap3A_968, %swap3A_969, %swap3A_970] {strides = array<i32>} : memref<8x100x128xf32, #tpu.memory_space<vmem>>, vector<1x1x16xf32>,
        %swap3A_972 = vector.shape_cast %swap3A_971 : vector<1x1x16xf32> to vector<16xf32>
        %swap3A_973 = vector.shape_cast %mul3A_966 : vector<16xf32> to vector<1x1x16xf32>
        tpu.vector_store %arg6[%swap3A_968, %swap3A_969, %swap3A_970], %swap3A_973 {strides = array<i32>} : memref<8x100x128xf32, #tpu.memory_space<vmem>>, vector<1x1x16xf32>,
        %get3A_974 = arith.constant 1 : i32
        %get3A_975 = arith.index_cast %get3A_974 : i32 to index
        %get3A_976 = arith.index_cast %add3A_895 : i32 to index
        %get3A_977 = arith.constant 80 : index
        %get3A_978 = tpu.vector_load %arg6[%get3A_975, %get3A_976, %get3A_977] {strides = array<i32>} : memref<8x100x128xf32, #tpu.memory_space<vmem>>, vector<1x1x16xf32>,
        %get3A_979 = vector.shape_cast %get3A_978 : vector<1x1x16xf32> to vector<16xf32>
        %mul3A_980 = arith.constant 11.3137083 : f32
        %mul3A_981 = vector.broadcast %mul3A_980 : f32 to vector<16xf32>
        %mul3A_982 = arith.mulf %get3A_979, %mul3A_981 : vector<16xf32>
        %swap3A_983 = arith.constant 1 : i32
        %swap3A_984 = arith.index_cast %swap3A_983 : i32 to index
        %swap3A_985 = arith.index_cast %add3A_895 : i32 to index
        %swap3A_986 = arith.constant 80 : index
        %swap3A_987 = tpu.vector_load %arg6[%swap3A_984, %swap3A_985, %swap3A_986] {strides = array<i32>} : memref<8x100x128xf32, #tpu.memory_space<vmem>>, vector<1x1x16xf32>,
        %swap3A_988 = vector.shape_cast %swap3A_987 : vector<1x1x16xf32> to vector<16xf32>
        %swap3A_989 = vector.shape_cast %mul3A_982 : vector<16xf32> to vector<1x1x16xf32>
        tpu.vector_store %arg6[%swap3A_984, %swap3A_985, %swap3A_986], %swap3A_989 {strides = array<i32>} : memref<8x100x128xf32, #tpu.memory_space<vmem>>, vector<1x1x16xf32>,
        %get3A_990 = arith.constant 1 : i32
        %get3A_991 = arith.index_cast %get3A_990 : i32 to index
        %get3A_992 = arith.index_cast %add3A_895 : i32 to index
        %get3A_993 = arith.constant 96 : index
        %get3A_994 = tpu.vector_load %arg6[%get3A_991, %get3A_992, %get3A_993] {strides = array<i32>} : memref<8x100x128xf32, #tpu.memory_space<vmem>>, vector<1x1x16xf32>,
        %get3A_995 = vector.shape_cast %get3A_994 : vector<1x1x16xf32> to vector<16xf32>
        %mul3A_996 = arith.constant 11.3137083 : f32
        %mul3A_997 = vector.broadcast %mul3A_996 : f32 to vector<16xf32>
        %mul3A_998 = arith.mulf %get3A_995, %mul3A_997 : vector<16xf32>
        %swap3A_999 = arith.constant 1 : i32
        %swap3A_1000 = arith.index_cast %swap3A_999 : i32 to index
        %swap3A_1001 = arith.index_cast %add3A_895 : i32 to index
        %swap3A_1002 = arith.constant 96 : index
        %swap3A_1003 = tpu.vector_load %arg6[%swap3A_1000, %swap3A_1001, %swap3A_1002] {strides = array<i32>} : memref<8x100x128xf32, #tpu.memory_space<vmem>>, vector<1x1x16xf32>,
        %swap3A_1004 = vector.shape_cast %swap3A_1003 : vector<1x1x16xf32> to vector<16xf32>
        %swap3A_1005 = vector.shape_cast %mul3A_998 : vector<16xf32> to vector<1x1x16xf32>
        tpu.vector_store %arg6[%swap3A_1000, %swap3A_1001, %swap3A_1002], %swap3A_1005 {strides = array<i32>} : memref<8x100x128xf32, #tpu.memory_space<vmem>>, vector<1x1x16xf32>,
        %get3A_1006 = arith.constant 1 : i32
        %get3A_1007 = arith.index_cast %get3A_1006 : i32 to index
        %get3A_1008 = arith.index_cast %add3A_895 : i32 to index
        %get3A_1009 = arith.constant 112 : index
        %get3A_1010 = tpu.vector_load %arg6[%get3A_1007, %get3A_1008, %get3A_1009] {strides = array<i32>} : memref<8x100x128xf32, #tpu.memory_space<vmem>>, vector<1x1x16xf32>,
        %get3A_1011 = vector.shape_cast %get3A_1010 : vector<1x1x16xf32> to vector<16xf32>
        %mul3A_1012 = arith.constant 11.3137083 : f32
        %mul3A_1013 = vector.broadcast %mul3A_1012 : f32 to vector<16xf32>
        %mul3A_1014 = arith.mulf %get3A_1011, %mul3A_1013 : vector<16xf32>
        %swap3A_1015 = arith.constant 1 : i32
        %swap3A_1016 = arith.index_cast %swap3A_1015 : i32 to index
        %swap3A_1017 = arith.index_cast %add3A_895 : i32 to index
        %swap3A_1018 = arith.constant 112 : index
        %swap3A_1019 = tpu.vector_load %arg6[%swap3A_1016, %swap3A_1017, %swap3A_1018] {strides = array<i32>} : memref<8x100x128xf32, #tpu.memory_space<vmem>>, vector<1x1x16xf32>,
        %swap3A_1020 = vector.shape_cast %swap3A_1019 : vector<1x1x16xf32> to vector<16xf32>
        %swap3A_1021 = vector.shape_cast %mul3A_1014 : vector<16xf32> to vector<1x1x16xf32>
        tpu.vector_store %arg6[%swap3A_1016, %swap3A_1017, %swap3A_1018], %swap3A_1021 {strides = array<i32>} : memref<8x100x128xf32, #tpu.memory_space<vmem>>, vector<1x1x16xf32>,
      }
      %scan3A_432 = arith.constant 100 : i32
      %mul3A_433 = arith.constant 2 : i32
      %mul3A_434 = arith.muli %add3A_409, %mul3A_433 : i32
      %add3A_435 = arith.addi %mul3A_2, %mul3A_434 : i32
      %add3A_436 = arith.constant 0 : i32
      %add3A_437 = arith.addi %add3A_435, %add3A_436 : i32
      %dma_start3A_438 = arith.constant 1 : i32
      %dma_start3A_439 = arith.constant 0 : i32
      %dma_start3A_440 = arith.constant 0 : i32
      %dma_start3A_441 = tpu.memref_slice %arg6[%dma_start3A_438, %dma_start3A_439, %dma_start3A_440] : memref<8x100x128xf32, #tpu.memory_space<vmem>> -> memref<1x50x128xf32, #tpu.memory_space<vmem>>
      %dma_start3A_442 = tpu.memref_squeeze %dma_start3A_441 : memref<1x50x128xf32, #tpu.memory_space<vmem>> -> memref<50x128xf32, #tpu.memory_space<vmem>>
      %dma_start3A_443 = arith.constant 0 : i32
      %dma_start3A_444 = arith.constant 0 : i32
      %dma_start3A_445 = tpu.memref_slice %arg4[%add3A_437, %dma_start3A_443, %dma_start3A_444] : memref<4096x50x128xf32, #tpu.memory_space<hbm>> -> memref<1x50x128xf32, #tpu.memory_space<hbm>>
      %dma_start3A_446 = tpu.memref_squeeze %dma_start3A_445 : memref<1x50x128xf32, #tpu.memory_space<hbm>> -> memref<50x128xf32, #tpu.memory_space<hbm>>
      %dma_start3A_447 = arith.constant 0 : i32
      %dma_start3A_448 = arith.constant 0 : i32
      %dma_start3A_449 = tpu.memref_slice %arg4[%add3A_437, %dma_start3A_447, %dma_start3A_448] : memref<4096x50x128xf32, #tpu.memory_space<hbm>> -> memref<1x50x128xf32, #tpu.memory_space<hbm>>
      %dma_start3A_450 = tpu.memref_squeeze %dma_start3A_449 : memref<1x50x128xf32, #tpu.memory_space<hbm>> -> memref<50x128xf32, #tpu.memory_space<hbm>>
      %dma_start3A_451 = arith.constant 0 : i32
      %dma_start3A_452 = arith.constant 0 : i32
      %dma_start3A_453 = tpu.memref_slice %arg6[%dma_start3A_438, %dma_start3A_451, %dma_start3A_452] : memref<8x100x128xf32, #tpu.memory_space<vmem>> -> memref<1x50x128xf32, #tpu.memory_space<vmem>>
      %dma_start3A_454 = tpu.memref_squeeze %dma_start3A_453 : memref<1x50x128xf32, #tpu.memory_space<vmem>> -> memref<50x128xf32, #tpu.memory_space<vmem>>
      tpu.enqueue_dma source(%dma_start3A_454 : memref<50x128xf32, #tpu.memory_space<vmem>>) target(%dma_start3A_450 : memref<50x128xf32, #tpu.memory_space<hbm>>) target_semaphore(%arg16 : memref<!tpu.dma_semaphore, #tpu.memory_space<semaphore_mem>>)
      %mul3A_455 = arith.constant 2 : i32
      %mul3A_456 = arith.muli %add3A_409, %mul3A_455 : i32
      %add3A_457 = arith.addi %mul3A_2, %mul3A_456 : i32
      %add3A_458 = arith.constant 1 : i32
      %add3A_459 = arith.addi %add3A_457, %add3A_458 : i32
      %dma_start3A_460 = arith.constant 1 : i32
      %dma_start3A_461 = arith.constant 50 : i32
      %dma_start3A_462 = arith.constant 0 : i32
      %dma_start3A_463 = tpu.memref_slice %arg6[%dma_start3A_460, %dma_start3A_461, %dma_start3A_462] : memref<8x100x128xf32, #tpu.memory_space<vmem>> -> memref<1x50x128xf32, #tpu.memory_space<vmem>>
      %dma_start3A_464 = tpu.memref_squeeze %dma_start3A_463 : memref<1x50x128xf32, #tpu.memory_space<vmem>> -> memref<50x128xf32, #tpu.memory_space<vmem>>
      %dma_start3A_465 = arith.constant 0 : i32
      %dma_start3A_466 = arith.constant 0 : i32
      %dma_start3A_467 = tpu.memref_slice %arg4[%add3A_459, %dma_start3A_465, %dma_start3A_466] : memref<4096x50x128xf32, #tpu.memory_space<hbm>> -> memref<1x50x128xf32, #tpu.memory_space<hbm>>
      %dma_start3A_468 = tpu.memref_squeeze %dma_start3A_467 : memref<1x50x128xf32, #tpu.memory_space<hbm>> -> memref<50x128xf32, #tpu.memory_space<hbm>>
      %dma_start3A_469 = arith.constant 0 : i32
      %dma_start3A_470 = arith.constant 0 : i32
      %dma_start3A_471 = tpu.memref_slice %arg4[%add3A_459, %dma_start3A_469, %dma_start3A_470] : memref<4096x50x128xf32, #tpu.memory_space<hbm>> -> memref<1x50x128xf32, #tpu.memory_space<hbm>>
      %dma_start3A_472 = tpu.memref_squeeze %dma_start3A_471 : memref<1x50x128xf32, #tpu.memory_space<hbm>> -> memref<50x128xf32, #tpu.memory_space<hbm>>
      %dma_start3A_473 = arith.constant 50 : i32
      %dma_start3A_474 = arith.constant 0 : i32
      %dma_start3A_475 = tpu.memref_slice %arg6[%dma_start3A_460, %dma_start3A_473, %dma_start3A_474] : memref<8x100x128xf32, #tpu.memory_space<vmem>> -> memref<1x50x128xf32, #tpu.memory_space<vmem>>
      %dma_start3A_476 = tpu.memref_squeeze %dma_start3A_475 : memref<1x50x128xf32, #tpu.memory_space<vmem>> -> memref<50x128xf32, #tpu.memory_space<vmem>>
      tpu.enqueue_dma source(%dma_start3A_476 : memref<50x128xf32, #tpu.memory_space<vmem>>) target(%dma_start3A_472 : memref<50x128xf32, #tpu.memory_space<hbm>>) target_semaphore(%arg16 : memref<!tpu.dma_semaphore, #tpu.memory_space<semaphore_mem>>)
      %add3A_477 = arith.constant 2 : i32
      %add3A_478 = arith.addi %add3A_341, %add3A_477 : i32
      %add3A_479 = arith.constant 5 : i32
      %add3A_480 = arith.addi %add3A_478, %add3A_479 : i32
      %lt3A_481 = arith.constant 64 : i32
      %lt3A_482 = arith.cmpi slt, %add3A_480, %lt3A_481 : i32
      %convert_element_type3A_483 = arith.extui %lt3A_482 : i1 to i32
      %cond3A_484 = arith.constant 0 : i32
      %cond3A_485 = arith.cmpi ne, %convert_element_type3A_483, %cond3A_484 : i32
      scf.if %cond3A_485 {
        %ge3A = arith.constant 3 : i32
        %ge3A_891 = arith.cmpi sge, %add3A_478, %ge3A : i32
        %convert_element_type3A_892 = arith.extui %ge3A_891 : i1 to i32
        %cond3A_893 = arith.constant 0 : i32
        %cond3A_894 = arith.cmpi ne, %convert_element_type3A_892, %cond3A_893 : i32
        scf.if %cond3A_894 {
          %dma_wait3A_908 = arith.constant 7 : i32
          %dma_wait3A_909 = arith.constant 0 : i32
          %dma_wait3A_910 = arith.constant 0 : i32
          %dma_wait3A_911 = tpu.memref_slice %arg6[%dma_wait3A_908, %dma_wait3A_909, %dma_wait3A_910] : memref<8x100x128xf32, #tpu.memory_space<vmem>> -> memref<1x50x128xf32, #tpu.memory_space<vmem>>
          %dma_wait3A_912 = tpu.memref_squeeze %dma_wait3A_911 : memref<1x50x128xf32, #tpu.memory_space<vmem>> -> memref<50x128xf32, #tpu.memory_space<vmem>>
          %dma_wait3A_913 = arith.constant 0 : i32
          %dma_wait3A_914 = arith.constant 0 : i32
          %dma_wait3A_915 = tpu.memref_slice %arg4[%mul3A_2, %dma_wait3A_913, %dma_wait3A_914] : memref<4096x50x128xf32, #tpu.memory_space<hbm>> -> memref<1x50x128xf32, #tpu.memory_space<hbm>>
          %dma_wait3A_916 = tpu.memref_squeeze %dma_wait3A_915 : memref<1x50x128xf32, #tpu.memory_space<hbm>> -> memref<50x128xf32, #tpu.memory_space<hbm>>
          %dma_wait3A_917 = arith.constant 0 : i32
          %dma_wait3A_918 = arith.constant 0 : i32
          %dma_wait3A_919 = tpu.memref_slice %arg4[%mul3A_2, %dma_wait3A_917, %dma_wait3A_918] : memref<4096x50x128xf32, #tpu.memory_space<hbm>> -> memref<1x50x128xf32, #tpu.memory_space<hbm>>
          %dma_wait3A_920 = tpu.memref_squeeze %dma_wait3A_919 : memref<1x50x128xf32, #tpu.memory_space<hbm>> -> memref<50x128xf32, #tpu.memory_space<hbm>>
          %dma_wait3A_921 = arith.constant 0 : i32
          %dma_wait3A_922 = arith.constant 0 : i32
          %dma_wait3A_923 = tpu.memref_slice %arg6[%dma_wait3A_908, %dma_wait3A_921, %dma_wait3A_922] : memref<8x100x128xf32, #tpu.memory_space<vmem>> -> memref<1x50x128xf32, #tpu.memory_space<vmem>>
          %dma_wait3A_924 = tpu.memref_squeeze %dma_wait3A_923 : memref<1x50x128xf32, #tpu.memory_space<vmem>> -> memref<50x128xf32, #tpu.memory_space<vmem>>
          tpu.wait_dma2 semaphore(%arg22 : memref<!tpu.dma_semaphore, #tpu.memory_space<semaphore_mem>>) src(%dma_wait3A_924 : memref<50x128xf32, #tpu.memory_space<vmem>>) dst(%dma_wait3A_920 : memref<50x128xf32, #tpu.memory_space<hbm>>)
          %dma_wait3A_925 = arith.constant 7 : i32
          %dma_wait3A_926 = arith.constant 50 : i32
          %dma_wait3A_927 = arith.constant 0 : i32
          %dma_wait3A_928 = tpu.memref_slice %arg6[%dma_wait3A_925, %dma_wait3A_926, %dma_wait3A_927] : memref<8x100x128xf32, #tpu.memory_space<vmem>> -> memref<1x50x128xf32, #tpu.memory_space<vmem>>
          %dma_wait3A_929 = tpu.memref_squeeze %dma_wait3A_928 : memref<1x50x128xf32, #tpu.memory_space<vmem>> -> memref<50x128xf32, #tpu.memory_space<vmem>>
          %dma_wait3A_930 = arith.constant 0 : i32
          %dma_wait3A_931 = arith.constant 0 : i32
          %dma_wait3A_932 = tpu.memref_slice %arg4[%mul3A_2, %dma_wait3A_930, %dma_wait3A_931] : memref<4096x50x128xf32, #tpu.memory_space<hbm>> -> memref<1x50x128xf32, #tpu.memory_space<hbm>>
          %dma_wait3A_933 = tpu.memref_squeeze %dma_wait3A_932 : memref<1x50x128xf32, #tpu.memory_space<hbm>> -> memref<50x128xf32, #tpu.memory_space<hbm>>
          %dma_wait3A_934 = arith.constant 0 : i32
          %dma_wait3A_935 = arith.constant 0 : i32
          %dma_wait3A_936 = tpu.memref_slice %arg4[%mul3A_2, %dma_wait3A_934, %dma_wait3A_935] : memref<4096x50x128xf32, #tpu.memory_space<hbm>> -> memref<1x50x128xf32, #tpu.memory_space<hbm>>
          %dma_wait3A_937 = tpu.memref_squeeze %dma_wait3A_936 : memref<1x50x128xf32, #tpu.memory_space<hbm>> -> memref<50x128xf32, #tpu.memory_space<hbm>>
          %dma_wait3A_938 = arith.constant 50 : i32
          %dma_wait3A_939 = arith.constant 0 : i32
          %dma_wait3A_940 = tpu.memref_slice %arg6[%dma_wait3A_925, %dma_wait3A_938, %dma_wait3A_939] : memref<8x100x128xf32, #tpu.memory_space<vmem>> -> memref<1x50x128xf32, #tpu.memory_space<vmem>>
          %dma_wait3A_941 = tpu.memref_squeeze %dma_wait3A_940 : memref<1x50x128xf32, #tpu.memory_space<vmem>> -> memref<50x128xf32, #tpu.memory_space<vmem>>
          tpu.wait_dma2 semaphore(%arg22 : memref<!tpu.dma_semaphore, #tpu.memory_space<semaphore_mem>>) src(%dma_wait3A_941 : memref<50x128xf32, #tpu.memory_space<vmem>>) dst(%dma_wait3A_937 : memref<50x128xf32, #tpu.memory_space<hbm>>)
        } else {
        }
        %add3A_895 = arith.constant 5 : i32
        %add3A_896 = arith.addi %add3A_478, %add3A_895 : i32
        %dma_start3A_897 = arith.constant 7 : i32
        %dma_start3A_898 = arith.constant 0 : i32
        %dma_start3A_899 = arith.constant 0 : i32
        %dma_start3A_900 = tpu.memref_slice %arg6[%dma_start3A_897, %dma_start3A_898, %dma_start3A_899] : memref<8x100x128xf32, #tpu.memory_space<vmem>> -> memref<1x100x128xf32, #tpu.memory_space<vmem>>
        %dma_start3A_901 = tpu.memref_squeeze %dma_start3A_900 : memref<1x100x128xf32, #tpu.memory_space<vmem>> -> memref<100x128xf32, #tpu.memory_space<vmem>>
        %dma_start3A_902 = arith.constant 0 : i32
        %dma_start3A_903 = tpu.memref_slice %arg5[%add3A_896, %dma_start3A_902] : memref<64x100xi32, #tpu.memory_space<vmem>> -> memref<1x100xi32, #tpu.memory_space<vmem>>
        %dma_start3A_904 = tpu.memref_squeeze %dma_start3A_903 : memref<1x100xi32, #tpu.memory_space<vmem>> -> memref<100xi32, #tpu.memory_space<vmem>>
        %dma_start3A_905 = arith.constant 0 : i32
        %dma_start3A_906 = arith.constant 0 : i32
        %dma_start3A_907 = tpu.memref_slice %arg2[%dma_start3A_905, %dma_start3A_906] : memref<100000x128xf32, #tpu.memory_space<hbm>> -> memref<100000x128xf32, #tpu.memory_space<hbm>>
        tpu.enqueue_indirect_dma source(%dma_start3A_907 : memref<100000x128xf32, #tpu.memory_space<hbm>>) target(%dma_start3A_901 : memref<100x128xf32, #tpu.memory_space<vmem>>) offsets(%dma_start3A_904 : memref<100xi32, #tpu.memory_space<vmem>>) semaphore(%arg14 : memref<!tpu.dma_semaphore, #tpu.memory_space<semaphore_mem>>)
      } else {
      }
      %dma_wait3A_486 = arith.constant 2 : i32
      %dma_wait3A_487 = arith.constant 0 : i32
      %dma_wait3A_488 = arith.constant 0 : i32
      %dma_wait3A_489 = tpu.memref_slice %arg6[%dma_wait3A_486, %dma_wait3A_487, %dma_wait3A_488] : memref<8x100x128xf32, #tpu.memory_space<vmem>> -> memref<1x100x128xf32, #tpu.memory_space<vmem>>
      %dma_wait3A_490 = tpu.memref_squeeze %dma_wait3A_489 : memref<1x100x128xf32, #tpu.memory_space<vmem>> -> memref<100x128xf32, #tpu.memory_space<vmem>>
      %dma_wait3A_491 = arith.constant 0 : i32
      %dma_wait3A_492 = tpu.memref_slice %arg5[%add3A_478, %dma_wait3A_491] : memref<64x100xi32, #tpu.memory_space<vmem>> -> memref<1x100xi32, #tpu.memory_space<vmem>>
      %dma_wait3A_493 = tpu.memref_squeeze %dma_wait3A_492 : memref<1x100xi32, #tpu.memory_space<vmem>> -> memref<100xi32, #tpu.memory_space<vmem>>
      %dma_wait3A_494 = arith.constant 0 : i32
      %dma_wait3A_495 = arith.constant 0 : i32
      %dma_wait3A_496 = tpu.memref_slice %arg2[%dma_wait3A_494, %dma_wait3A_495] : memref<100000x128xf32, #tpu.memory_space<hbm>> -> memref<100000x128xf32, #tpu.memory_space<hbm>>
      tpu.wait_indirect_dma semaphore(%arg9 : memref<!tpu.dma_semaphore, #tpu.memory_space<semaphore_mem>>) src(%dma_wait3A_496 : memref<100000x128xf32, #tpu.memory_space<hbm>>) dst(%dma_wait3A_490 : memref<100x128xf32, #tpu.memory_space<vmem>>)
      %scan3A_497 = arith.constant 0 : i32
      %scan3A_498 = arith.constant 100 : i32
      %scan3A_499 = arith.addi %scan3A_497, %scan3A_498 : i32
      %scan3A_500 = arith.constant 1 : i32
      scf.for %scan3A_891 = %scan3A_497 to %scan3A_499 step %scan3A_500  : i32 {
        %mul3A_892 = arith.constant 1 : i32
        %mul3A_893 = arith.muli %scan3A_891, %mul3A_892 : i32
        %add3A_894 = arith.constant 0 : i32
        %add3A_895 = arith.addi %add3A_894, %mul3A_893 : i32
        %get3A = arith.constant 2 : i32
        %get3A_896 = arith.index_cast %get3A : i32 to index
        %get3A_897 = arith.index_cast %add3A_895 : i32 to index
        %get3A_898 = arith.constant 0 : index
        %get3A_899 = tpu.vector_load %arg6[%get3A_896, %get3A_897, %get3A_898] {strides = array<i32>} : memref<8x100x128xf32, #tpu.memory_space<vmem>>, vector<1x1x16xf32>,
        %get3A_900 = vector.shape_cast %get3A_899 : vector<1x1x16xf32> to vector<16xf32>
        %mul3A_901 = arith.constant 11.3137083 : f32
        %mul3A_902 = vector.broadcast %mul3A_901 : f32 to vector<16xf32>
        %mul3A_903 = arith.mulf %get3A_900, %mul3A_902 : vector<16xf32>
        %swap3A = arith.constant 2 : i32
        %swap3A_904 = arith.index_cast %swap3A : i32 to index
        %swap3A_905 = arith.index_cast %add3A_895 : i32 to index
        %swap3A_906 = arith.constant 0 : index
        %swap3A_907 = tpu.vector_load %arg6[%swap3A_904, %swap3A_905, %swap3A_906] {strides = array<i32>} : memref<8x100x128xf32, #tpu.memory_space<vmem>>, vector<1x1x16xf32>,
        %swap3A_908 = vector.shape_cast %swap3A_907 : vector<1x1x16xf32> to vector<16xf32>
        %swap3A_909 = vector.shape_cast %mul3A_903 : vector<16xf32> to vector<1x1x16xf32>
        tpu.vector_store %arg6[%swap3A_904, %swap3A_905, %swap3A_906], %swap3A_909 {strides = array<i32>} : memref<8x100x128xf32, #tpu.memory_space<vmem>>, vector<1x1x16xf32>,
        %get3A_910 = arith.constant 2 : i32
        %get3A_911 = arith.index_cast %get3A_910 : i32 to index
        %get3A_912 = arith.index_cast %add3A_895 : i32 to index
        %get3A_913 = arith.constant 16 : index
        %get3A_914 = tpu.vector_load %arg6[%get3A_911, %get3A_912, %get3A_913] {strides = array<i32>} : memref<8x100x128xf32, #tpu.memory_space<vmem>>, vector<1x1x16xf32>,
        %get3A_915 = vector.shape_cast %get3A_914 : vector<1x1x16xf32> to vector<16xf32>
        %mul3A_916 = arith.constant 11.3137083 : f32
        %mul3A_917 = vector.broadcast %mul3A_916 : f32 to vector<16xf32>
        %mul3A_918 = arith.mulf %get3A_915, %mul3A_917 : vector<16xf32>
        %swap3A_919 = arith.constant 2 : i32
        %swap3A_920 = arith.index_cast %swap3A_919 : i32 to index
        %swap3A_921 = arith.index_cast %add3A_895 : i32 to index
        %swap3A_922 = arith.constant 16 : index
        %swap3A_923 = tpu.vector_load %arg6[%swap3A_920, %swap3A_921, %swap3A_922] {strides = array<i32>} : memref<8x100x128xf32, #tpu.memory_space<vmem>>, vector<1x1x16xf32>,
        %swap3A_924 = vector.shape_cast %swap3A_923 : vector<1x1x16xf32> to vector<16xf32>
        %swap3A_925 = vector.shape_cast %mul3A_918 : vector<16xf32> to vector<1x1x16xf32>
        tpu.vector_store %arg6[%swap3A_920, %swap3A_921, %swap3A_922], %swap3A_925 {strides = array<i32>} : memref<8x100x128xf32, #tpu.memory_space<vmem>>, vector<1x1x16xf32>,
        %get3A_926 = arith.constant 2 : i32
        %get3A_927 = arith.index_cast %get3A_926 : i32 to index
        %get3A_928 = arith.index_cast %add3A_895 : i32 to index
        %get3A_929 = arith.constant 32 : index
        %get3A_930 = tpu.vector_load %arg6[%get3A_927, %get3A_928, %get3A_929] {strides = array<i32>} : memref<8x100x128xf32, #tpu.memory_space<vmem>>, vector<1x1x16xf32>,
        %get3A_931 = vector.shape_cast %get3A_930 : vector<1x1x16xf32> to vector<16xf32>
        %mul3A_932 = arith.constant 11.3137083 : f32
        %mul3A_933 = vector.broadcast %mul3A_932 : f32 to vector<16xf32>
        %mul3A_934 = arith.mulf %get3A_931, %mul3A_933 : vector<16xf32>
        %swap3A_935 = arith.constant 2 : i32
        %swap3A_936 = arith.index_cast %swap3A_935 : i32 to index
        %swap3A_937 = arith.index_cast %add3A_895 : i32 to index
        %swap3A_938 = arith.constant 32 : index
        %swap3A_939 = tpu.vector_load %arg6[%swap3A_936, %swap3A_937, %swap3A_938] {strides = array<i32>} : memref<8x100x128xf32, #tpu.memory_space<vmem>>, vector<1x1x16xf32>,
        %swap3A_940 = vector.shape_cast %swap3A_939 : vector<1x1x16xf32> to vector<16xf32>
        %swap3A_941 = vector.shape_cast %mul3A_934 : vector<16xf32> to vector<1x1x16xf32>
        tpu.vector_store %arg6[%swap3A_936, %swap3A_937, %swap3A_938], %swap3A_941 {strides = array<i32>} : memref<8x100x128xf32, #tpu.memory_space<vmem>>, vector<1x1x16xf32>,
        %get3A_942 = arith.constant 2 : i32
        %get3A_943 = arith.index_cast %get3A_942 : i32 to index
        %get3A_944 = arith.index_cast %add3A_895 : i32 to index
        %get3A_945 = arith.constant 48 : index
        %get3A_946 = tpu.vector_load %arg6[%get3A_943, %get3A_944, %get3A_945] {strides = array<i32>} : memref<8x100x128xf32, #tpu.memory_space<vmem>>, vector<1x1x16xf32>,
        %get3A_947 = vector.shape_cast %get3A_946 : vector<1x1x16xf32> to vector<16xf32>
        %mul3A_948 = arith.constant 11.3137083 : f32
        %mul3A_949 = vector.broadcast %mul3A_948 : f32 to vector<16xf32>
        %mul3A_950 = arith.mulf %get3A_947, %mul3A_949 : vector<16xf32>
        %swap3A_951 = arith.constant 2 : i32
        %swap3A_952 = arith.index_cast %swap3A_951 : i32 to index
        %swap3A_953 = arith.index_cast %add3A_895 : i32 to index
        %swap3A_954 = arith.constant 48 : index
        %swap3A_955 = tpu.vector_load %arg6[%swap3A_952, %swap3A_953, %swap3A_954] {strides = array<i32>} : memref<8x100x128xf32, #tpu.memory_space<vmem>>, vector<1x1x16xf32>,
        %swap3A_956 = vector.shape_cast %swap3A_955 : vector<1x1x16xf32> to vector<16xf32>
        %swap3A_957 = vector.shape_cast %mul3A_950 : vector<16xf32> to vector<1x1x16xf32>
        tpu.vector_store %arg6[%swap3A_952, %swap3A_953, %swap3A_954], %swap3A_957 {strides = array<i32>} : memref<8x100x128xf32, #tpu.memory_space<vmem>>, vector<1x1x16xf32>,
        %get3A_958 = arith.constant 2 : i32
        %get3A_959 = arith.index_cast %get3A_958 : i32 to index
        %get3A_960 = arith.index_cast %add3A_895 : i32 to index
        %get3A_961 = arith.constant 64 : index
        %get3A_962 = tpu.vector_load %arg6[%get3A_959, %get3A_960, %get3A_961] {strides = array<i32>} : memref<8x100x128xf32, #tpu.memory_space<vmem>>, vector<1x1x16xf32>,
        %get3A_963 = vector.shape_cast %get3A_962 : vector<1x1x16xf32> to vector<16xf32>
        %mul3A_964 = arith.constant 11.3137083 : f32
        %mul3A_965 = vector.broadcast %mul3A_964 : f32 to vector<16xf32>
        %mul3A_966 = arith.mulf %get3A_963, %mul3A_965 : vector<16xf32>
        %swap3A_967 = arith.constant 2 : i32
        %swap3A_968 = arith.index_cast %swap3A_967 : i32 to index
        %swap3A_969 = arith.index_cast %add3A_895 : i32 to index
        %swap3A_970 = arith.constant 64 : index
        %swap3A_971 = tpu.vector_load %arg6[%swap3A_968, %swap3A_969, %swap3A_970] {strides = array<i32>} : memref<8x100x128xf32, #tpu.memory_space<vmem>>, vector<1x1x16xf32>,
        %swap3A_972 = vector.shape_cast %swap3A_971 : vector<1x1x16xf32> to vector<16xf32>
        %swap3A_973 = vector.shape_cast %mul3A_966 : vector<16xf32> to vector<1x1x16xf32>
        tpu.vector_store %arg6[%swap3A_968, %swap3A_969, %swap3A_970], %swap3A_973 {strides = array<i32>} : memref<8x100x128xf32, #tpu.memory_space<vmem>>, vector<1x1x16xf32>,
        %get3A_974 = arith.constant 2 : i32
        %get3A_975 = arith.index_cast %get3A_974 : i32 to index
        %get3A_976 = arith.index_cast %add3A_895 : i32 to index
        %get3A_977 = arith.constant 80 : index
        %get3A_978 = tpu.vector_load %arg6[%get3A_975, %get3A_976, %get3A_977] {strides = array<i32>} : memref<8x100x128xf32, #tpu.memory_space<vmem>>, vector<1x1x16xf32>,
        %get3A_979 = vector.shape_cast %get3A_978 : vector<1x1x16xf32> to vector<16xf32>
        %mul3A_980 = arith.constant 11.3137083 : f32
        %mul3A_981 = vector.broadcast %mul3A_980 : f32 to vector<16xf32>
        %mul3A_982 = arith.mulf %get3A_979, %mul3A_981 : vector<16xf32>
        %swap3A_983 = arith.constant 2 : i32
        %swap3A_984 = arith.index_cast %swap3A_983 : i32 to index
        %swap3A_985 = arith.index_cast %add3A_895 : i32 to index
        %swap3A_986 = arith.constant 80 : index
        %swap3A_987 = tpu.vector_load %arg6[%swap3A_984, %swap3A_985, %swap3A_986] {strides = array<i32>} : memref<8x100x128xf32, #tpu.memory_space<vmem>>, vector<1x1x16xf32>,
        %swap3A_988 = vector.shape_cast %swap3A_987 : vector<1x1x16xf32> to vector<16xf32>
        %swap3A_989 = vector.shape_cast %mul3A_982 : vector<16xf32> to vector<1x1x16xf32>
        tpu.vector_store %arg6[%swap3A_984, %swap3A_985, %swap3A_986], %swap3A_989 {strides = array<i32>} : memref<8x100x128xf32, #tpu.memory_space<vmem>>, vector<1x1x16xf32>,
        %get3A_990 = arith.constant 2 : i32
        %get3A_991 = arith.index_cast %get3A_990 : i32 to index
        %get3A_992 = arith.index_cast %add3A_895 : i32 to index
        %get3A_993 = arith.constant 96 : index
        %get3A_994 = tpu.vector_load %arg6[%get3A_991, %get3A_992, %get3A_993] {strides = array<i32>} : memref<8x100x128xf32, #tpu.memory_space<vmem>>, vector<1x1x16xf32>,
        %get3A_995 = vector.shape_cast %get3A_994 : vector<1x1x16xf32> to vector<16xf32>
        %mul3A_996 = arith.constant 11.3137083 : f32
        %mul3A_997 = vector.broadcast %mul3A_996 : f32 to vector<16xf32>
        %mul3A_998 = arith.mulf %get3A_995, %mul3A_997 : vector<16xf32>
        %swap3A_999 = arith.constant 2 : i32
        %swap3A_1000 = arith.index_cast %swap3A_999 : i32 to index
        %swap3A_1001 = arith.index_cast %add3A_895 : i32 to index
        %swap3A_1002 = arith.constant 96 : index
        %swap3A_1003 = tpu.vector_load %arg6[%swap3A_1000, %swap3A_1001, %swap3A_1002] {strides = array<i32>} : memref<8x100x128xf32, #tpu.memory_space<vmem>>, vector<1x1x16xf32>,
        %swap3A_1004 = vector.shape_cast %swap3A_1003 : vector<1x1x16xf32> to vector<16xf32>
        %swap3A_1005 = vector.shape_cast %mul3A_998 : vector<16xf32> to vector<1x1x16xf32>
        tpu.vector_store %arg6[%swap3A_1000, %swap3A_1001, %swap3A_1002], %swap3A_1005 {strides = array<i32>} : memref<8x100x128xf32, #tpu.memory_space<vmem>>, vector<1x1x16xf32>,
        %get3A_1006 = arith.constant 2 : i32
        %get3A_1007 = arith.index_cast %get3A_1006 : i32 to index
        %get3A_1008 = arith.index_cast %add3A_895 : i32 to index
        %get3A_1009 = arith.constant 112 : index
        %get3A_1010 = tpu.vector_load %arg6[%get3A_1007, %get3A_1008, %get3A_1009] {strides = array<i32>} : memref<8x100x128xf32, #tpu.memory_space<vmem>>, vector<1x1x16xf32>,
        %get3A_1011 = vector.shape_cast %get3A_1010 : vector<1x1x16xf32> to vector<16xf32>
        %mul3A_1012 = arith.constant 11.3137083 : f32
        %mul3A_1013 = vector.broadcast %mul3A_1012 : f32 to vector<16xf32>
        %mul3A_1014 = arith.mulf %get3A_1011, %mul3A_1013 : vector<16xf32>
        %swap3A_1015 = arith.constant 2 : i32
        %swap3A_1016 = arith.index_cast %swap3A_1015 : i32 to index
        %swap3A_1017 = arith.index_cast %add3A_895 : i32 to index
        %swap3A_1018 = arith.constant 112 : index
        %swap3A_1019 = tpu.vector_load %arg6[%swap3A_1016, %swap3A_1017, %swap3A_1018] {strides = array<i32>} : memref<8x100x128xf32, #tpu.memory_space<vmem>>, vector<1x1x16xf32>,
        %swap3A_1020 = vector.shape_cast %swap3A_1019 : vector<1x1x16xf32> to vector<16xf32>
        %swap3A_1021 = vector.shape_cast %mul3A_1014 : vector<16xf32> to vector<1x1x16xf32>
        tpu.vector_store %arg6[%swap3A_1016, %swap3A_1017, %swap3A_1018], %swap3A_1021 {strides = array<i32>} : memref<8x100x128xf32, #tpu.memory_space<vmem>>, vector<1x1x16xf32>,
      }
      %scan3A_501 = arith.constant 100 : i32
      %mul3A_502 = arith.constant 2 : i32
      %mul3A_503 = arith.muli %add3A_478, %mul3A_502 : i32
      %add3A_504 = arith.addi %mul3A_2, %mul3A_503 : i32
      %add3A_505 = arith.constant 0 : i32
      %add3A_506 = arith.addi %add3A_504, %add3A_505 : i32
      %dma_start3A_507 = arith.constant 2 : i32
      %dma_start3A_508 = arith.constant 0 : i32
      %dma_start3A_509 = arith.constant 0 : i32
      %dma_start3A_510 = tpu.memref_slice %arg6[%dma_start3A_507, %dma_start3A_508, %dma_start3A_509] : memref<8x100x128xf32, #tpu.memory_space<vmem>> -> memref<1x50x128xf32, #tpu.memory_space<vmem>>
      %dma_start3A_511 = tpu.memref_squeeze %dma_start3A_510 : memref<1x50x128xf32, #tpu.memory_space<vmem>> -> memref<50x128xf32, #tpu.memory_space<vmem>>
      %dma_start3A_512 = arith.constant 0 : i32
      %dma_start3A_513 = arith.constant 0 : i32
      %dma_start3A_514 = tpu.memref_slice %arg4[%add3A_506, %dma_start3A_512, %dma_start3A_513] : memref<4096x50x128xf32, #tpu.memory_space<hbm>> -> memref<1x50x128xf32, #tpu.memory_space<hbm>>
      %dma_start3A_515 = tpu.memref_squeeze %dma_start3A_514 : memref<1x50x128xf32, #tpu.memory_space<hbm>> -> memref<50x128xf32, #tpu.memory_space<hbm>>
      %dma_start3A_516 = arith.constant 0 : i32
      %dma_start3A_517 = arith.constant 0 : i32
      %dma_start3A_518 = tpu.memref_slice %arg4[%add3A_506, %dma_start3A_516, %dma_start3A_517] : memref<4096x50x128xf32, #tpu.memory_space<hbm>> -> memref<1x50x128xf32, #tpu.memory_space<hbm>>
      %dma_start3A_519 = tpu.memref_squeeze %dma_start3A_518 : memref<1x50x128xf32, #tpu.memory_space<hbm>> -> memref<50x128xf32, #tpu.memory_space<hbm>>
      %dma_start3A_520 = arith.constant 0 : i32
      %dma_start3A_521 = arith.constant 0 : i32
      %dma_start3A_522 = tpu.memref_slice %arg6[%dma_start3A_507, %dma_start3A_520, %dma_start3A_521] : memref<8x100x128xf32, #tpu.memory_space<vmem>> -> memref<1x50x128xf32, #tpu.memory_space<vmem>>
      %dma_start3A_523 = tpu.memref_squeeze %dma_start3A_522 : memref<1x50x128xf32, #tpu.memory_space<vmem>> -> memref<50x128xf32, #tpu.memory_space<vmem>>
      tpu.enqueue_dma source(%dma_start3A_523 : memref<50x128xf32, #tpu.memory_space<vmem>>) target(%dma_start3A_519 : memref<50x128xf32, #tpu.memory_space<hbm>>) target_semaphore(%arg17 : memref<!tpu.dma_semaphore, #tpu.memory_space<semaphore_mem>>)
      %mul3A_524 = arith.constant 2 : i32
      %mul3A_525 = arith.muli %add3A_478, %mul3A_524 : i32
      %add3A_526 = arith.addi %mul3A_2, %mul3A_525 : i32
      %add3A_527 = arith.constant 1 : i32
      %add3A_528 = arith.addi %add3A_526, %add3A_527 : i32
      %dma_start3A_529 = arith.constant 2 : i32
      %dma_start3A_530 = arith.constant 50 : i32
      %dma_start3A_531 = arith.constant 0 : i32
      %dma_start3A_532 = tpu.memref_slice %arg6[%dma_start3A_529, %dma_start3A_530, %dma_start3A_531] : memref<8x100x128xf32, #tpu.memory_space<vmem>> -> memref<1x50x128xf32, #tpu.memory_space<vmem>>
      %dma_start3A_533 = tpu.memref_squeeze %dma_start3A_532 : memref<1x50x128xf32, #tpu.memory_space<vmem>> -> memref<50x128xf32, #tpu.memory_space<vmem>>
      %dma_start3A_534 = arith.constant 0 : i32
      %dma_start3A_535 = arith.constant 0 : i32
      %dma_start3A_536 = tpu.memref_slice %arg4[%add3A_528, %dma_start3A_534, %dma_start3A_535] : memref<4096x50x128xf32, #tpu.memory_space<hbm>> -> memref<1x50x128xf32, #tpu.memory_space<hbm>>
      %dma_start3A_537 = tpu.memref_squeeze %dma_start3A_536 : memref<1x50x128xf32, #tpu.memory_space<hbm>> -> memref<50x128xf32, #tpu.memory_space<hbm>>
      %dma_start3A_538 = arith.constant 0 : i32
      %dma_start3A_539 = arith.constant 0 : i32
      %dma_start3A_540 = tpu.memref_slice %arg4[%add3A_528, %dma_start3A_538, %dma_start3A_539] : memref<4096x50x128xf32, #tpu.memory_space<hbm>> -> memref<1x50x128xf32, #tpu.memory_space<hbm>>
      %dma_start3A_541 = tpu.memref_squeeze %dma_start3A_540 : memref<1x50x128xf32, #tpu.memory_space<hbm>> -> memref<50x128xf32, #tpu.memory_space<hbm>>
      %dma_start3A_542 = arith.constant 50 : i32
      %dma_start3A_543 = arith.constant 0 : i32
      %dma_start3A_544 = tpu.memref_slice %arg6[%dma_start3A_529, %dma_start3A_542, %dma_start3A_543] : memref<8x100x128xf32, #tpu.memory_space<vmem>> -> memref<1x50x128xf32, #tpu.memory_space<vmem>>
      %dma_start3A_545 = tpu.memref_squeeze %dma_start3A_544 : memref<1x50x128xf32, #tpu.memory_space<vmem>> -> memref<50x128xf32, #tpu.memory_space<vmem>>
      tpu.enqueue_dma source(%dma_start3A_545 : memref<50x128xf32, #tpu.memory_space<vmem>>) target(%dma_start3A_541 : memref<50x128xf32, #tpu.memory_space<hbm>>) target_semaphore(%arg17 : memref<!tpu.dma_semaphore, #tpu.memory_space<semaphore_mem>>)
      %add3A_546 = arith.constant 3 : i32
      %add3A_547 = arith.addi %add3A_341, %add3A_546 : i32
      %add3A_548 = arith.constant 5 : i32
      %add3A_549 = arith.addi %add3A_547, %add3A_548 : i32
      %lt3A_550 = arith.constant 64 : i32
      %lt3A_551 = arith.cmpi slt, %add3A_549, %lt3A_550 : i32
      %convert_element_type3A_552 = arith.extui %lt3A_551 : i1 to i32
      %cond3A_553 = arith.constant 0 : i32
      %cond3A_554 = arith.cmpi ne, %convert_element_type3A_552, %cond3A_553 : i32
      scf.if %cond3A_554 {
        %ge3A = arith.constant 3 : i32
        %ge3A_891 = arith.cmpi sge, %add3A_547, %ge3A : i32
        %convert_element_type3A_892 = arith.extui %ge3A_891 : i1 to i32
        %cond3A_893 = arith.constant 0 : i32
        %cond3A_894 = arith.cmpi ne, %convert_element_type3A_892, %cond3A_893 : i32
        scf.if %cond3A_894 {
          %dma_wait3A_908 = arith.constant 0 : i32
          %dma_wait3A_909 = arith.constant 0 : i32
          %dma_wait3A_910 = arith.constant 0 : i32
          %dma_wait3A_911 = tpu.memref_slice %arg6[%dma_wait3A_908, %dma_wait3A_909, %dma_wait3A_910] : memref<8x100x128xf32, #tpu.memory_space<vmem>> -> memref<1x50x128xf32, #tpu.memory_space<vmem>>
          %dma_wait3A_912 = tpu.memref_squeeze %dma_wait3A_911 : memref<1x50x128xf32, #tpu.memory_space<vmem>> -> memref<50x128xf32, #tpu.memory_space<vmem>>
          %dma_wait3A_913 = arith.constant 0 : i32
          %dma_wait3A_914 = arith.constant 0 : i32
          %dma_wait3A_915 = tpu.memref_slice %arg4[%mul3A_2, %dma_wait3A_913, %dma_wait3A_914] : memref<4096x50x128xf32, #tpu.memory_space<hbm>> -> memref<1x50x128xf32, #tpu.memory_space<hbm>>
          %dma_wait3A_916 = tpu.memref_squeeze %dma_wait3A_915 : memref<1x50x128xf32, #tpu.memory_space<hbm>> -> memref<50x128xf32, #tpu.memory_space<hbm>>
          %dma_wait3A_917 = arith.constant 0 : i32
          %dma_wait3A_918 = arith.constant 0 : i32
          %dma_wait3A_919 = tpu.memref_slice %arg4[%mul3A_2, %dma_wait3A_917, %dma_wait3A_918] : memref<4096x50x128xf32, #tpu.memory_space<hbm>> -> memref<1x50x128xf32, #tpu.memory_space<hbm>>
          %dma_wait3A_920 = tpu.memref_squeeze %dma_wait3A_919 : memref<1x50x128xf32, #tpu.memory_space<hbm>> -> memref<50x128xf32, #tpu.memory_space<hbm>>
          %dma_wait3A_921 = arith.constant 0 : i32
          %dma_wait3A_922 = arith.constant 0 : i32
          %dma_wait3A_923 = tpu.memref_slice %arg6[%dma_wait3A_908, %dma_wait3A_921, %dma_wait3A_922] : memref<8x100x128xf32, #tpu.memory_space<vmem>> -> memref<1x50x128xf32, #tpu.memory_space<vmem>>
          %dma_wait3A_924 = tpu.memref_squeeze %dma_wait3A_923 : memref<1x50x128xf32, #tpu.memory_space<vmem>> -> memref<50x128xf32, #tpu.memory_space<vmem>>
          tpu.wait_dma2 semaphore(%arg15 : memref<!tpu.dma_semaphore, #tpu.memory_space<semaphore_mem>>) src(%dma_wait3A_924 : memref<50x128xf32, #tpu.memory_space<vmem>>) dst(%dma_wait3A_920 : memref<50x128xf32, #tpu.memory_space<hbm>>)
          %dma_wait3A_925 = arith.constant 0 : i32
          %dma_wait3A_926 = arith.constant 50 : i32
          %dma_wait3A_927 = arith.constant 0 : i32
          %dma_wait3A_928 = tpu.memref_slice %arg6[%dma_wait3A_925, %dma_wait3A_926, %dma_wait3A_927] : memref<8x100x128xf32, #tpu.memory_space<vmem>> -> memref<1x50x128xf32, #tpu.memory_space<vmem>>
          %dma_wait3A_929 = tpu.memref_squeeze %dma_wait3A_928 : memref<1x50x128xf32, #tpu.memory_space<vmem>> -> memref<50x128xf32, #tpu.memory_space<vmem>>
          %dma_wait3A_930 = arith.constant 0 : i32
          %dma_wait3A_931 = arith.constant 0 : i32
          %dma_wait3A_932 = tpu.memref_slice %arg4[%mul3A_2, %dma_wait3A_930, %dma_wait3A_931] : memref<4096x50x128xf32, #tpu.memory_space<hbm>> -> memref<1x50x128xf32, #tpu.memory_space<hbm>>
          %dma_wait3A_933 = tpu.memref_squeeze %dma_wait3A_932 : memref<1x50x128xf32, #tpu.memory_space<hbm>> -> memref<50x128xf32, #tpu.memory_space<hbm>>
          %dma_wait3A_934 = arith.constant 0 : i32
          %dma_wait3A_935 = arith.constant 0 : i32
          %dma_wait3A_936 = tpu.memref_slice %arg4[%mul3A_2, %dma_wait3A_934, %dma_wait3A_935] : memref<4096x50x128xf32, #tpu.memory_space<hbm>> -> memref<1x50x128xf32, #tpu.memory_space<hbm>>
          %dma_wait3A_937 = tpu.memref_squeeze %dma_wait3A_936 : memref<1x50x128xf32, #tpu.memory_space<hbm>> -> memref<50x128xf32, #tpu.memory_space<hbm>>
          %dma_wait3A_938 = arith.constant 50 : i32
          %dma_wait3A_939 = arith.constant 0 : i32
          %dma_wait3A_940 = tpu.memref_slice %arg6[%dma_wait3A_925, %dma_wait3A_938, %dma_wait3A_939] : memref<8x100x128xf32, #tpu.memory_space<vmem>> -> memref<1x50x128xf32, #tpu.memory_space<vmem>>
          %dma_wait3A_941 = tpu.memref_squeeze %dma_wait3A_940 : memref<1x50x128xf32, #tpu.memory_space<vmem>> -> memref<50x128xf32, #tpu.memory_space<vmem>>
          tpu.wait_dma2 semaphore(%arg15 : memref<!tpu.dma_semaphore, #tpu.memory_space<semaphore_mem>>) src(%dma_wait3A_941 : memref<50x128xf32, #tpu.memory_space<vmem>>) dst(%dma_wait3A_937 : memref<50x128xf32, #tpu.memory_space<hbm>>)
        } else {
        }
        %add3A_895 = arith.constant 5 : i32
        %add3A_896 = arith.addi %add3A_547, %add3A_895 : i32
        %dma_start3A_897 = arith.constant 0 : i32
        %dma_start3A_898 = arith.constant 0 : i32
        %dma_start3A_899 = arith.constant 0 : i32
        %dma_start3A_900 = tpu.memref_slice %arg6[%dma_start3A_897, %dma_start3A_898, %dma_start3A_899] : memref<8x100x128xf32, #tpu.memory_space<vmem>> -> memref<1x100x128xf32, #tpu.memory_space<vmem>>
        %dma_start3A_901 = tpu.memref_squeeze %dma_start3A_900 : memref<1x100x128xf32, #tpu.memory_space<vmem>> -> memref<100x128xf32, #tpu.memory_space<vmem>>
        %dma_start3A_902 = arith.constant 0 : i32
        %dma_start3A_903 = tpu.memref_slice %arg5[%add3A_896, %dma_start3A_902] : memref<64x100xi32, #tpu.memory_space<vmem>> -> memref<1x100xi32, #tpu.memory_space<vmem>>
        %dma_start3A_904 = tpu.memref_squeeze %dma_start3A_903 : memref<1x100xi32, #tpu.memory_space<vmem>> -> memref<100xi32, #tpu.memory_space<vmem>>
        %dma_start3A_905 = arith.constant 0 : i32
        %dma_start3A_906 = arith.constant 0 : i32
        %dma_start3A_907 = tpu.memref_slice %arg2[%dma_start3A_905, %dma_start3A_906] : memref<100000x128xf32, #tpu.memory_space<hbm>> -> memref<100000x128xf32, #tpu.memory_space<hbm>>
        tpu.enqueue_indirect_dma source(%dma_start3A_907 : memref<100000x128xf32, #tpu.memory_space<hbm>>) target(%dma_start3A_901 : memref<100x128xf32, #tpu.memory_space<vmem>>) offsets(%dma_start3A_904 : memref<100xi32, #tpu.memory_space<vmem>>) semaphore(%arg7 : memref<!tpu.dma_semaphore, #tpu.memory_space<semaphore_mem>>)
      } else {
      }
      %dma_wait3A_555 = arith.constant 3 : i32
      %dma_wait3A_556 = arith.constant 0 : i32
      %dma_wait3A_557 = arith.constant 0 : i32
      %dma_wait3A_558 = tpu.memref_slice %arg6[%dma_wait3A_555, %dma_wait3A_556, %dma_wait3A_557] : memref<8x100x128xf32, #tpu.memory_space<vmem>> -> memref<1x100x128xf32, #tpu.memory_space<vmem>>
      %dma_wait3A_559 = tpu.memref_squeeze %dma_wait3A_558 : memref<1x100x128xf32, #tpu.memory_space<vmem>> -> memref<100x128xf32, #tpu.memory_space<vmem>>
      %dma_wait3A_560 = arith.constant 0 : i32
      %dma_wait3A_561 = tpu.memref_slice %arg5[%add3A_547, %dma_wait3A_560] : memref<64x100xi32, #tpu.memory_space<vmem>> -> memref<1x100xi32, #tpu.memory_space<vmem>>
      %dma_wait3A_562 = tpu.memref_squeeze %dma_wait3A_561 : memref<1x100xi32, #tpu.memory_space<vmem>> -> memref<100xi32, #tpu.memory_space<vmem>>
      %dma_wait3A_563 = arith.constant 0 : i32
      %dma_wait3A_564 = arith.constant 0 : i32
      %dma_wait3A_565 = tpu.memref_slice %arg2[%dma_wait3A_563, %dma_wait3A_564] : memref<100000x128xf32, #tpu.memory_space<hbm>> -> memref<100000x128xf32, #tpu.memory_space<hbm>>
      tpu.wait_indirect_dma semaphore(%arg10 : memref<!tpu.dma_semaphore, #tpu.memory_space<semaphore_mem>>) src(%dma_wait3A_565 : memref<100000x128xf32, #tpu.memory_space<hbm>>) dst(%dma_wait3A_559 : memref<100x128xf32, #tpu.memory_space<vmem>>)
      %scan3A_566 = arith.constant 0 : i32
      %scan3A_567 = arith.constant 100 : i32
      %scan3A_568 = arith.addi %scan3A_566, %scan3A_567 : i32
      %scan3A_569 = arith.constant 1 : i32
      scf.for %scan3A_891 = %scan3A_566 to %scan3A_568 step %scan3A_569  : i32 {
        %mul3A_892 = arith.constant 1 : i32
        %mul3A_893 = arith.muli %scan3A_891, %mul3A_892 : i32
        %add3A_894 = arith.constant 0 : i32
        %add3A_895 = arith.addi %add3A_894, %mul3A_893 : i32
        %get3A = arith.constant 3 : i32
        %get3A_896 = arith.index_cast %get3A : i32 to index
        %get3A_897 = arith.index_cast %add3A_895 : i32 to index
        %get3A_898 = arith.constant 0 : index
        %get3A_899 = tpu.vector_load %arg6[%get3A_896, %get3A_897, %get3A_898] {strides = array<i32>} : memref<8x100x128xf32, #tpu.memory_space<vmem>>, vector<1x1x16xf32>,
        %get3A_900 = vector.shape_cast %get3A_899 : vector<1x1x16xf32> to vector<16xf32>
        %mul3A_901 = arith.constant 11.3137083 : f32
        %mul3A_902 = vector.broadcast %mul3A_901 : f32 to vector<16xf32>
        %mul3A_903 = arith.mulf %get3A_900, %mul3A_902 : vector<16xf32>
        %swap3A = arith.constant 3 : i32
        %swap3A_904 = arith.index_cast %swap3A : i32 to index
        %swap3A_905 = arith.index_cast %add3A_895 : i32 to index
        %swap3A_906 = arith.constant 0 : index
        %swap3A_907 = tpu.vector_load %arg6[%swap3A_904, %swap3A_905, %swap3A_906] {strides = array<i32>} : memref<8x100x128xf32, #tpu.memory_space<vmem>>, vector<1x1x16xf32>,
        %swap3A_908 = vector.shape_cast %swap3A_907 : vector<1x1x16xf32> to vector<16xf32>
        %swap3A_909 = vector.shape_cast %mul3A_903 : vector<16xf32> to vector<1x1x16xf32>
        tpu.vector_store %arg6[%swap3A_904, %swap3A_905, %swap3A_906], %swap3A_909 {strides = array<i32>} : memref<8x100x128xf32, #tpu.memory_space<vmem>>, vector<1x1x16xf32>,
        %get3A_910 = arith.constant 3 : i32
        %get3A_911 = arith.index_cast %get3A_910 : i32 to index
        %get3A_912 = arith.index_cast %add3A_895 : i32 to index
        %get3A_913 = arith.constant 16 : index
        %get3A_914 = tpu.vector_load %arg6[%get3A_911, %get3A_912, %get3A_913] {strides = array<i32>} : memref<8x100x128xf32, #tpu.memory_space<vmem>>, vector<1x1x16xf32>,
        %get3A_915 = vector.shape_cast %get3A_914 : vector<1x1x16xf32> to vector<16xf32>
        %mul3A_916 = arith.constant 11.3137083 : f32
        %mul3A_917 = vector.broadcast %mul3A_916 : f32 to vector<16xf32>
        %mul3A_918 = arith.mulf %get3A_915, %mul3A_917 : vector<16xf32>
        %swap3A_919 = arith.constant 3 : i32
        %swap3A_920 = arith.index_cast %swap3A_919 : i32 to index
        %swap3A_921 = arith.index_cast %add3A_895 : i32 to index
        %swap3A_922 = arith.constant 16 : index
        %swap3A_923 = tpu.vector_load %arg6[%swap3A_920, %swap3A_921, %swap3A_922] {strides = array<i32>} : memref<8x100x128xf32, #tpu.memory_space<vmem>>, vector<1x1x16xf32>,
        %swap3A_924 = vector.shape_cast %swap3A_923 : vector<1x1x16xf32> to vector<16xf32>
        %swap3A_925 = vector.shape_cast %mul3A_918 : vector<16xf32> to vector<1x1x16xf32>
        tpu.vector_store %arg6[%swap3A_920, %swap3A_921, %swap3A_922], %swap3A_925 {strides = array<i32>} : memref<8x100x128xf32, #tpu.memory_space<vmem>>, vector<1x1x16xf32>,
        %get3A_926 = arith.constant 3 : i32
        %get3A_927 = arith.index_cast %get3A_926 : i32 to index
        %get3A_928 = arith.index_cast %add3A_895 : i32 to index
        %get3A_929 = arith.constant 32 : index
        %get3A_930 = tpu.vector_load %arg6[%get3A_927, %get3A_928, %get3A_929] {strides = array<i32>} : memref<8x100x128xf32, #tpu.memory_space<vmem>>, vector<1x1x16xf32>,
        %get3A_931 = vector.shape_cast %get3A_930 : vector<1x1x16xf32> to vector<16xf32>
        %mul3A_932 = arith.constant 11.3137083 : f32
        %mul3A_933 = vector.broadcast %mul3A_932 : f32 to vector<16xf32>
        %mul3A_934 = arith.mulf %get3A_931, %mul3A_933 : vector<16xf32>
        %swap3A_935 = arith.constant 3 : i32
        %swap3A_936 = arith.index_cast %swap3A_935 : i32 to index
        %swap3A_937 = arith.index_cast %add3A_895 : i32 to index
        %swap3A_938 = arith.constant 32 : index
        %swap3A_939 = tpu.vector_load %arg6[%swap3A_936, %swap3A_937, %swap3A_938] {strides = array<i32>} : memref<8x100x128xf32, #tpu.memory_space<vmem>>, vector<1x1x16xf32>,
        %swap3A_940 = vector.shape_cast %swap3A_939 : vector<1x1x16xf32> to vector<16xf32>
        %swap3A_941 = vector.shape_cast %mul3A_934 : vector<16xf32> to vector<1x1x16xf32>
        tpu.vector_store %arg6[%swap3A_936, %swap3A_937, %swap3A_938], %swap3A_941 {strides = array<i32>} : memref<8x100x128xf32, #tpu.memory_space<vmem>>, vector<1x1x16xf32>,
        %get3A_942 = arith.constant 3 : i32
        %get3A_943 = arith.index_cast %get3A_942 : i32 to index
        %get3A_944 = arith.index_cast %add3A_895 : i32 to index
        %get3A_945 = arith.constant 48 : index
        %get3A_946 = tpu.vector_load %arg6[%get3A_943, %get3A_944, %get3A_945] {strides = array<i32>} : memref<8x100x128xf32, #tpu.memory_space<vmem>>, vector<1x1x16xf32>,
        %get3A_947 = vector.shape_cast %get3A_946 : vector<1x1x16xf32> to vector<16xf32>
        %mul3A_948 = arith.constant 11.3137083 : f32
        %mul3A_949 = vector.broadcast %mul3A_948 : f32 to vector<16xf32>
        %mul3A_950 = arith.mulf %get3A_947, %mul3A_949 : vector<16xf32>
        %swap3A_951 = arith.constant 3 : i32
        %swap3A_952 = arith.index_cast %swap3A_951 : i32 to index
        %swap3A_953 = arith.index_cast %add3A_895 : i32 to index
        %swap3A_954 = arith.constant 48 : index
        %swap3A_955 = tpu.vector_load %arg6[%swap3A_952, %swap3A_953, %swap3A_954] {strides = array<i32>} : memref<8x100x128xf32, #tpu.memory_space<vmem>>, vector<1x1x16xf32>,
        %swap3A_956 = vector.shape_cast %swap3A_955 : vector<1x1x16xf32> to vector<16xf32>
        %swap3A_957 = vector.shape_cast %mul3A_950 : vector<16xf32> to vector<1x1x16xf32>
        tpu.vector_store %arg6[%swap3A_952, %swap3A_953, %swap3A_954], %swap3A_957 {strides = array<i32>} : memref<8x100x128xf32, #tpu.memory_space<vmem>>, vector<1x1x16xf32>,
        %get3A_958 = arith.constant 3 : i32
        %get3A_959 = arith.index_cast %get3A_958 : i32 to index
        %get3A_960 = arith.index_cast %add3A_895 : i32 to index
        %get3A_961 = arith.constant 64 : index
        %get3A_962 = tpu.vector_load %arg6[%get3A_959, %get3A_960, %get3A_961] {strides = array<i32>} : memref<8x100x128xf32, #tpu.memory_space<vmem>>, vector<1x1x16xf32>,
        %get3A_963 = vector.shape_cast %get3A_962 : vector<1x1x16xf32> to vector<16xf32>
        %mul3A_964 = arith.constant 11.3137083 : f32
        %mul3A_965 = vector.broadcast %mul3A_964 : f32 to vector<16xf32>
        %mul3A_966 = arith.mulf %get3A_963, %mul3A_965 : vector<16xf32>
        %swap3A_967 = arith.constant 3 : i32
        %swap3A_968 = arith.index_cast %swap3A_967 : i32 to index
        %swap3A_969 = arith.index_cast %add3A_895 : i32 to index
        %swap3A_970 = arith.constant 64 : index
        %swap3A_971 = tpu.vector_load %arg6[%swap3A_968, %swap3A_969, %swap3A_970] {strides = array<i32>} : memref<8x100x128xf32, #tpu.memory_space<vmem>>, vector<1x1x16xf32>,
        %swap3A_972 = vector.shape_cast %swap3A_971 : vector<1x1x16xf32> to vector<16xf32>
        %swap3A_973 = vector.shape_cast %mul3A_966 : vector<16xf32> to vector<1x1x16xf32>
        tpu.vector_store %arg6[%swap3A_968, %swap3A_969, %swap3A_970], %swap3A_973 {strides = array<i32>} : memref<8x100x128xf32, #tpu.memory_space<vmem>>, vector<1x1x16xf32>,
        %get3A_974 = arith.constant 3 : i32
        %get3A_975 = arith.index_cast %get3A_974 : i32 to index
        %get3A_976 = arith.index_cast %add3A_895 : i32 to index
        %get3A_977 = arith.constant 80 : index
        %get3A_978 = tpu.vector_load %arg6[%get3A_975, %get3A_976, %get3A_977] {strides = array<i32>} : memref<8x100x128xf32, #tpu.memory_space<vmem>>, vector<1x1x16xf32>,
        %get3A_979 = vector.shape_cast %get3A_978 : vector<1x1x16xf32> to vector<16xf32>
        %mul3A_980 = arith.constant 11.3137083 : f32
        %mul3A_981 = vector.broadcast %mul3A_980 : f32 to vector<16xf32>
        %mul3A_982 = arith.mulf %get3A_979, %mul3A_981 : vector<16xf32>
        %swap3A_983 = arith.constant 3 : i32
        %swap3A_984 = arith.index_cast %swap3A_983 : i32 to index
        %swap3A_985 = arith.index_cast %add3A_895 : i32 to index
        %swap3A_986 = arith.constant 80 : index
        %swap3A_987 = tpu.vector_load %arg6[%swap3A_984, %swap3A_985, %swap3A_986] {strides = array<i32>} : memref<8x100x128xf32, #tpu.memory_space<vmem>>, vector<1x1x16xf32>,
        %swap3A_988 = vector.shape_cast %swap3A_987 : vector<1x1x16xf32> to vector<16xf32>
        %swap3A_989 = vector.shape_cast %mul3A_982 : vector<16xf32> to vector<1x1x16xf32>
        tpu.vector_store %arg6[%swap3A_984, %swap3A_985, %swap3A_986], %swap3A_989 {strides = array<i32>} : memref<8x100x128xf32, #tpu.memory_space<vmem>>, vector<1x1x16xf32>,
        %get3A_990 = arith.constant 3 : i32
        %get3A_991 = arith.index_cast %get3A_990 : i32 to index
        %get3A_992 = arith.index_cast %add3A_895 : i32 to index
        %get3A_993 = arith.constant 96 : index
        %get3A_994 = tpu.vector_load %arg6[%get3A_991, %get3A_992, %get3A_993] {strides = array<i32>} : memref<8x100x128xf32, #tpu.memory_space<vmem>>, vector<1x1x16xf32>,
        %get3A_995 = vector.shape_cast %get3A_994 : vector<1x1x16xf32> to vector<16xf32>
        %mul3A_996 = arith.constant 11.3137083 : f32
        %mul3A_997 = vector.broadcast %mul3A_996 : f32 to vector<16xf32>
        %mul3A_998 = arith.mulf %get3A_995, %mul3A_997 : vector<16xf32>
        %swap3A_999 = arith.constant 3 : i32
        %swap3A_1000 = arith.index_cast %swap3A_999 : i32 to index
        %swap3A_1001 = arith.index_cast %add3A_895 : i32 to index
        %swap3A_1002 = arith.constant 96 : index
        %swap3A_1003 = tpu.vector_load %arg6[%swap3A_1000, %swap3A_1001, %swap3A_1002] {strides = array<i32>} : memref<8x100x128xf32, #tpu.memory_space<vmem>>, vector<1x1x16xf32>,
        %swap3A_1004 = vector.shape_cast %swap3A_1003 : vector<1x1x16xf32> to vector<16xf32>
        %swap3A_1005 = vector.shape_cast %mul3A_998 : vector<16xf32> to vector<1x1x16xf32>
        tpu.vector_store %arg6[%swap3A_1000, %swap3A_1001, %swap3A_1002], %swap3A_1005 {strides = array<i32>} : memref<8x100x128xf32, #tpu.memory_space<vmem>>, vector<1x1x16xf32>,
        %get3A_1006 = arith.constant 3 : i32
        %get3A_1007 = arith.index_cast %get3A_1006 : i32 to index
        %get3A_1008 = arith.index_cast %add3A_895 : i32 to index
        %get3A_1009 = arith.constant 112 : index
        %get3A_1010 = tpu.vector_load %arg6[%get3A_1007, %get3A_1008, %get3A_1009] {strides = array<i32>} : memref<8x100x128xf32, #tpu.memory_space<vmem>>, vector<1x1x16xf32>,
        %get3A_1011 = vector.shape_cast %get3A_1010 : vector<1x1x16xf32> to vector<16xf32>
        %mul3A_1012 = arith.constant 11.3137083 : f32
        %mul3A_1013 = vector.broadcast %mul3A_1012 : f32 to vector<16xf32>
        %mul3A_1014 = arith.mulf %get3A_1011, %mul3A_1013 : vector<16xf32>
        %swap3A_1015 = arith.constant 3 : i32
        %swap3A_1016 = arith.index_cast %swap3A_1015 : i32 to index
        %swap3A_1017 = arith.index_cast %add3A_895 : i32 to index
        %swap3A_1018 = arith.constant 112 : index
        %swap3A_1019 = tpu.vector_load %arg6[%swap3A_1016, %swap3A_1017, %swap3A_1018] {strides = array<i32>} : memref<8x100x128xf32, #tpu.memory_space<vmem>>, vector<1x1x16xf32>,
        %swap3A_1020 = vector.shape_cast %swap3A_1019 : vector<1x1x16xf32> to vector<16xf32>
        %swap3A_1021 = vector.shape_cast %mul3A_1014 : vector<16xf32> to vector<1x1x16xf32>
        tpu.vector_store %arg6[%swap3A_1016, %swap3A_1017, %swap3A_1018], %swap3A_1021 {strides = array<i32>} : memref<8x100x128xf32, #tpu.memory_space<vmem>>, vector<1x1x16xf32>,
      }
      %scan3A_570 = arith.constant 100 : i32
      %mul3A_571 = arith.constant 2 : i32
      %mul3A_572 = arith.muli %add3A_547, %mul3A_571 : i32
      %add3A_573 = arith.addi %mul3A_2, %mul3A_572 : i32
      %add3A_574 = arith.constant 0 : i32
      %add3A_575 = arith.addi %add3A_573, %add3A_574 : i32
      %dma_start3A_576 = arith.constant 3 : i32
      %dma_start3A_577 = arith.constant 0 : i32
      %dma_start3A_578 = arith.constant 0 : i32
      %dma_start3A_579 = tpu.memref_slice %arg6[%dma_start3A_576, %dma_start3A_577, %dma_start3A_578] : memref<8x100x128xf32, #tpu.memory_space<vmem>> -> memref<1x50x128xf32, #tpu.memory_space<vmem>>
      %dma_start3A_580 = tpu.memref_squeeze %dma_start3A_579 : memref<1x50x128xf32, #tpu.memory_space<vmem>> -> memref<50x128xf32, #tpu.memory_space<vmem>>
      %dma_start3A_581 = arith.constant 0 : i32
      %dma_start3A_582 = arith.constant 0 : i32
      %dma_start3A_583 = tpu.memref_slice %arg4[%add3A_575, %dma_start3A_581, %dma_start3A_582] : memref<4096x50x128xf32, #tpu.memory_space<hbm>> -> memref<1x50x128xf32, #tpu.memory_space<hbm>>
      %dma_start3A_584 = tpu.memref_squeeze %dma_start3A_583 : memref<1x50x128xf32, #tpu.memory_space<hbm>> -> memref<50x128xf32, #tpu.memory_space<hbm>>
      %dma_start3A_585 = arith.constant 0 : i32
      %dma_start3A_586 = arith.constant 0 : i32
      %dma_start3A_587 = tpu.memref_slice %arg4[%add3A_575, %dma_start3A_585, %dma_start3A_586] : memref<4096x50x128xf32, #tpu.memory_space<hbm>> -> memref<1x50x128xf32, #tpu.memory_space<hbm>>
      %dma_start3A_588 = tpu.memref_squeeze %dma_start3A_587 : memref<1x50x128xf32, #tpu.memory_space<hbm>> -> memref<50x128xf32, #tpu.memory_space<hbm>>
      %dma_start3A_589 = arith.constant 0 : i32
      %dma_start3A_590 = arith.constant 0 : i32
      %dma_start3A_591 = tpu.memref_slice %arg6[%dma_start3A_576, %dma_start3A_589, %dma_start3A_590] : memref<8x100x128xf32, #tpu.memory_space<vmem>> -> memref<1x50x128xf32, #tpu.memory_space<vmem>>
      %dma_start3A_592 = tpu.memref_squeeze %dma_start3A_591 : memref<1x50x128xf32, #tpu.memory_space<vmem>> -> memref<50x128xf32, #tpu.memory_space<vmem>>
      tpu.enqueue_dma source(%dma_start3A_592 : memref<50x128xf32, #tpu.memory_space<vmem>>) target(%dma_start3A_588 : memref<50x128xf32, #tpu.memory_space<hbm>>) target_semaphore(%arg18 : memref<!tpu.dma_semaphore, #tpu.memory_space<semaphore_mem>>)
      %mul3A_593 = arith.constant 2 : i32
      %mul3A_594 = arith.muli %add3A_547, %mul3A_593 : i32
      %add3A_595 = arith.addi %mul3A_2, %mul3A_594 : i32
      %add3A_596 = arith.constant 1 : i32
      %add3A_597 = arith.addi %add3A_595, %add3A_596 : i32
      %dma_start3A_598 = arith.constant 3 : i32
      %dma_start3A_599 = arith.constant 50 : i32
      %dma_start3A_600 = arith.constant 0 : i32
      %dma_start3A_601 = tpu.memref_slice %arg6[%dma_start3A_598, %dma_start3A_599, %dma_start3A_600] : memref<8x100x128xf32, #tpu.memory_space<vmem>> -> memref<1x50x128xf32, #tpu.memory_space<vmem>>
      %dma_start3A_602 = tpu.memref_squeeze %dma_start3A_601 : memref<1x50x128xf32, #tpu.memory_space<vmem>> -> memref<50x128xf32, #tpu.memory_space<vmem>>
      %dma_start3A_603 = arith.constant 0 : i32
      %dma_start3A_604 = arith.constant 0 : i32
      %dma_start3A_605 = tpu.memref_slice %arg4[%add3A_597, %dma_start3A_603, %dma_start3A_604] : memref<4096x50x128xf32, #tpu.memory_space<hbm>> -> memref<1x50x128xf32, #tpu.memory_space<hbm>>
      %dma_start3A_606 = tpu.memref_squeeze %dma_start3A_605 : memref<1x50x128xf32, #tpu.memory_space<hbm>> -> memref<50x128xf32, #tpu.memory_space<hbm>>
      %dma_start3A_607 = arith.constant 0 : i32
      %dma_start3A_608 = arith.constant 0 : i32
      %dma_start3A_609 = tpu.memref_slice %arg4[%add3A_597, %dma_start3A_607, %dma_start3A_608] : memref<4096x50x128xf32, #tpu.memory_space<hbm>> -> memref<1x50x128xf32, #tpu.memory_space<hbm>>
      %dma_start3A_610 = tpu.memref_squeeze %dma_start3A_609 : memref<1x50x128xf32, #tpu.memory_space<hbm>> -> memref<50x128xf32, #tpu.memory_space<hbm>>
      %dma_start3A_611 = arith.constant 50 : i32
      %dma_start3A_612 = arith.constant 0 : i32
      %dma_start3A_613 = tpu.memref_slice %arg6[%dma_start3A_598, %dma_start3A_611, %dma_start3A_612] : memref<8x100x128xf32, #tpu.memory_space<vmem>> -> memref<1x50x128xf32, #tpu.memory_space<vmem>>
      %dma_start3A_614 = tpu.memref_squeeze %dma_start3A_613 : memref<1x50x128xf32, #tpu.memory_space<vmem>> -> memref<50x128xf32, #tpu.memory_space<vmem>>
      tpu.enqueue_dma source(%dma_start3A_614 : memref<50x128xf32, #tpu.memory_space<vmem>>) target(%dma_start3A_610 : memref<50x128xf32, #tpu.memory_space<hbm>>) target_semaphore(%arg18 : memref<!tpu.dma_semaphore, #tpu.memory_space<semaphore_mem>>)
      %add3A_615 = arith.constant 4 : i32
      %add3A_616 = arith.addi %add3A_341, %add3A_615 : i32
      %add3A_617 = arith.constant 5 : i32
      %add3A_618 = arith.addi %add3A_616, %add3A_617 : i32
      %lt3A_619 = arith.constant 64 : i32
      %lt3A_620 = arith.cmpi slt, %add3A_618, %lt3A_619 : i32
      %convert_element_type3A_621 = arith.extui %lt3A_620 : i1 to i32
      %cond3A_622 = arith.constant 0 : i32
      %cond3A_623 = arith.cmpi ne, %convert_element_type3A_621, %cond3A_622 : i32
      scf.if %cond3A_623 {
        %ge3A = arith.constant 3 : i32
        %ge3A_891 = arith.cmpi sge, %add3A_616, %ge3A : i32
        %convert_element_type3A_892 = arith.extui %ge3A_891 : i1 to i32
        %cond3A_893 = arith.constant 0 : i32
        %cond3A_894 = arith.cmpi ne, %convert_element_type3A_892, %cond3A_893 : i32
        scf.if %cond3A_894 {
          %dma_wait3A_908 = arith.constant 1 : i32
          %dma_wait3A_909 = arith.constant 0 : i32
          %dma_wait3A_910 = arith.constant 0 : i32
          %dma_wait3A_911 = tpu.memref_slice %arg6[%dma_wait3A_908, %dma_wait3A_909, %dma_wait3A_910] : memref<8x100x128xf32, #tpu.memory_space<vmem>> -> memref<1x50x128xf32, #tpu.memory_space<vmem>>
          %dma_wait3A_912 = tpu.memref_squeeze %dma_wait3A_911 : memref<1x50x128xf32, #tpu.memory_space<vmem>> -> memref<50x128xf32, #tpu.memory_space<vmem>>
          %dma_wait3A_913 = arith.constant 0 : i32
          %dma_wait3A_914 = arith.constant 0 : i32
          %dma_wait3A_915 = tpu.memref_slice %arg4[%mul3A_2, %dma_wait3A_913, %dma_wait3A_914] : memref<4096x50x128xf32, #tpu.memory_space<hbm>> -> memref<1x50x128xf32, #tpu.memory_space<hbm>>
          %dma_wait3A_916 = tpu.memref_squeeze %dma_wait3A_915 : memref<1x50x128xf32, #tpu.memory_space<hbm>> -> memref<50x128xf32, #tpu.memory_space<hbm>>
          %dma_wait3A_917 = arith.constant 0 : i32
          %dma_wait3A_918 = arith.constant 0 : i32
          %dma_wait3A_919 = tpu.memref_slice %arg4[%mul3A_2, %dma_wait3A_917, %dma_wait3A_918] : memref<4096x50x128xf32, #tpu.memory_space<hbm>> -> memref<1x50x128xf32, #tpu.memory_space<hbm>>
          %dma_wait3A_920 = tpu.memref_squeeze %dma_wait3A_919 : memref<1x50x128xf32, #tpu.memory_space<hbm>> -> memref<50x128xf32, #tpu.memory_space<hbm>>
          %dma_wait3A_921 = arith.constant 0 : i32
          %dma_wait3A_922 = arith.constant 0 : i32
          %dma_wait3A_923 = tpu.memref_slice %arg6[%dma_wait3A_908, %dma_wait3A_921, %dma_wait3A_922] : memref<8x100x128xf32, #tpu.memory_space<vmem>> -> memref<1x50x128xf32, #tpu.memory_space<vmem>>
          %dma_wait3A_924 = tpu.memref_squeeze %dma_wait3A_923 : memref<1x50x128xf32, #tpu.memory_space<vmem>> -> memref<50x128xf32, #tpu.memory_space<vmem>>
          tpu.wait_dma2 semaphore(%arg16 : memref<!tpu.dma_semaphore, #tpu.memory_space<semaphore_mem>>) src(%dma_wait3A_924 : memref<50x128xf32, #tpu.memory_space<vmem>>) dst(%dma_wait3A_920 : memref<50x128xf32, #tpu.memory_space<hbm>>)
          %dma_wait3A_925 = arith.constant 1 : i32
          %dma_wait3A_926 = arith.constant 50 : i32
          %dma_wait3A_927 = arith.constant 0 : i32
          %dma_wait3A_928 = tpu.memref_slice %arg6[%dma_wait3A_925, %dma_wait3A_926, %dma_wait3A_927] : memref<8x100x128xf32, #tpu.memory_space<vmem>> -> memref<1x50x128xf32, #tpu.memory_space<vmem>>
          %dma_wait3A_929 = tpu.memref_squeeze %dma_wait3A_928 : memref<1x50x128xf32, #tpu.memory_space<vmem>> -> memref<50x128xf32, #tpu.memory_space<vmem>>
          %dma_wait3A_930 = arith.constant 0 : i32
          %dma_wait3A_931 = arith.constant 0 : i32
          %dma_wait3A_932 = tpu.memref_slice %arg4[%mul3A_2, %dma_wait3A_930, %dma_wait3A_931] : memref<4096x50x128xf32, #tpu.memory_space<hbm>> -> memref<1x50x128xf32, #tpu.memory_space<hbm>>
          %dma_wait3A_933 = tpu.memref_squeeze %dma_wait3A_932 : memref<1x50x128xf32, #tpu.memory_space<hbm>> -> memref<50x128xf32, #tpu.memory_space<hbm>>
          %dma_wait3A_934 = arith.constant 0 : i32
          %dma_wait3A_935 = arith.constant 0 : i32
          %dma_wait3A_936 = tpu.memref_slice %arg4[%mul3A_2, %dma_wait3A_934, %dma_wait3A_935] : memref<4096x50x128xf32, #tpu.memory_space<hbm>> -> memref<1x50x128xf32, #tpu.memory_space<hbm>>
          %dma_wait3A_937 = tpu.memref_squeeze %dma_wait3A_936 : memref<1x50x128xf32, #tpu.memory_space<hbm>> -> memref<50x128xf32, #tpu.memory_space<hbm>>
          %dma_wait3A_938 = arith.constant 50 : i32
          %dma_wait3A_939 = arith.constant 0 : i32
          %dma_wait3A_940 = tpu.memref_slice %arg6[%dma_wait3A_925, %dma_wait3A_938, %dma_wait3A_939] : memref<8x100x128xf32, #tpu.memory_space<vmem>> -> memref<1x50x128xf32, #tpu.memory_space<vmem>>
          %dma_wait3A_941 = tpu.memref_squeeze %dma_wait3A_940 : memref<1x50x128xf32, #tpu.memory_space<vmem>> -> memref<50x128xf32, #tpu.memory_space<vmem>>
          tpu.wait_dma2 semaphore(%arg16 : memref<!tpu.dma_semaphore, #tpu.memory_space<semaphore_mem>>) src(%dma_wait3A_941 : memref<50x128xf32, #tpu.memory_space<vmem>>) dst(%dma_wait3A_937 : memref<50x128xf32, #tpu.memory_space<hbm>>)
        } else {
        }
        %add3A_895 = arith.constant 5 : i32
        %add3A_896 = arith.addi %add3A_616, %add3A_895 : i32
        %dma_start3A_897 = arith.constant 1 : i32
        %dma_start3A_898 = arith.constant 0 : i32
        %dma_start3A_899 = arith.constant 0 : i32
        %dma_start3A_900 = tpu.memref_slice %arg6[%dma_start3A_897, %dma_start3A_898, %dma_start3A_899] : memref<8x100x128xf32, #tpu.memory_space<vmem>> -> memref<1x100x128xf32, #tpu.memory_space<vmem>>
        %dma_start3A_901 = tpu.memref_squeeze %dma_start3A_900 : memref<1x100x128xf32, #tpu.memory_space<vmem>> -> memref<100x128xf32, #tpu.memory_space<vmem>>
        %dma_start3A_902 = arith.constant 0 : i32
        %dma_start3A_903 = tpu.memref_slice %arg5[%add3A_896, %dma_start3A_902] : memref<64x100xi32, #tpu.memory_space<vmem>> -> memref<1x100xi32, #tpu.memory_space<vmem>>
        %dma_start3A_904 = tpu.memref_squeeze %dma_start3A_903 : memref<1x100xi32, #tpu.memory_space<vmem>> -> memref<100xi32, #tpu.memory_space<vmem>>
        %dma_start3A_905 = arith.constant 0 : i32
        %dma_start3A_906 = arith.constant 0 : i32
        %dma_start3A_907 = tpu.memref_slice %arg2[%dma_start3A_905, %dma_start3A_906] : memref<100000x128xf32, #tpu.memory_space<hbm>> -> memref<100000x128xf32, #tpu.memory_space<hbm>>
        tpu.enqueue_indirect_dma source(%dma_start3A_907 : memref<100000x128xf32, #tpu.memory_space<hbm>>) target(%dma_start3A_901 : memref<100x128xf32, #tpu.memory_space<vmem>>) offsets(%dma_start3A_904 : memref<100xi32, #tpu.memory_space<vmem>>) semaphore(%arg8 : memref<!tpu.dma_semaphore, #tpu.memory_space<semaphore_mem>>)
      } else {
      }
      %dma_wait3A_624 = arith.constant 4 : i32
      %dma_wait3A_625 = arith.constant 0 : i32
      %dma_wait3A_626 = arith.constant 0 : i32
      %dma_wait3A_627 = tpu.memref_slice %arg6[%dma_wait3A_624, %dma_wait3A_625, %dma_wait3A_626] : memref<8x100x128xf32, #tpu.memory_space<vmem>> -> memref<1x100x128xf32, #tpu.memory_space<vmem>>
      %dma_wait3A_628 = tpu.memref_squeeze %dma_wait3A_627 : memref<1x100x128xf32, #tpu.memory_space<vmem>> -> memref<100x128xf32, #tpu.memory_space<vmem>>
      %dma_wait3A_629 = arith.constant 0 : i32
      %dma_wait3A_630 = tpu.memref_slice %arg5[%add3A_616, %dma_wait3A_629] : memref<64x100xi32, #tpu.memory_space<vmem>> -> memref<1x100xi32, #tpu.memory_space<vmem>>
      %dma_wait3A_631 = tpu.memref_squeeze %dma_wait3A_630 : memref<1x100xi32, #tpu.memory_space<vmem>> -> memref<100xi32, #tpu.memory_space<vmem>>
      %dma_wait3A_632 = arith.constant 0 : i32
      %dma_wait3A_633 = arith.constant 0 : i32
      %dma_wait3A_634 = tpu.memref_slice %arg2[%dma_wait3A_632, %dma_wait3A_633] : memref<100000x128xf32, #tpu.memory_space<hbm>> -> memref<100000x128xf32, #tpu.memory_space<hbm>>
      tpu.wait_indirect_dma semaphore(%arg11 : memref<!tpu.dma_semaphore, #tpu.memory_space<semaphore_mem>>) src(%dma_wait3A_634 : memref<100000x128xf32, #tpu.memory_space<hbm>>) dst(%dma_wait3A_628 : memref<100x128xf32, #tpu.memory_space<vmem>>)
      %scan3A_635 = arith.constant 0 : i32
      %scan3A_636 = arith.constant 100 : i32
      %scan3A_637 = arith.addi %scan3A_635, %scan3A_636 : i32
      %scan3A_638 = arith.constant 1 : i32
      scf.for %scan3A_891 = %scan3A_635 to %scan3A_637 step %scan3A_638  : i32 {
        %mul3A_892 = arith.constant 1 : i32
        %mul3A_893 = arith.muli %scan3A_891, %mul3A_892 : i32
        %add3A_894 = arith.constant 0 : i32
        %add3A_895 = arith.addi %add3A_894, %mul3A_893 : i32
        %get3A = arith.constant 4 : i32
        %get3A_896 = arith.index_cast %get3A : i32 to index
        %get3A_897 = arith.index_cast %add3A_895 : i32 to index
        %get3A_898 = arith.constant 0 : index
        %get3A_899 = tpu.vector_load %arg6[%get3A_896, %get3A_897, %get3A_898] {strides = array<i32>} : memref<8x100x128xf32, #tpu.memory_space<vmem>>, vector<1x1x16xf32>,
        %get3A_900 = vector.shape_cast %get3A_899 : vector<1x1x16xf32> to vector<16xf32>
        %mul3A_901 = arith.constant 11.3137083 : f32
        %mul3A_902 = vector.broadcast %mul3A_901 : f32 to vector<16xf32>
        %mul3A_903 = arith.mulf %get3A_900, %mul3A_902 : vector<16xf32>
        %swap3A = arith.constant 4 : i32
        %swap3A_904 = arith.index_cast %swap3A : i32 to index
        %swap3A_905 = arith.index_cast %add3A_895 : i32 to index
        %swap3A_906 = arith.constant 0 : index
        %swap3A_907 = tpu.vector_load %arg6[%swap3A_904, %swap3A_905, %swap3A_906] {strides = array<i32>} : memref<8x100x128xf32, #tpu.memory_space<vmem>>, vector<1x1x16xf32>,
        %swap3A_908 = vector.shape_cast %swap3A_907 : vector<1x1x16xf32> to vector<16xf32>
        %swap3A_909 = vector.shape_cast %mul3A_903 : vector<16xf32> to vector<1x1x16xf32>
        tpu.vector_store %arg6[%swap3A_904, %swap3A_905, %swap3A_906], %swap3A_909 {strides = array<i32>} : memref<8x100x128xf32, #tpu.memory_space<vmem>>, vector<1x1x16xf32>,
        %get3A_910 = arith.constant 4 : i32
        %get3A_911 = arith.index_cast %get3A_910 : i32 to index
        %get3A_912 = arith.index_cast %add3A_895 : i32 to index
        %get3A_913 = arith.constant 16 : index
        %get3A_914 = tpu.vector_load %arg6[%get3A_911, %get3A_912, %get3A_913] {strides = array<i32>} : memref<8x100x128xf32, #tpu.memory_space<vmem>>, vector<1x1x16xf32>,
        %get3A_915 = vector.shape_cast %get3A_914 : vector<1x1x16xf32> to vector<16xf32>
        %mul3A_916 = arith.constant 11.3137083 : f32
        %mul3A_917 = vector.broadcast %mul3A_916 : f32 to vector<16xf32>
        %mul3A_918 = arith.mulf %get3A_915, %mul3A_917 : vector<16xf32>
        %swap3A_919 = arith.constant 4 : i32
        %swap3A_920 = arith.index_cast %swap3A_919 : i32 to index
        %swap3A_921 = arith.index_cast %add3A_895 : i32 to index
        %swap3A_922 = arith.constant 16 : index
        %swap3A_923 = tpu.vector_load %arg6[%swap3A_920, %swap3A_921, %swap3A_922] {strides = array<i32>} : memref<8x100x128xf32, #tpu.memory_space<vmem>>, vector<1x1x16xf32>,
        %swap3A_924 = vector.shape_cast %swap3A_923 : vector<1x1x16xf32> to vector<16xf32>
        %swap3A_925 = vector.shape_cast %mul3A_918 : vector<16xf32> to vector<1x1x16xf32>
        tpu.vector_store %arg6[%swap3A_920, %swap3A_921, %swap3A_922], %swap3A_925 {strides = array<i32>} : memref<8x100x128xf32, #tpu.memory_space<vmem>>, vector<1x1x16xf32>,
        %get3A_926 = arith.constant 4 : i32
        %get3A_927 = arith.index_cast %get3A_926 : i32 to index
        %get3A_928 = arith.index_cast %add3A_895 : i32 to index
        %get3A_929 = arith.constant 32 : index
        %get3A_930 = tpu.vector_load %arg6[%get3A_927, %get3A_928, %get3A_929] {strides = array<i32>} : memref<8x100x128xf32, #tpu.memory_space<vmem>>, vector<1x1x16xf32>,
        %get3A_931 = vector.shape_cast %get3A_930 : vector<1x1x16xf32> to vector<16xf32>
        %mul3A_932 = arith.constant 11.3137083 : f32
        %mul3A_933 = vector.broadcast %mul3A_932 : f32 to vector<16xf32>
        %mul3A_934 = arith.mulf %get3A_931, %mul3A_933 : vector<16xf32>
        %swap3A_935 = arith.constant 4 : i32
        %swap3A_936 = arith.index_cast %swap3A_935 : i32 to index
        %swap3A_937 = arith.index_cast %add3A_895 : i32 to index
        %swap3A_938 = arith.constant 32 : index
        %swap3A_939 = tpu.vector_load %arg6[%swap3A_936, %swap3A_937, %swap3A_938] {strides = array<i32>} : memref<8x100x128xf32, #tpu.memory_space<vmem>>, vector<1x1x16xf32>,
        %swap3A_940 = vector.shape_cast %swap3A_939 : vector<1x1x16xf32> to vector<16xf32>
        %swap3A_941 = vector.shape_cast %mul3A_934 : vector<16xf32> to vector<1x1x16xf32>
        tpu.vector_store %arg6[%swap3A_936, %swap3A_937, %swap3A_938], %swap3A_941 {strides = array<i32>} : memref<8x100x128xf32, #tpu.memory_space<vmem>>, vector<1x1x16xf32>,
        %get3A_942 = arith.constant 4 : i32
        %get3A_943 = arith.index_cast %get3A_942 : i32 to index
        %get3A_944 = arith.index_cast %add3A_895 : i32 to index
        %get3A_945 = arith.constant 48 : index
        %get3A_946 = tpu.vector_load %arg6[%get3A_943, %get3A_944, %get3A_945] {strides = array<i32>} : memref<8x100x128xf32, #tpu.memory_space<vmem>>, vector<1x1x16xf32>,
        %get3A_947 = vector.shape_cast %get3A_946 : vector<1x1x16xf32> to vector<16xf32>
        %mul3A_948 = arith.constant 11.3137083 : f32
        %mul3A_949 = vector.broadcast %mul3A_948 : f32 to vector<16xf32>
        %mul3A_950 = arith.mulf %get3A_947, %mul3A_949 : vector<16xf32>
        %swap3A_951 = arith.constant 4 : i32
        %swap3A_952 = arith.index_cast %swap3A_951 : i32 to index
        %swap3A_953 = arith.index_cast %add3A_895 : i32 to index
        %swap3A_954 = arith.constant 48 : index
        %swap3A_955 = tpu.vector_load %arg6[%swap3A_952, %swap3A_953, %swap3A_954] {strides = array<i32>} : memref<8x100x128xf32, #tpu.memory_space<vmem>>, vector<1x1x16xf32>,
        %swap3A_956 = vector.shape_cast %swap3A_955 : vector<1x1x16xf32> to vector<16xf32>
        %swap3A_957 = vector.shape_cast %mul3A_950 : vector<16xf32> to vector<1x1x16xf32>
        tpu.vector_store %arg6[%swap3A_952, %swap3A_953, %swap3A_954], %swap3A_957 {strides = array<i32>} : memref<8x100x128xf32, #tpu.memory_space<vmem>>, vector<1x1x16xf32>,
        %get3A_958 = arith.constant 4 : i32
        %get3A_959 = arith.index_cast %get3A_958 : i32 to index
        %get3A_960 = arith.index_cast %add3A_895 : i32 to index
        %get3A_961 = arith.constant 64 : index
        %get3A_962 = tpu.vector_load %arg6[%get3A_959, %get3A_960, %get3A_961] {strides = array<i32>} : memref<8x100x128xf32, #tpu.memory_space<vmem>>, vector<1x1x16xf32>,
        %get3A_963 = vector.shape_cast %get3A_962 : vector<1x1x16xf32> to vector<16xf32>
        %mul3A_964 = arith.constant 11.3137083 : f32
        %mul3A_965 = vector.broadcast %mul3A_964 : f32 to vector<16xf32>
        %mul3A_966 = arith.mulf %get3A_963, %mul3A_965 : vector<16xf32>
        %swap3A_967 = arith.constant 4 : i32
        %swap3A_968 = arith.index_cast %swap3A_967 : i32 to index
        %swap3A_969 = arith.index_cast %add3A_895 : i32 to index
        %swap3A_970 = arith.constant 64 : index
        %swap3A_971 = tpu.vector_load %arg6[%swap3A_968, %swap3A_969, %swap3A_970] {strides = array<i32>} : memref<8x100x128xf32, #tpu.memory_space<vmem>>, vector<1x1x16xf32>,
        %swap3A_972 = vector.shape_cast %swap3A_971 : vector<1x1x16xf32> to vector<16xf32>
        %swap3A_973 = vector.shape_cast %mul3A_966 : vector<16xf32> to vector<1x1x16xf32>
        tpu.vector_store %arg6[%swap3A_968, %swap3A_969, %swap3A_970], %swap3A_973 {strides = array<i32>} : memref<8x100x128xf32, #tpu.memory_space<vmem>>, vector<1x1x16xf32>,
        %get3A_974 = arith.constant 4 : i32
        %get3A_975 = arith.index_cast %get3A_974 : i32 to index
        %get3A_976 = arith.index_cast %add3A_895 : i32 to index
        %get3A_977 = arith.constant 80 : index
        %get3A_978 = tpu.vector_load %arg6[%get3A_975, %get3A_976, %get3A_977] {strides = array<i32>} : memref<8x100x128xf32, #tpu.memory_space<vmem>>, vector<1x1x16xf32>,
        %get3A_979 = vector.shape_cast %get3A_978 : vector<1x1x16xf32> to vector<16xf32>
        %mul3A_980 = arith.constant 11.3137083 : f32
        %mul3A_981 = vector.broadcast %mul3A_980 : f32 to vector<16xf32>
        %mul3A_982 = arith.mulf %get3A_979, %mul3A_981 : vector<16xf32>
        %swap3A_983 = arith.constant 4 : i32
        %swap3A_984 = arith.index_cast %swap3A_983 : i32 to index
        %swap3A_985 = arith.index_cast %add3A_895 : i32 to index
        %swap3A_986 = arith.constant 80 : index
        %swap3A_987 = tpu.vector_load %arg6[%swap3A_984, %swap3A_985, %swap3A_986] {strides = array<i32>} : memref<8x100x128xf32, #tpu.memory_space<vmem>>, vector<1x1x16xf32>,
        %swap3A_988 = vector.shape_cast %swap3A_987 : vector<1x1x16xf32> to vector<16xf32>
        %swap3A_989 = vector.shape_cast %mul3A_982 : vector<16xf32> to vector<1x1x16xf32>
        tpu.vector_store %arg6[%swap3A_984, %swap3A_985, %swap3A_986], %swap3A_989 {strides = array<i32>} : memref<8x100x128xf32, #tpu.memory_space<vmem>>, vector<1x1x16xf32>,
        %get3A_990 = arith.constant 4 : i32
        %get3A_991 = arith.index_cast %get3A_990 : i32 to index
        %get3A_992 = arith.index_cast %add3A_895 : i32 to index
        %get3A_993 = arith.constant 96 : index
        %get3A_994 = tpu.vector_load %arg6[%get3A_991, %get3A_992, %get3A_993] {strides = array<i32>} : memref<8x100x128xf32, #tpu.memory_space<vmem>>, vector<1x1x16xf32>,
        %get3A_995 = vector.shape_cast %get3A_994 : vector<1x1x16xf32> to vector<16xf32>
        %mul3A_996 = arith.constant 11.3137083 : f32
        %mul3A_997 = vector.broadcast %mul3A_996 : f32 to vector<16xf32>
        %mul3A_998 = arith.mulf %get3A_995, %mul3A_997 : vector<16xf32>
        %swap3A_999 = arith.constant 4 : i32
        %swap3A_1000 = arith.index_cast %swap3A_999 : i32 to index
        %swap3A_1001 = arith.index_cast %add3A_895 : i32 to index
        %swap3A_1002 = arith.constant 96 : index
        %swap3A_1003 = tpu.vector_load %arg6[%swap3A_1000, %swap3A_1001, %swap3A_1002] {strides = array<i32>} : memref<8x100x128xf32, #tpu.memory_space<vmem>>, vector<1x1x16xf32>,
        %swap3A_1004 = vector.shape_cast %swap3A_1003 : vector<1x1x16xf32> to vector<16xf32>
        %swap3A_1005 = vector.shape_cast %mul3A_998 : vector<16xf32> to vector<1x1x16xf32>
        tpu.vector_store %arg6[%swap3A_1000, %swap3A_1001, %swap3A_1002], %swap3A_1005 {strides = array<i32>} : memref<8x100x128xf32, #tpu.memory_space<vmem>>, vector<1x1x16xf32>,
        %get3A_1006 = arith.constant 4 : i32
        %get3A_1007 = arith.index_cast %get3A_1006 : i32 to index
        %get3A_1008 = arith.index_cast %add3A_895 : i32 to index
        %get3A_1009 = arith.constant 112 : index
        %get3A_1010 = tpu.vector_load %arg6[%get3A_1007, %get3A_1008, %get3A_1009] {strides = array<i32>} : memref<8x100x128xf32, #tpu.memory_space<vmem>>, vector<1x1x16xf32>,
        %get3A_1011 = vector.shape_cast %get3A_1010 : vector<1x1x16xf32> to vector<16xf32>
        %mul3A_1012 = arith.constant 11.3137083 : f32
        %mul3A_1013 = vector.broadcast %mul3A_1012 : f32 to vector<16xf32>
        %mul3A_1014 = arith.mulf %get3A_1011, %mul3A_1013 : vector<16xf32>
        %swap3A_1015 = arith.constant 4 : i32
        %swap3A_1016 = arith.index_cast %swap3A_1015 : i32 to index
        %swap3A_1017 = arith.index_cast %add3A_895 : i32 to index
        %swap3A_1018 = arith.constant 112 : index
        %swap3A_1019 = tpu.vector_load %arg6[%swap3A_1016, %swap3A_1017, %swap3A_1018] {strides = array<i32>} : memref<8x100x128xf32, #tpu.memory_space<vmem>>, vector<1x1x16xf32>,
        %swap3A_1020 = vector.shape_cast %swap3A_1019 : vector<1x1x16xf32> to vector<16xf32>
        %swap3A_1021 = vector.shape_cast %mul3A_1014 : vector<16xf32> to vector<1x1x16xf32>
        tpu.vector_store %arg6[%swap3A_1016, %swap3A_1017, %swap3A_1018], %swap3A_1021 {strides = array<i32>} : memref<8x100x128xf32, #tpu.memory_space<vmem>>, vector<1x1x16xf32>,
      }
      %scan3A_639 = arith.constant 100 : i32
      %mul3A_640 = arith.constant 2 : i32
      %mul3A_641 = arith.muli %add3A_616, %mul3A_640 : i32
      %add3A_642 = arith.addi %mul3A_2, %mul3A_641 : i32
      %add3A_643 = arith.constant 0 : i32
      %add3A_644 = arith.addi %add3A_642, %add3A_643 : i32
      %dma_start3A_645 = arith.constant 4 : i32
      %dma_start3A_646 = arith.constant 0 : i32
      %dma_start3A_647 = arith.constant 0 : i32
      %dma_start3A_648 = tpu.memref_slice %arg6[%dma_start3A_645, %dma_start3A_646, %dma_start3A_647] : memref<8x100x128xf32, #tpu.memory_space<vmem>> -> memref<1x50x128xf32, #tpu.memory_space<vmem>>
      %dma_start3A_649 = tpu.memref_squeeze %dma_start3A_648 : memref<1x50x128xf32, #tpu.memory_space<vmem>> -> memref<50x128xf32, #tpu.memory_space<vmem>>
      %dma_start3A_650 = arith.constant 0 : i32
      %dma_start3A_651 = arith.constant 0 : i32
      %dma_start3A_652 = tpu.memref_slice %arg4[%add3A_644, %dma_start3A_650, %dma_start3A_651] : memref<4096x50x128xf32, #tpu.memory_space<hbm>> -> memref<1x50x128xf32, #tpu.memory_space<hbm>>
      %dma_start3A_653 = tpu.memref_squeeze %dma_start3A_652 : memref<1x50x128xf32, #tpu.memory_space<hbm>> -> memref<50x128xf32, #tpu.memory_space<hbm>>
      %dma_start3A_654 = arith.constant 0 : i32
      %dma_start3A_655 = arith.constant 0 : i32
      %dma_start3A_656 = tpu.memref_slice %arg4[%add3A_644, %dma_start3A_654, %dma_start3A_655] : memref<4096x50x128xf32, #tpu.memory_space<hbm>> -> memref<1x50x128xf32, #tpu.memory_space<hbm>>
      %dma_start3A_657 = tpu.memref_squeeze %dma_start3A_656 : memref<1x50x128xf32, #tpu.memory_space<hbm>> -> memref<50x128xf32, #tpu.memory_space<hbm>>
      %dma_start3A_658 = arith.constant 0 : i32
      %dma_start3A_659 = arith.constant 0 : i32
      %dma_start3A_660 = tpu.memref_slice %arg6[%dma_start3A_645, %dma_start3A_658, %dma_start3A_659] : memref<8x100x128xf32, #tpu.memory_space<vmem>> -> memref<1x50x128xf32, #tpu.memory_space<vmem>>
      %dma_start3A_661 = tpu.memref_squeeze %dma_start3A_660 : memref<1x50x128xf32, #tpu.memory_space<vmem>> -> memref<50x128xf32, #tpu.memory_space<vmem>>
      tpu.enqueue_dma source(%dma_start3A_661 : memref<50x128xf32, #tpu.memory_space<vmem>>) target(%dma_start3A_657 : memref<50x128xf32, #tpu.memory_space<hbm>>) target_semaphore(%arg19 : memref<!tpu.dma_semaphore, #tpu.memory_space<semaphore_mem>>)
      %mul3A_662 = arith.constant 2 : i32
      %mul3A_663 = arith.muli %add3A_616, %mul3A_662 : i32
      %add3A_664 = arith.addi %mul3A_2, %mul3A_663 : i32
      %add3A_665 = arith.constant 1 : i32
      %add3A_666 = arith.addi %add3A_664, %add3A_665 : i32
      %dma_start3A_667 = arith.constant 4 : i32
      %dma_start3A_668 = arith.constant 50 : i32
      %dma_start3A_669 = arith.constant 0 : i32
      %dma_start3A_670 = tpu.memref_slice %arg6[%dma_start3A_667, %dma_start3A_668, %dma_start3A_669] : memref<8x100x128xf32, #tpu.memory_space<vmem>> -> memref<1x50x128xf32, #tpu.memory_space<vmem>>
      %dma_start3A_671 = tpu.memref_squeeze %dma_start3A_670 : memref<1x50x128xf32, #tpu.memory_space<vmem>> -> memref<50x128xf32, #tpu.memory_space<vmem>>
      %dma_start3A_672 = arith.constant 0 : i32
      %dma_start3A_673 = arith.constant 0 : i32
      %dma_start3A_674 = tpu.memref_slice %arg4[%add3A_666, %dma_start3A_672, %dma_start3A_673] : memref<4096x50x128xf32, #tpu.memory_space<hbm>> -> memref<1x50x128xf32, #tpu.memory_space<hbm>>
      %dma_start3A_675 = tpu.memref_squeeze %dma_start3A_674 : memref<1x50x128xf32, #tpu.memory_space<hbm>> -> memref<50x128xf32, #tpu.memory_space<hbm>>
      %dma_start3A_676 = arith.constant 0 : i32
      %dma_start3A_677 = arith.constant 0 : i32
      %dma_start3A_678 = tpu.memref_slice %arg4[%add3A_666, %dma_start3A_676, %dma_start3A_677] : memref<4096x50x128xf32, #tpu.memory_space<hbm>> -> memref<1x50x128xf32, #tpu.memory_space<hbm>>
      %dma_start3A_679 = tpu.memref_squeeze %dma_start3A_678 : memref<1x50x128xf32, #tpu.memory_space<hbm>> -> memref<50x128xf32, #tpu.memory_space<hbm>>
      %dma_start3A_680 = arith.constant 50 : i32
      %dma_start3A_681 = arith.constant 0 : i32
      %dma_start3A_682 = tpu.memref_slice %arg6[%dma_start3A_667, %dma_start3A_680, %dma_start3A_681] : memref<8x100x128xf32, #tpu.memory_space<vmem>> -> memref<1x50x128xf32, #tpu.memory_space<vmem>>
      %dma_start3A_683 = tpu.memref_squeeze %dma_start3A_682 : memref<1x50x128xf32, #tpu.memory_space<vmem>> -> memref<50x128xf32, #tpu.memory_space<vmem>>
      tpu.enqueue_dma source(%dma_start3A_683 : memref<50x128xf32, #tpu.memory_space<vmem>>) target(%dma_start3A_679 : memref<50x128xf32, #tpu.memory_space<hbm>>) target_semaphore(%arg19 : memref<!tpu.dma_semaphore, #tpu.memory_space<semaphore_mem>>)
      %add3A_684 = arith.constant 5 : i32
      %add3A_685 = arith.addi %add3A_341, %add3A_684 : i32
      %add3A_686 = arith.constant 5 : i32
      %add3A_687 = arith.addi %add3A_685, %add3A_686 : i32
      %lt3A_688 = arith.constant 64 : i32
      %lt3A_689 = arith.cmpi slt, %add3A_687, %lt3A_688 : i32
      %convert_element_type3A_690 = arith.extui %lt3A_689 : i1 to i32
      %cond3A_691 = arith.constant 0 : i32
      %cond3A_692 = arith.cmpi ne, %convert_element_type3A_690, %cond3A_691 : i32
      scf.if %cond3A_692 {
        %ge3A = arith.constant 3 : i32
        %ge3A_891 = arith.cmpi sge, %add3A_685, %ge3A : i32
        %convert_element_type3A_892 = arith.extui %ge3A_891 : i1 to i32
        %cond3A_893 = arith.constant 0 : i32
        %cond3A_894 = arith.cmpi ne, %convert_element_type3A_892, %cond3A_893 : i32
        scf.if %cond3A_894 {
          %dma_wait3A_908 = arith.constant 2 : i32
          %dma_wait3A_909 = arith.constant 0 : i32
          %dma_wait3A_910 = arith.constant 0 : i32
          %dma_wait3A_911 = tpu.memref_slice %arg6[%dma_wait3A_908, %dma_wait3A_909, %dma_wait3A_910] : memref<8x100x128xf32, #tpu.memory_space<vmem>> -> memref<1x50x128xf32, #tpu.memory_space<vmem>>
          %dma_wait3A_912 = tpu.memref_squeeze %dma_wait3A_911 : memref<1x50x128xf32, #tpu.memory_space<vmem>> -> memref<50x128xf32, #tpu.memory_space<vmem>>
          %dma_wait3A_913 = arith.constant 0 : i32
          %dma_wait3A_914 = arith.constant 0 : i32
          %dma_wait3A_915 = tpu.memref_slice %arg4[%mul3A_2, %dma_wait3A_913, %dma_wait3A_914] : memref<4096x50x128xf32, #tpu.memory_space<hbm>> -> memref<1x50x128xf32, #tpu.memory_space<hbm>>
          %dma_wait3A_916 = tpu.memref_squeeze %dma_wait3A_915 : memref<1x50x128xf32, #tpu.memory_space<hbm>> -> memref<50x128xf32, #tpu.memory_space<hbm>>
          %dma_wait3A_917 = arith.constant 0 : i32
          %dma_wait3A_918 = arith.constant 0 : i32
          %dma_wait3A_919 = tpu.memref_slice %arg4[%mul3A_2, %dma_wait3A_917, %dma_wait3A_918] : memref<4096x50x128xf32, #tpu.memory_space<hbm>> -> memref<1x50x128xf32, #tpu.memory_space<hbm>>
          %dma_wait3A_920 = tpu.memref_squeeze %dma_wait3A_919 : memref<1x50x128xf32, #tpu.memory_space<hbm>> -> memref<50x128xf32, #tpu.memory_space<hbm>>
          %dma_wait3A_921 = arith.constant 0 : i32
          %dma_wait3A_922 = arith.constant 0 : i32
          %dma_wait3A_923 = tpu.memref_slice %arg6[%dma_wait3A_908, %dma_wait3A_921, %dma_wait3A_922] : memref<8x100x128xf32, #tpu.memory_space<vmem>> -> memref<1x50x128xf32, #tpu.memory_space<vmem>>
          %dma_wait3A_924 = tpu.memref_squeeze %dma_wait3A_923 : memref<1x50x128xf32, #tpu.memory_space<vmem>> -> memref<50x128xf32, #tpu.memory_space<vmem>>
          tpu.wait_dma2 semaphore(%arg17 : memref<!tpu.dma_semaphore, #tpu.memory_space<semaphore_mem>>) src(%dma_wait3A_924 : memref<50x128xf32, #tpu.memory_space<vmem>>) dst(%dma_wait3A_920 : memref<50x128xf32, #tpu.memory_space<hbm>>)
          %dma_wait3A_925 = arith.constant 2 : i32
          %dma_wait3A_926 = arith.constant 50 : i32
          %dma_wait3A_927 = arith.constant 0 : i32
          %dma_wait3A_928 = tpu.memref_slice %arg6[%dma_wait3A_925, %dma_wait3A_926, %dma_wait3A_927] : memref<8x100x128xf32, #tpu.memory_space<vmem>> -> memref<1x50x128xf32, #tpu.memory_space<vmem>>
          %dma_wait3A_929 = tpu.memref_squeeze %dma_wait3A_928 : memref<1x50x128xf32, #tpu.memory_space<vmem>> -> memref<50x128xf32, #tpu.memory_space<vmem>>
          %dma_wait3A_930 = arith.constant 0 : i32
          %dma_wait3A_931 = arith.constant 0 : i32
          %dma_wait3A_932 = tpu.memref_slice %arg4[%mul3A_2, %dma_wait3A_930, %dma_wait3A_931] : memref<4096x50x128xf32, #tpu.memory_space<hbm>> -> memref<1x50x128xf32, #tpu.memory_space<hbm>>
          %dma_wait3A_933 = tpu.memref_squeeze %dma_wait3A_932 : memref<1x50x128xf32, #tpu.memory_space<hbm>> -> memref<50x128xf32, #tpu.memory_space<hbm>>
          %dma_wait3A_934 = arith.constant 0 : i32
          %dma_wait3A_935 = arith.constant 0 : i32
          %dma_wait3A_936 = tpu.memref_slice %arg4[%mul3A_2, %dma_wait3A_934, %dma_wait3A_935] : memref<4096x50x128xf32, #tpu.memory_space<hbm>> -> memref<1x50x128xf32, #tpu.memory_space<hbm>>
          %dma_wait3A_937 = tpu.memref_squeeze %dma_wait3A_936 : memref<1x50x128xf32, #tpu.memory_space<hbm>> -> memref<50x128xf32, #tpu.memory_space<hbm>>
          %dma_wait3A_938 = arith.constant 50 : i32
          %dma_wait3A_939 = arith.constant 0 : i32
          %dma_wait3A_940 = tpu.memref_slice %arg6[%dma_wait3A_925, %dma_wait3A_938, %dma_wait3A_939] : memref<8x100x128xf32, #tpu.memory_space<vmem>> -> memref<1x50x128xf32, #tpu.memory_space<vmem>>
          %dma_wait3A_941 = tpu.memref_squeeze %dma_wait3A_940 : memref<1x50x128xf32, #tpu.memory_space<vmem>> -> memref<50x128xf32, #tpu.memory_space<vmem>>
          tpu.wait_dma2 semaphore(%arg17 : memref<!tpu.dma_semaphore, #tpu.memory_space<semaphore_mem>>) src(%dma_wait3A_941 : memref<50x128xf32, #tpu.memory_space<vmem>>) dst(%dma_wait3A_937 : memref<50x128xf32, #tpu.memory_space<hbm>>)
        } else {
        }
        %add3A_895 = arith.constant 5 : i32
        %add3A_896 = arith.addi %add3A_685, %add3A_895 : i32
        %dma_start3A_897 = arith.constant 2 : i32
        %dma_start3A_898 = arith.constant 0 : i32
        %dma_start3A_899 = arith.constant 0 : i32
        %dma_start3A_900 = tpu.memref_slice %arg6[%dma_start3A_897, %dma_start3A_898, %dma_start3A_899] : memref<8x100x128xf32, #tpu.memory_space<vmem>> -> memref<1x100x128xf32, #tpu.memory_space<vmem>>
        %dma_start3A_901 = tpu.memref_squeeze %dma_start3A_900 : memref<1x100x128xf32, #tpu.memory_space<vmem>> -> memref<100x128xf32, #tpu.memory_space<vmem>>
        %dma_start3A_902 = arith.constant 0 : i32
        %dma_start3A_903 = tpu.memref_slice %arg5[%add3A_896, %dma_start3A_902] : memref<64x100xi32, #tpu.memory_space<vmem>> -> memref<1x100xi32, #tpu.memory_space<vmem>>
        %dma_start3A_904 = tpu.memref_squeeze %dma_start3A_903 : memref<1x100xi32, #tpu.memory_space<vmem>> -> memref<100xi32, #tpu.memory_space<vmem>>
        %dma_start3A_905 = arith.constant 0 : i32
        %dma_start3A_906 = arith.constant 0 : i32
        %dma_start3A_907 = tpu.memref_slice %arg2[%dma_start3A_905, %dma_start3A_906] : memref<100000x128xf32, #tpu.memory_space<hbm>> -> memref<100000x128xf32, #tpu.memory_space<hbm>>
        tpu.enqueue_indirect_dma source(%dma_start3A_907 : memref<100000x128xf32, #tpu.memory_space<hbm>>) target(%dma_start3A_901 : memref<100x128xf32, #tpu.memory_space<vmem>>) offsets(%dma_start3A_904 : memref<100xi32, #tpu.memory_space<vmem>>) semaphore(%arg9 : memref<!tpu.dma_semaphore, #tpu.memory_space<semaphore_mem>>)
      } else {
      }
      %dma_wait3A_693 = arith.constant 5 : i32
      %dma_wait3A_694 = arith.constant 0 : i32
      %dma_wait3A_695 = arith.constant 0 : i32
      %dma_wait3A_696 = tpu.memref_slice %arg6[%dma_wait3A_693, %dma_wait3A_694, %dma_wait3A_695] : memref<8x100x128xf32, #tpu.memory_space<vmem>> -> memref<1x100x128xf32, #tpu.memory_space<vmem>>
      %dma_wait3A_697 = tpu.memref_squeeze %dma_wait3A_696 : memref<1x100x128xf32, #tpu.memory_space<vmem>> -> memref<100x128xf32, #tpu.memory_space<vmem>>
      %dma_wait3A_698 = arith.constant 0 : i32
      %dma_wait3A_699 = tpu.memref_slice %arg5[%add3A_685, %dma_wait3A_698] : memref<64x100xi32, #tpu.memory_space<vmem>> -> memref<1x100xi32, #tpu.memory_space<vmem>>
      %dma_wait3A_700 = tpu.memref_squeeze %dma_wait3A_699 : memref<1x100xi32, #tpu.memory_space<vmem>> -> memref<100xi32, #tpu.memory_space<vmem>>
      %dma_wait3A_701 = arith.constant 0 : i32
      %dma_wait3A_702 = arith.constant 0 : i32
      %dma_wait3A_703 = tpu.memref_slice %arg2[%dma_wait3A_701, %dma_wait3A_702] : memref<100000x128xf32, #tpu.memory_space<hbm>> -> memref<100000x128xf32, #tpu.memory_space<hbm>>
      tpu.wait_indirect_dma semaphore(%arg12 : memref<!tpu.dma_semaphore, #tpu.memory_space<semaphore_mem>>) src(%dma_wait3A_703 : memref<100000x128xf32, #tpu.memory_space<hbm>>) dst(%dma_wait3A_697 : memref<100x128xf32, #tpu.memory_space<vmem>>)
      %scan3A_704 = arith.constant 0 : i32
      %scan3A_705 = arith.constant 100 : i32
      %scan3A_706 = arith.addi %scan3A_704, %scan3A_705 : i32
      %scan3A_707 = arith.constant 1 : i32
      scf.for %scan3A_891 = %scan3A_704 to %scan3A_706 step %scan3A_707  : i32 {
        %mul3A_892 = arith.constant 1 : i32
        %mul3A_893 = arith.muli %scan3A_891, %mul3A_892 : i32
        %add3A_894 = arith.constant 0 : i32
        %add3A_895 = arith.addi %add3A_894, %mul3A_893 : i32
        %get3A = arith.constant 5 : i32
        %get3A_896 = arith.index_cast %get3A : i32 to index
        %get3A_897 = arith.index_cast %add3A_895 : i32 to index
        %get3A_898 = arith.constant 0 : index
        %get3A_899 = tpu.vector_load %arg6[%get3A_896, %get3A_897, %get3A_898] {strides = array<i32>} : memref<8x100x128xf32, #tpu.memory_space<vmem>>, vector<1x1x16xf32>,
        %get3A_900 = vector.shape_cast %get3A_899 : vector<1x1x16xf32> to vector<16xf32>
        %mul3A_901 = arith.constant 11.3137083 : f32
        %mul3A_902 = vector.broadcast %mul3A_901 : f32 to vector<16xf32>
        %mul3A_903 = arith.mulf %get3A_900, %mul3A_902 : vector<16xf32>
        %swap3A = arith.constant 5 : i32
        %swap3A_904 = arith.index_cast %swap3A : i32 to index
        %swap3A_905 = arith.index_cast %add3A_895 : i32 to index
        %swap3A_906 = arith.constant 0 : index
        %swap3A_907 = tpu.vector_load %arg6[%swap3A_904, %swap3A_905, %swap3A_906] {strides = array<i32>} : memref<8x100x128xf32, #tpu.memory_space<vmem>>, vector<1x1x16xf32>,
        %swap3A_908 = vector.shape_cast %swap3A_907 : vector<1x1x16xf32> to vector<16xf32>
        %swap3A_909 = vector.shape_cast %mul3A_903 : vector<16xf32> to vector<1x1x16xf32>
        tpu.vector_store %arg6[%swap3A_904, %swap3A_905, %swap3A_906], %swap3A_909 {strides = array<i32>} : memref<8x100x128xf32, #tpu.memory_space<vmem>>, vector<1x1x16xf32>,
        %get3A_910 = arith.constant 5 : i32
        %get3A_911 = arith.index_cast %get3A_910 : i32 to index
        %get3A_912 = arith.index_cast %add3A_895 : i32 to index
        %get3A_913 = arith.constant 16 : index
        %get3A_914 = tpu.vector_load %arg6[%get3A_911, %get3A_912, %get3A_913] {strides = array<i32>} : memref<8x100x128xf32, #tpu.memory_space<vmem>>, vector<1x1x16xf32>,
        %get3A_915 = vector.shape_cast %get3A_914 : vector<1x1x16xf32> to vector<16xf32>
        %mul3A_916 = arith.constant 11.3137083 : f32
        %mul3A_917 = vector.broadcast %mul3A_916 : f32 to vector<16xf32>
        %mul3A_918 = arith.mulf %get3A_915, %mul3A_917 : vector<16xf32>
        %swap3A_919 = arith.constant 5 : i32
        %swap3A_920 = arith.index_cast %swap3A_919 : i32 to index
        %swap3A_921 = arith.index_cast %add3A_895 : i32 to index
        %swap3A_922 = arith.constant 16 : index
        %swap3A_923 = tpu.vector_load %arg6[%swap3A_920, %swap3A_921, %swap3A_922] {strides = array<i32>} : memref<8x100x128xf32, #tpu.memory_space<vmem>>, vector<1x1x16xf32>,
        %swap3A_924 = vector.shape_cast %swap3A_923 : vector<1x1x16xf32> to vector<16xf32>
        %swap3A_925 = vector.shape_cast %mul3A_918 : vector<16xf32> to vector<1x1x16xf32>
        tpu.vector_store %arg6[%swap3A_920, %swap3A_921, %swap3A_922], %swap3A_925 {strides = array<i32>} : memref<8x100x128xf32, #tpu.memory_space<vmem>>, vector<1x1x16xf32>,
        %get3A_926 = arith.constant 5 : i32
        %get3A_927 = arith.index_cast %get3A_926 : i32 to index
        %get3A_928 = arith.index_cast %add3A_895 : i32 to index
        %get3A_929 = arith.constant 32 : index
        %get3A_930 = tpu.vector_load %arg6[%get3A_927, %get3A_928, %get3A_929] {strides = array<i32>} : memref<8x100x128xf32, #tpu.memory_space<vmem>>, vector<1x1x16xf32>,
        %get3A_931 = vector.shape_cast %get3A_930 : vector<1x1x16xf32> to vector<16xf32>
        %mul3A_932 = arith.constant 11.3137083 : f32
        %mul3A_933 = vector.broadcast %mul3A_932 : f32 to vector<16xf32>
        %mul3A_934 = arith.mulf %get3A_931, %mul3A_933 : vector<16xf32>
        %swap3A_935 = arith.constant 5 : i32
        %swap3A_936 = arith.index_cast %swap3A_935 : i32 to index
        %swap3A_937 = arith.index_cast %add3A_895 : i32 to index
        %swap3A_938 = arith.constant 32 : index
        %swap3A_939 = tpu.vector_load %arg6[%swap3A_936, %swap3A_937, %swap3A_938] {strides = array<i32>} : memref<8x100x128xf32, #tpu.memory_space<vmem>>, vector<1x1x16xf32>,
        %swap3A_940 = vector.shape_cast %swap3A_939 : vector<1x1x16xf32> to vector<16xf32>
        %swap3A_941 = vector.shape_cast %mul3A_934 : vector<16xf32> to vector<1x1x16xf32>
        tpu.vector_store %arg6[%swap3A_936, %swap3A_937, %swap3A_938], %swap3A_941 {strides = array<i32>} : memref<8x100x128xf32, #tpu.memory_space<vmem>>, vector<1x1x16xf32>,
        %get3A_942 = arith.constant 5 : i32
        %get3A_943 = arith.index_cast %get3A_942 : i32 to index
        %get3A_944 = arith.index_cast %add3A_895 : i32 to index
        %get3A_945 = arith.constant 48 : index
        %get3A_946 = tpu.vector_load %arg6[%get3A_943, %get3A_944, %get3A_945] {strides = array<i32>} : memref<8x100x128xf32, #tpu.memory_space<vmem>>, vector<1x1x16xf32>,
        %get3A_947 = vector.shape_cast %get3A_946 : vector<1x1x16xf32> to vector<16xf32>
        %mul3A_948 = arith.constant 11.3137083 : f32
        %mul3A_949 = vector.broadcast %mul3A_948 : f32 to vector<16xf32>
        %mul3A_950 = arith.mulf %get3A_947, %mul3A_949 : vector<16xf32>
        %swap3A_951 = arith.constant 5 : i32
        %swap3A_952 = arith.index_cast %swap3A_951 : i32 to index
        %swap3A_953 = arith.index_cast %add3A_895 : i32 to index
        %swap3A_954 = arith.constant 48 : index
        %swap3A_955 = tpu.vector_load %arg6[%swap3A_952, %swap3A_953, %swap3A_954] {strides = array<i32>} : memref<8x100x128xf32, #tpu.memory_space<vmem>>, vector<1x1x16xf32>,
        %swap3A_956 = vector.shape_cast %swap3A_955 : vector<1x1x16xf32> to vector<16xf32>
        %swap3A_957 = vector.shape_cast %mul3A_950 : vector<16xf32> to vector<1x1x16xf32>
        tpu.vector_store %arg6[%swap3A_952, %swap3A_953, %swap3A_954], %swap3A_957 {strides = array<i32>} : memref<8x100x128xf32, #tpu.memory_space<vmem>>, vector<1x1x16xf32>,
        %get3A_958 = arith.constant 5 : i32
        %get3A_959 = arith.index_cast %get3A_958 : i32 to index
        %get3A_960 = arith.index_cast %add3A_895 : i32 to index
        %get3A_961 = arith.constant 64 : index
        %get3A_962 = tpu.vector_load %arg6[%get3A_959, %get3A_960, %get3A_961] {strides = array<i32>} : memref<8x100x128xf32, #tpu.memory_space<vmem>>, vector<1x1x16xf32>,
        %get3A_963 = vector.shape_cast %get3A_962 : vector<1x1x16xf32> to vector<16xf32>
        %mul3A_964 = arith.constant 11.3137083 : f32
        %mul3A_965 = vector.broadcast %mul3A_964 : f32 to vector<16xf32>
        %mul3A_966 = arith.mulf %get3A_963, %mul3A_965 : vector<16xf32>
        %swap3A_967 = arith.constant 5 : i32
        %swap3A_968 = arith.index_cast %swap3A_967 : i32 to index
        %swap3A_969 = arith.index_cast %add3A_895 : i32 to index
        %swap3A_970 = arith.constant 64 : index
        %swap3A_971 = tpu.vector_load %arg6[%swap3A_968, %swap3A_969, %swap3A_970] {strides = array<i32>} : memref<8x100x128xf32, #tpu.memory_space<vmem>>, vector<1x1x16xf32>,
        %swap3A_972 = vector.shape_cast %swap3A_971 : vector<1x1x16xf32> to vector<16xf32>
        %swap3A_973 = vector.shape_cast %mul3A_966 : vector<16xf32> to vector<1x1x16xf32>
        tpu.vector_store %arg6[%swap3A_968, %swap3A_969, %swap3A_970], %swap3A_973 {strides = array<i32>} : memref<8x100x128xf32, #tpu.memory_space<vmem>>, vector<1x1x16xf32>,
        %get3A_974 = arith.constant 5 : i32
        %get3A_975 = arith.index_cast %get3A_974 : i32 to index
        %get3A_976 = arith.index_cast %add3A_895 : i32 to index
        %get3A_977 = arith.constant 80 : index
        %get3A_978 = tpu.vector_load %arg6[%get3A_975, %get3A_976, %get3A_977] {strides = array<i32>} : memref<8x100x128xf32, #tpu.memory_space<vmem>>, vector<1x1x16xf32>,
        %get3A_979 = vector.shape_cast %get3A_978 : vector<1x1x16xf32> to vector<16xf32>
        %mul3A_980 = arith.constant 11.3137083 : f32
        %mul3A_981 = vector.broadcast %mul3A_980 : f32 to vector<16xf32>
        %mul3A_982 = arith.mulf %get3A_979, %mul3A_981 : vector<16xf32>
        %swap3A_983 = arith.constant 5 : i32
        %swap3A_984 = arith.index_cast %swap3A_983 : i32 to index
        %swap3A_985 = arith.index_cast %add3A_895 : i32 to index
        %swap3A_986 = arith.constant 80 : index
        %swap3A_987 = tpu.vector_load %arg6[%swap3A_984, %swap3A_985, %swap3A_986] {strides = array<i32>} : memref<8x100x128xf32, #tpu.memory_space<vmem>>, vector<1x1x16xf32>,
        %swap3A_988 = vector.shape_cast %swap3A_987 : vector<1x1x16xf32> to vector<16xf32>
        %swap3A_989 = vector.shape_cast %mul3A_982 : vector<16xf32> to vector<1x1x16xf32>
        tpu.vector_store %arg6[%swap3A_984, %swap3A_985, %swap3A_986], %swap3A_989 {strides = array<i32>} : memref<8x100x128xf32, #tpu.memory_space<vmem>>, vector<1x1x16xf32>,
        %get3A_990 = arith.constant 5 : i32
        %get3A_991 = arith.index_cast %get3A_990 : i32 to index
        %get3A_992 = arith.index_cast %add3A_895 : i32 to index
        %get3A_993 = arith.constant 96 : index
        %get3A_994 = tpu.vector_load %arg6[%get3A_991, %get3A_992, %get3A_993] {strides = array<i32>} : memref<8x100x128xf32, #tpu.memory_space<vmem>>, vector<1x1x16xf32>,
        %get3A_995 = vector.shape_cast %get3A_994 : vector<1x1x16xf32> to vector<16xf32>
        %mul3A_996 = arith.constant 11.3137083 : f32
        %mul3A_997 = vector.broadcast %mul3A_996 : f32 to vector<16xf32>
        %mul3A_998 = arith.mulf %get3A_995, %mul3A_997 : vector<16xf32>
        %swap3A_999 = arith.constant 5 : i32
        %swap3A_1000 = arith.index_cast %swap3A_999 : i32 to index
        %swap3A_1001 = arith.index_cast %add3A_895 : i32 to index
        %swap3A_1002 = arith.constant 96 : index
        %swap3A_1003 = tpu.vector_load %arg6[%swap3A_1000, %swap3A_1001, %swap3A_1002] {strides = array<i32>} : memref<8x100x128xf32, #tpu.memory_space<vmem>>, vector<1x1x16xf32>,
        %swap3A_1004 = vector.shape_cast %swap3A_1003 : vector<1x1x16xf32> to vector<16xf32>
        %swap3A_1005 = vector.shape_cast %mul3A_998 : vector<16xf32> to vector<1x1x16xf32>
        tpu.vector_store %arg6[%swap3A_1000, %swap3A_1001, %swap3A_1002], %swap3A_1005 {strides = array<i32>} : memref<8x100x128xf32, #tpu.memory_space<vmem>>, vector<1x1x16xf32>,
        %get3A_1006 = arith.constant 5 : i32
        %get3A_1007 = arith.index_cast %get3A_1006 : i32 to index
        %get3A_1008 = arith.index_cast %add3A_895 : i32 to index
        %get3A_1009 = arith.constant 112 : index
        %get3A_1010 = tpu.vector_load %arg6[%get3A_1007, %get3A_1008, %get3A_1009] {strides = array<i32>} : memref<8x100x128xf32, #tpu.memory_space<vmem>>, vector<1x1x16xf32>,
        %get3A_1011 = vector.shape_cast %get3A_1010 : vector<1x1x16xf32> to vector<16xf32>
        %mul3A_1012 = arith.constant 11.3137083 : f32
        %mul3A_1013 = vector.broadcast %mul3A_1012 : f32 to vector<16xf32>
        %mul3A_1014 = arith.mulf %get3A_1011, %mul3A_1013 : vector<16xf32>
        %swap3A_1015 = arith.constant 5 : i32
        %swap3A_1016 = arith.index_cast %swap3A_1015 : i32 to index
        %swap3A_1017 = arith.index_cast %add3A_895 : i32 to index
        %swap3A_1018 = arith.constant 112 : index
        %swap3A_1019 = tpu.vector_load %arg6[%swap3A_1016, %swap3A_1017, %swap3A_1018] {strides = array<i32>} : memref<8x100x128xf32, #tpu.memory_space<vmem>>, vector<1x1x16xf32>,
        %swap3A_1020 = vector.shape_cast %swap3A_1019 : vector<1x1x16xf32> to vector<16xf32>
        %swap3A_1021 = vector.shape_cast %mul3A_1014 : vector<16xf32> to vector<1x1x16xf32>
        tpu.vector_store %arg6[%swap3A_1016, %swap3A_1017, %swap3A_1018], %swap3A_1021 {strides = array<i32>} : memref<8x100x128xf32, #tpu.memory_space<vmem>>, vector<1x1x16xf32>,
      }
      %scan3A_708 = arith.constant 100 : i32
      %mul3A_709 = arith.constant 2 : i32
      %mul3A_710 = arith.muli %add3A_685, %mul3A_709 : i32
      %add3A_711 = arith.addi %mul3A_2, %mul3A_710 : i32
      %add3A_712 = arith.constant 0 : i32
      %add3A_713 = arith.addi %add3A_711, %add3A_712 : i32
      %dma_start3A_714 = arith.constant 5 : i32
      %dma_start3A_715 = arith.constant 0 : i32
      %dma_start3A_716 = arith.constant 0 : i32
      %dma_start3A_717 = tpu.memref_slice %arg6[%dma_start3A_714, %dma_start3A_715, %dma_start3A_716] : memref<8x100x128xf32, #tpu.memory_space<vmem>> -> memref<1x50x128xf32, #tpu.memory_space<vmem>>
      %dma_start3A_718 = tpu.memref_squeeze %dma_start3A_717 : memref<1x50x128xf32, #tpu.memory_space<vmem>> -> memref<50x128xf32, #tpu.memory_space<vmem>>
      %dma_start3A_719 = arith.constant 0 : i32
      %dma_start3A_720 = arith.constant 0 : i32
      %dma_start3A_721 = tpu.memref_slice %arg4[%add3A_713, %dma_start3A_719, %dma_start3A_720] : memref<4096x50x128xf32, #tpu.memory_space<hbm>> -> memref<1x50x128xf32, #tpu.memory_space<hbm>>
      %dma_start3A_722 = tpu.memref_squeeze %dma_start3A_721 : memref<1x50x128xf32, #tpu.memory_space<hbm>> -> memref<50x128xf32, #tpu.memory_space<hbm>>
      %dma_start3A_723 = arith.constant 0 : i32
      %dma_start3A_724 = arith.constant 0 : i32
      %dma_start3A_725 = tpu.memref_slice %arg4[%add3A_713, %dma_start3A_723, %dma_start3A_724] : memref<4096x50x128xf32, #tpu.memory_space<hbm>> -> memref<1x50x128xf32, #tpu.memory_space<hbm>>
      %dma_start3A_726 = tpu.memref_squeeze %dma_start3A_725 : memref<1x50x128xf32, #tpu.memory_space<hbm>> -> memref<50x128xf32, #tpu.memory_space<hbm>>
      %dma_start3A_727 = arith.constant 0 : i32
      %dma_start3A_728 = arith.constant 0 : i32
      %dma_start3A_729 = tpu.memref_slice %arg6[%dma_start3A_714, %dma_start3A_727, %dma_start3A_728] : memref<8x100x128xf32, #tpu.memory_space<vmem>> -> memref<1x50x128xf32, #tpu.memory_space<vmem>>
      %dma_start3A_730 = tpu.memref_squeeze %dma_start3A_729 : memref<1x50x128xf32, #tpu.memory_space<vmem>> -> memref<50x128xf32, #tpu.memory_space<vmem>>
      tpu.enqueue_dma source(%dma_start3A_730 : memref<50x128xf32, #tpu.memory_space<vmem>>) target(%dma_start3A_726 : memref<50x128xf32, #tpu.memory_space<hbm>>) target_semaphore(%arg20 : memref<!tpu.dma_semaphore, #tpu.memory_space<semaphore_mem>>)
      %mul3A_731 = arith.constant 2 : i32
      %mul3A_732 = arith.muli %add3A_685, %mul3A_731 : i32
      %add3A_733 = arith.addi %mul3A_2, %mul3A_732 : i32
      %add3A_734 = arith.constant 1 : i32
      %add3A_735 = arith.addi %add3A_733, %add3A_734 : i32
      %dma_start3A_736 = arith.constant 5 : i32
      %dma_start3A_737 = arith.constant 50 : i32
      %dma_start3A_738 = arith.constant 0 : i32
      %dma_start3A_739 = tpu.memref_slice %arg6[%dma_start3A_736, %dma_start3A_737, %dma_start3A_738] : memref<8x100x128xf32, #tpu.memory_space<vmem>> -> memref<1x50x128xf32, #tpu.memory_space<vmem>>
      %dma_start3A_740 = tpu.memref_squeeze %dma_start3A_739 : memref<1x50x128xf32, #tpu.memory_space<vmem>> -> memref<50x128xf32, #tpu.memory_space<vmem>>
      %dma_start3A_741 = arith.constant 0 : i32
      %dma_start3A_742 = arith.constant 0 : i32
      %dma_start3A_743 = tpu.memref_slice %arg4[%add3A_735, %dma_start3A_741, %dma_start3A_742] : memref<4096x50x128xf32, #tpu.memory_space<hbm>> -> memref<1x50x128xf32, #tpu.memory_space<hbm>>
      %dma_start3A_744 = tpu.memref_squeeze %dma_start3A_743 : memref<1x50x128xf32, #tpu.memory_space<hbm>> -> memref<50x128xf32, #tpu.memory_space<hbm>>
      %dma_start3A_745 = arith.constant 0 : i32
      %dma_start3A_746 = arith.constant 0 : i32
      %dma_start3A_747 = tpu.memref_slice %arg4[%add3A_735, %dma_start3A_745, %dma_start3A_746] : memref<4096x50x128xf32, #tpu.memory_space<hbm>> -> memref<1x50x128xf32, #tpu.memory_space<hbm>>
      %dma_start3A_748 = tpu.memref_squeeze %dma_start3A_747 : memref<1x50x128xf32, #tpu.memory_space<hbm>> -> memref<50x128xf32, #tpu.memory_space<hbm>>
      %dma_start3A_749 = arith.constant 50 : i32
      %dma_start3A_750 = arith.constant 0 : i32
      %dma_start3A_751 = tpu.memref_slice %arg6[%dma_start3A_736, %dma_start3A_749, %dma_start3A_750] : memref<8x100x128xf32, #tpu.memory_space<vmem>> -> memref<1x50x128xf32, #tpu.memory_space<vmem>>
      %dma_start3A_752 = tpu.memref_squeeze %dma_start3A_751 : memref<1x50x128xf32, #tpu.memory_space<vmem>> -> memref<50x128xf32, #tpu.memory_space<vmem>>
      tpu.enqueue_dma source(%dma_start3A_752 : memref<50x128xf32, #tpu.memory_space<vmem>>) target(%dma_start3A_748 : memref<50x128xf32, #tpu.memory_space<hbm>>) target_semaphore(%arg20 : memref<!tpu.dma_semaphore, #tpu.memory_space<semaphore_mem>>)
      %add3A_753 = arith.constant 6 : i32
      %add3A_754 = arith.addi %add3A_341, %add3A_753 : i32
      %add3A_755 = arith.constant 5 : i32
      %add3A_756 = arith.addi %add3A_754, %add3A_755 : i32
      %lt3A_757 = arith.constant 64 : i32
      %lt3A_758 = arith.cmpi slt, %add3A_756, %lt3A_757 : i32
      %convert_element_type3A_759 = arith.extui %lt3A_758 : i1 to i32
      %cond3A_760 = arith.constant 0 : i32
      %cond3A_761 = arith.cmpi ne, %convert_element_type3A_759, %cond3A_760 : i32
      scf.if %cond3A_761 {
        %ge3A = arith.constant 3 : i32
        %ge3A_891 = arith.cmpi sge, %add3A_754, %ge3A : i32
        %convert_element_type3A_892 = arith.extui %ge3A_891 : i1 to i32
        %cond3A_893 = arith.constant 0 : i32
        %cond3A_894 = arith.cmpi ne, %convert_element_type3A_892, %cond3A_893 : i32
        scf.if %cond3A_894 {
          %dma_wait3A_908 = arith.constant 3 : i32
          %dma_wait3A_909 = arith.constant 0 : i32
          %dma_wait3A_910 = arith.constant 0 : i32
          %dma_wait3A_911 = tpu.memref_slice %arg6[%dma_wait3A_908, %dma_wait3A_909, %dma_wait3A_910] : memref<8x100x128xf32, #tpu.memory_space<vmem>> -> memref<1x50x128xf32, #tpu.memory_space<vmem>>
          %dma_wait3A_912 = tpu.memref_squeeze %dma_wait3A_911 : memref<1x50x128xf32, #tpu.memory_space<vmem>> -> memref<50x128xf32, #tpu.memory_space<vmem>>
          %dma_wait3A_913 = arith.constant 0 : i32
          %dma_wait3A_914 = arith.constant 0 : i32
          %dma_wait3A_915 = tpu.memref_slice %arg4[%mul3A_2, %dma_wait3A_913, %dma_wait3A_914] : memref<4096x50x128xf32, #tpu.memory_space<hbm>> -> memref<1x50x128xf32, #tpu.memory_space<hbm>>
          %dma_wait3A_916 = tpu.memref_squeeze %dma_wait3A_915 : memref<1x50x128xf32, #tpu.memory_space<hbm>> -> memref<50x128xf32, #tpu.memory_space<hbm>>
          %dma_wait3A_917 = arith.constant 0 : i32
          %dma_wait3A_918 = arith.constant 0 : i32
          %dma_wait3A_919 = tpu.memref_slice %arg4[%mul3A_2, %dma_wait3A_917, %dma_wait3A_918] : memref<4096x50x128xf32, #tpu.memory_space<hbm>> -> memref<1x50x128xf32, #tpu.memory_space<hbm>>
          %dma_wait3A_920 = tpu.memref_squeeze %dma_wait3A_919 : memref<1x50x128xf32, #tpu.memory_space<hbm>> -> memref<50x128xf32, #tpu.memory_space<hbm>>
          %dma_wait3A_921 = arith.constant 0 : i32
          %dma_wait3A_922 = arith.constant 0 : i32
          %dma_wait3A_923 = tpu.memref_slice %arg6[%dma_wait3A_908, %dma_wait3A_921, %dma_wait3A_922] : memref<8x100x128xf32, #tpu.memory_space<vmem>> -> memref<1x50x128xf32, #tpu.memory_space<vmem>>
          %dma_wait3A_924 = tpu.memref_squeeze %dma_wait3A_923 : memref<1x50x128xf32, #tpu.memory_space<vmem>> -> memref<50x128xf32, #tpu.memory_space<vmem>>
          tpu.wait_dma2 semaphore(%arg18 : memref<!tpu.dma_semaphore, #tpu.memory_space<semaphore_mem>>) src(%dma_wait3A_924 : memref<50x128xf32, #tpu.memory_space<vmem>>) dst(%dma_wait3A_920 : memref<50x128xf32, #tpu.memory_space<hbm>>)
          %dma_wait3A_925 = arith.constant 3 : i32
          %dma_wait3A_926 = arith.constant 50 : i32
          %dma_wait3A_927 = arith.constant 0 : i32
          %dma_wait3A_928 = tpu.memref_slice %arg6[%dma_wait3A_925, %dma_wait3A_926, %dma_wait3A_927] : memref<8x100x128xf32, #tpu.memory_space<vmem>> -> memref<1x50x128xf32, #tpu.memory_space<vmem>>
          %dma_wait3A_929 = tpu.memref_squeeze %dma_wait3A_928 : memref<1x50x128xf32, #tpu.memory_space<vmem>> -> memref<50x128xf32, #tpu.memory_space<vmem>>
          %dma_wait3A_930 = arith.constant 0 : i32
          %dma_wait3A_931 = arith.constant 0 : i32
          %dma_wait3A_932 = tpu.memref_slice %arg4[%mul3A_2, %dma_wait3A_930, %dma_wait3A_931] : memref<4096x50x128xf32, #tpu.memory_space<hbm>> -> memref<1x50x128xf32, #tpu.memory_space<hbm>>
          %dma_wait3A_933 = tpu.memref_squeeze %dma_wait3A_932 : memref<1x50x128xf32, #tpu.memory_space<hbm>> -> memref<50x128xf32, #tpu.memory_space<hbm>>
          %dma_wait3A_934 = arith.constant 0 : i32
          %dma_wait3A_935 = arith.constant 0 : i32
          %dma_wait3A_936 = tpu.memref_slice %arg4[%mul3A_2, %dma_wait3A_934, %dma_wait3A_935] : memref<4096x50x128xf32, #tpu.memory_space<hbm>> -> memref<1x50x128xf32, #tpu.memory_space<hbm>>
          %dma_wait3A_937 = tpu.memref_squeeze %dma_wait3A_936 : memref<1x50x128xf32, #tpu.memory_space<hbm>> -> memref<50x128xf32, #tpu.memory_space<hbm>>
          %dma_wait3A_938 = arith.constant 50 : i32
          %dma_wait3A_939 = arith.constant 0 : i32
          %dma_wait3A_940 = tpu.memref_slice %arg6[%dma_wait3A_925, %dma_wait3A_938, %dma_wait3A_939] : memref<8x100x128xf32, #tpu.memory_space<vmem>> -> memref<1x50x128xf32, #tpu.memory_space<vmem>>
          %dma_wait3A_941 = tpu.memref_squeeze %dma_wait3A_940 : memref<1x50x128xf32, #tpu.memory_space<vmem>> -> memref<50x128xf32, #tpu.memory_space<vmem>>
          tpu.wait_dma2 semaphore(%arg18 : memref<!tpu.dma_semaphore, #tpu.memory_space<semaphore_mem>>) src(%dma_wait3A_941 : memref<50x128xf32, #tpu.memory_space<vmem>>) dst(%dma_wait3A_937 : memref<50x128xf32, #tpu.memory_space<hbm>>)
        } else {
        }
        %add3A_895 = arith.constant 5 : i32
        %add3A_896 = arith.addi %add3A_754, %add3A_895 : i32
        %dma_start3A_897 = arith.constant 3 : i32
        %dma_start3A_898 = arith.constant 0 : i32
        %dma_start3A_899 = arith.constant 0 : i32
        %dma_start3A_900 = tpu.memref_slice %arg6[%dma_start3A_897, %dma_start3A_898, %dma_start3A_899] : memref<8x100x128xf32, #tpu.memory_space<vmem>> -> memref<1x100x128xf32, #tpu.memory_space<vmem>>
        %dma_start3A_901 = tpu.memref_squeeze %dma_start3A_900 : memref<1x100x128xf32, #tpu.memory_space<vmem>> -> memref<100x128xf32, #tpu.memory_space<vmem>>
        %dma_start3A_902 = arith.constant 0 : i32
        %dma_start3A_903 = tpu.memref_slice %arg5[%add3A_896, %dma_start3A_902] : memref<64x100xi32, #tpu.memory_space<vmem>> -> memref<1x100xi32, #tpu.memory_space<vmem>>
        %dma_start3A_904 = tpu.memref_squeeze %dma_start3A_903 : memref<1x100xi32, #tpu.memory_space<vmem>> -> memref<100xi32, #tpu.memory_space<vmem>>
        %dma_start3A_905 = arith.constant 0 : i32
        %dma_start3A_906 = arith.constant 0 : i32
        %dma_start3A_907 = tpu.memref_slice %arg2[%dma_start3A_905, %dma_start3A_906] : memref<100000x128xf32, #tpu.memory_space<hbm>> -> memref<100000x128xf32, #tpu.memory_space<hbm>>
        tpu.enqueue_indirect_dma source(%dma_start3A_907 : memref<100000x128xf32, #tpu.memory_space<hbm>>) target(%dma_start3A_901 : memref<100x128xf32, #tpu.memory_space<vmem>>) offsets(%dma_start3A_904 : memref<100xi32, #tpu.memory_space<vmem>>) semaphore(%arg10 : memref<!tpu.dma_semaphore, #tpu.memory_space<semaphore_mem>>)
      } else {
      }
      %dma_wait3A_762 = arith.constant 6 : i32
      %dma_wait3A_763 = arith.constant 0 : i32
      %dma_wait3A_764 = arith.constant 0 : i32
      %dma_wait3A_765 = tpu.memref_slice %arg6[%dma_wait3A_762, %dma_wait3A_763, %dma_wait3A_764] : memref<8x100x128xf32, #tpu.memory_space<vmem>> -> memref<1x100x128xf32, #tpu.memory_space<vmem>>
      %dma_wait3A_766 = tpu.memref_squeeze %dma_wait3A_765 : memref<1x100x128xf32, #tpu.memory_space<vmem>> -> memref<100x128xf32, #tpu.memory_space<vmem>>
      %dma_wait3A_767 = arith.constant 0 : i32
      %dma_wait3A_768 = tpu.memref_slice %arg5[%add3A_754, %dma_wait3A_767] : memref<64x100xi32, #tpu.memory_space<vmem>> -> memref<1x100xi32, #tpu.memory_space<vmem>>
      %dma_wait3A_769 = tpu.memref_squeeze %dma_wait3A_768 : memref<1x100xi32, #tpu.memory_space<vmem>> -> memref<100xi32, #tpu.memory_space<vmem>>
      %dma_wait3A_770 = arith.constant 0 : i32
      %dma_wait3A_771 = arith.constant 0 : i32
      %dma_wait3A_772 = tpu.memref_slice %arg2[%dma_wait3A_770, %dma_wait3A_771] : memref<100000x128xf32, #tpu.memory_space<hbm>> -> memref<100000x128xf32, #tpu.memory_space<hbm>>
      tpu.wait_indirect_dma semaphore(%arg13 : memref<!tpu.dma_semaphore, #tpu.memory_space<semaphore_mem>>) src(%dma_wait3A_772 : memref<100000x128xf32, #tpu.memory_space<hbm>>) dst(%dma_wait3A_766 : memref<100x128xf32, #tpu.memory_space<vmem>>)
      %scan3A_773 = arith.constant 0 : i32
      %scan3A_774 = arith.constant 100 : i32
      %scan3A_775 = arith.addi %scan3A_773, %scan3A_774 : i32
      %scan3A_776 = arith.constant 1 : i32
      scf.for %scan3A_891 = %scan3A_773 to %scan3A_775 step %scan3A_776  : i32 {
        %mul3A_892 = arith.constant 1 : i32
        %mul3A_893 = arith.muli %scan3A_891, %mul3A_892 : i32
        %add3A_894 = arith.constant 0 : i32
        %add3A_895 = arith.addi %add3A_894, %mul3A_893 : i32
        %get3A = arith.constant 6 : i32
        %get3A_896 = arith.index_cast %get3A : i32 to index
        %get3A_897 = arith.index_cast %add3A_895 : i32 to index
        %get3A_898 = arith.constant 0 : index
        %get3A_899 = tpu.vector_load %arg6[%get3A_896, %get3A_897, %get3A_898] {strides = array<i32>} : memref<8x100x128xf32, #tpu.memory_space<vmem>>, vector<1x1x16xf32>,
        %get3A_900 = vector.shape_cast %get3A_899 : vector<1x1x16xf32> to vector<16xf32>
        %mul3A_901 = arith.constant 11.3137083 : f32
        %mul3A_902 = vector.broadcast %mul3A_901 : f32 to vector<16xf32>
        %mul3A_903 = arith.mulf %get3A_900, %mul3A_902 : vector<16xf32>
        %swap3A = arith.constant 6 : i32
        %swap3A_904 = arith.index_cast %swap3A : i32 to index
        %swap3A_905 = arith.index_cast %add3A_895 : i32 to index
        %swap3A_906 = arith.constant 0 : index
        %swap3A_907 = tpu.vector_load %arg6[%swap3A_904, %swap3A_905, %swap3A_906] {strides = array<i32>} : memref<8x100x128xf32, #tpu.memory_space<vmem>>, vector<1x1x16xf32>,
        %swap3A_908 = vector.shape_cast %swap3A_907 : vector<1x1x16xf32> to vector<16xf32>
        %swap3A_909 = vector.shape_cast %mul3A_903 : vector<16xf32> to vector<1x1x16xf32>
        tpu.vector_store %arg6[%swap3A_904, %swap3A_905, %swap3A_906], %swap3A_909 {strides = array<i32>} : memref<8x100x128xf32, #tpu.memory_space<vmem>>, vector<1x1x16xf32>,
        %get3A_910 = arith.constant 6 : i32
        %get3A_911 = arith.index_cast %get3A_910 : i32 to index
        %get3A_912 = arith.index_cast %add3A_895 : i32 to index
        %get3A_913 = arith.constant 16 : index
        %get3A_914 = tpu.vector_load %arg6[%get3A_911, %get3A_912, %get3A_913] {strides = array<i32>} : memref<8x100x128xf32, #tpu.memory_space<vmem>>, vector<1x1x16xf32>,
        %get3A_915 = vector.shape_cast %get3A_914 : vector<1x1x16xf32> to vector<16xf32>
        %mul3A_916 = arith.constant 11.3137083 : f32
        %mul3A_917 = vector.broadcast %mul3A_916 : f32 to vector<16xf32>
        %mul3A_918 = arith.mulf %get3A_915, %mul3A_917 : vector<16xf32>
        %swap3A_919 = arith.constant 6 : i32
        %swap3A_920 = arith.index_cast %swap3A_919 : i32 to index
        %swap3A_921 = arith.index_cast %add3A_895 : i32 to index
        %swap3A_922 = arith.constant 16 : index
        %swap3A_923 = tpu.vector_load %arg6[%swap3A_920, %swap3A_921, %swap3A_922] {strides = array<i32>} : memref<8x100x128xf32, #tpu.memory_space<vmem>>, vector<1x1x16xf32>,
        %swap3A_924 = vector.shape_cast %swap3A_923 : vector<1x1x16xf32> to vector<16xf32>
        %swap3A_925 = vector.shape_cast %mul3A_918 : vector<16xf32> to vector<1x1x16xf32>
        tpu.vector_store %arg6[%swap3A_920, %swap3A_921, %swap3A_922], %swap3A_925 {strides = array<i32>} : memref<8x100x128xf32, #tpu.memory_space<vmem>>, vector<1x1x16xf32>,
        %get3A_926 = arith.constant 6 : i32
        %get3A_927 = arith.index_cast %get3A_926 : i32 to index
        %get3A_928 = arith.index_cast %add3A_895 : i32 to index
        %get3A_929 = arith.constant 32 : index
        %get3A_930 = tpu.vector_load %arg6[%get3A_927, %get3A_928, %get3A_929] {strides = array<i32>} : memref<8x100x128xf32, #tpu.memory_space<vmem>>, vector<1x1x16xf32>,
        %get3A_931 = vector.shape_cast %get3A_930 : vector<1x1x16xf32> to vector<16xf32>
        %mul3A_932 = arith.constant 11.3137083 : f32
        %mul3A_933 = vector.broadcast %mul3A_932 : f32 to vector<16xf32>
        %mul3A_934 = arith.mulf %get3A_931, %mul3A_933 : vector<16xf32>
        %swap3A_935 = arith.constant 6 : i32
        %swap3A_936 = arith.index_cast %swap3A_935 : i32 to index
        %swap3A_937 = arith.index_cast %add3A_895 : i32 to index
        %swap3A_938 = arith.constant 32 : index
        %swap3A_939 = tpu.vector_load %arg6[%swap3A_936, %swap3A_937, %swap3A_938] {strides = array<i32>} : memref<8x100x128xf32, #tpu.memory_space<vmem>>, vector<1x1x16xf32>,
        %swap3A_940 = vector.shape_cast %swap3A_939 : vector<1x1x16xf32> to vector<16xf32>
        %swap3A_941 = vector.shape_cast %mul3A_934 : vector<16xf32> to vector<1x1x16xf32>
        tpu.vector_store %arg6[%swap3A_936, %swap3A_937, %swap3A_938], %swap3A_941 {strides = array<i32>} : memref<8x100x128xf32, #tpu.memory_space<vmem>>, vector<1x1x16xf32>,
        %get3A_942 = arith.constant 6 : i32
        %get3A_943 = arith.index_cast %get3A_942 : i32 to index
        %get3A_944 = arith.index_cast %add3A_895 : i32 to index
        %get3A_945 = arith.constant 48 : index
        %get3A_946 = tpu.vector_load %arg6[%get3A_943, %get3A_944, %get3A_945] {strides = array<i32>} : memref<8x100x128xf32, #tpu.memory_space<vmem>>, vector<1x1x16xf32>,
        %get3A_947 = vector.shape_cast %get3A_946 : vector<1x1x16xf32> to vector<16xf32>
        %mul3A_948 = arith.constant 11.3137083 : f32
        %mul3A_949 = vector.broadcast %mul3A_948 : f32 to vector<16xf32>
        %mul3A_950 = arith.mulf %get3A_947, %mul3A_949 : vector<16xf32>
        %swap3A_951 = arith.constant 6 : i32
        %swap3A_952 = arith.index_cast %swap3A_951 : i32 to index
        %swap3A_953 = arith.index_cast %add3A_895 : i32 to index
        %swap3A_954 = arith.constant 48 : index
        %swap3A_955 = tpu.vector_load %arg6[%swap3A_952, %swap3A_953, %swap3A_954] {strides = array<i32>} : memref<8x100x128xf32, #tpu.memory_space<vmem>>, vector<1x1x16xf32>,
        %swap3A_956 = vector.shape_cast %swap3A_955 : vector<1x1x16xf32> to vector<16xf32>
        %swap3A_957 = vector.shape_cast %mul3A_950 : vector<16xf32> to vector<1x1x16xf32>
        tpu.vector_store %arg6[%swap3A_952, %swap3A_953, %swap3A_954], %swap3A_957 {strides = array<i32>} : memref<8x100x128xf32, #tpu.memory_space<vmem>>, vector<1x1x16xf32>,
        %get3A_958 = arith.constant 6 : i32
        %get3A_959 = arith.index_cast %get3A_958 : i32 to index
        %get3A_960 = arith.index_cast %add3A_895 : i32 to index
        %get3A_961 = arith.constant 64 : index
        %get3A_962 = tpu.vector_load %arg6[%get3A_959, %get3A_960, %get3A_961] {strides = array<i32>} : memref<8x100x128xf32, #tpu.memory_space<vmem>>, vector<1x1x16xf32>,
        %get3A_963 = vector.shape_cast %get3A_962 : vector<1x1x16xf32> to vector<16xf32>
        %mul3A_964 = arith.constant 11.3137083 : f32
        %mul3A_965 = vector.broadcast %mul3A_964 : f32 to vector<16xf32>
        %mul3A_966 = arith.mulf %get3A_963, %mul3A_965 : vector<16xf32>
        %swap3A_967 = arith.constant 6 : i32
        %swap3A_968 = arith.index_cast %swap3A_967 : i32 to index
        %swap3A_969 = arith.index_cast %add3A_895 : i32 to index
        %swap3A_970 = arith.constant 64 : index
        %swap3A_971 = tpu.vector_load %arg6[%swap3A_968, %swap3A_969, %swap3A_970] {strides = array<i32>} : memref<8x100x128xf32, #tpu.memory_space<vmem>>, vector<1x1x16xf32>,
        %swap3A_972 = vector.shape_cast %swap3A_971 : vector<1x1x16xf32> to vector<16xf32>
        %swap3A_973 = vector.shape_cast %mul3A_966 : vector<16xf32> to vector<1x1x16xf32>
        tpu.vector_store %arg6[%swap3A_968, %swap3A_969, %swap3A_970], %swap3A_973 {strides = array<i32>} : memref<8x100x128xf32, #tpu.memory_space<vmem>>, vector<1x1x16xf32>,
        %get3A_974 = arith.constant 6 : i32
        %get3A_975 = arith.index_cast %get3A_974 : i32 to index
        %get3A_976 = arith.index_cast %add3A_895 : i32 to index
        %get3A_977 = arith.constant 80 : index
        %get3A_978 = tpu.vector_load %arg6[%get3A_975, %get3A_976, %get3A_977] {strides = array<i32>} : memref<8x100x128xf32, #tpu.memory_space<vmem>>, vector<1x1x16xf32>,
        %get3A_979 = vector.shape_cast %get3A_978 : vector<1x1x16xf32> to vector<16xf32>
        %mul3A_980 = arith.constant 11.3137083 : f32
        %mul3A_981 = vector.broadcast %mul3A_980 : f32 to vector<16xf32>
        %mul3A_982 = arith.mulf %get3A_979, %mul3A_981 : vector<16xf32>
        %swap3A_983 = arith.constant 6 : i32
        %swap3A_984 = arith.index_cast %swap3A_983 : i32 to index
        %swap3A_985 = arith.index_cast %add3A_895 : i32 to index
        %swap3A_986 = arith.constant 80 : index
        %swap3A_987 = tpu.vector_load %arg6[%swap3A_984, %swap3A_985, %swap3A_986] {strides = array<i32>} : memref<8x100x128xf32, #tpu.memory_space<vmem>>, vector<1x1x16xf32>,
        %swap3A_988 = vector.shape_cast %swap3A_987 : vector<1x1x16xf32> to vector<16xf32>
        %swap3A_989 = vector.shape_cast %mul3A_982 : vector<16xf32> to vector<1x1x16xf32>
        tpu.vector_store %arg6[%swap3A_984, %swap3A_985, %swap3A_986], %swap3A_989 {strides = array<i32>} : memref<8x100x128xf32, #tpu.memory_space<vmem>>, vector<1x1x16xf32>,
        %get3A_990 = arith.constant 6 : i32
        %get3A_991 = arith.index_cast %get3A_990 : i32 to index
        %get3A_992 = arith.index_cast %add3A_895 : i32 to index
        %get3A_993 = arith.constant 96 : index
        %get3A_994 = tpu.vector_load %arg6[%get3A_991, %get3A_992, %get3A_993] {strides = array<i32>} : memref<8x100x128xf32, #tpu.memory_space<vmem>>, vector<1x1x16xf32>,
        %get3A_995 = vector.shape_cast %get3A_994 : vector<1x1x16xf32> to vector<16xf32>
        %mul3A_996 = arith.constant 11.3137083 : f32
        %mul3A_997 = vector.broadcast %mul3A_996 : f32 to vector<16xf32>
        %mul3A_998 = arith.mulf %get3A_995, %mul3A_997 : vector<16xf32>
        %swap3A_999 = arith.constant 6 : i32
        %swap3A_1000 = arith.index_cast %swap3A_999 : i32 to index
        %swap3A_1001 = arith.index_cast %add3A_895 : i32 to index
        %swap3A_1002 = arith.constant 96 : index
        %swap3A_1003 = tpu.vector_load %arg6[%swap3A_1000, %swap3A_1001, %swap3A_1002] {strides = array<i32>} : memref<8x100x128xf32, #tpu.memory_space<vmem>>, vector<1x1x16xf32>,
        %swap3A_1004 = vector.shape_cast %swap3A_1003 : vector<1x1x16xf32> to vector<16xf32>
        %swap3A_1005 = vector.shape_cast %mul3A_998 : vector<16xf32> to vector<1x1x16xf32>
        tpu.vector_store %arg6[%swap3A_1000, %swap3A_1001, %swap3A_1002], %swap3A_1005 {strides = array<i32>} : memref<8x100x128xf32, #tpu.memory_space<vmem>>, vector<1x1x16xf32>,
        %get3A_1006 = arith.constant 6 : i32
        %get3A_1007 = arith.index_cast %get3A_1006 : i32 to index
        %get3A_1008 = arith.index_cast %add3A_895 : i32 to index
        %get3A_1009 = arith.constant 112 : index
        %get3A_1010 = tpu.vector_load %arg6[%get3A_1007, %get3A_1008, %get3A_1009] {strides = array<i32>} : memref<8x100x128xf32, #tpu.memory_space<vmem>>, vector<1x1x16xf32>,
        %get3A_1011 = vector.shape_cast %get3A_1010 : vector<1x1x16xf32> to vector<16xf32>
        %mul3A_1012 = arith.constant 11.3137083 : f32
        %mul3A_1013 = vector.broadcast %mul3A_1012 : f32 to vector<16xf32>
        %mul3A_1014 = arith.mulf %get3A_1011, %mul3A_1013 : vector<16xf32>
        %swap3A_1015 = arith.constant 6 : i32
        %swap3A_1016 = arith.index_cast %swap3A_1015 : i32 to index
        %swap3A_1017 = arith.index_cast %add3A_895 : i32 to index
        %swap3A_1018 = arith.constant 112 : index
        %swap3A_1019 = tpu.vector_load %arg6[%swap3A_1016, %swap3A_1017, %swap3A_1018] {strides = array<i32>} : memref<8x100x128xf32, #tpu.memory_space<vmem>>, vector<1x1x16xf32>,
        %swap3A_1020 = vector.shape_cast %swap3A_1019 : vector<1x1x16xf32> to vector<16xf32>
        %swap3A_1021 = vector.shape_cast %mul3A_1014 : vector<16xf32> to vector<1x1x16xf32>
        tpu.vector_store %arg6[%swap3A_1016, %swap3A_1017, %swap3A_1018], %swap3A_1021 {strides = array<i32>} : memref<8x100x128xf32, #tpu.memory_space<vmem>>, vector<1x1x16xf32>,
      }
      %scan3A_777 = arith.constant 100 : i32
      %mul3A_778 = arith.constant 2 : i32
      %mul3A_779 = arith.muli %add3A_754, %mul3A_778 : i32
      %add3A_780 = arith.addi %mul3A_2, %mul3A_779 : i32
      %add3A_781 = arith.constant 0 : i32
      %add3A_782 = arith.addi %add3A_780, %add3A_781 : i32
      %dma_start3A_783 = arith.constant 6 : i32
      %dma_start3A_784 = arith.constant 0 : i32
      %dma_start3A_785 = arith.constant 0 : i32
      %dma_start3A_786 = tpu.memref_slice %arg6[%dma_start3A_783, %dma_start3A_784, %dma_start3A_785] : memref<8x100x128xf32, #tpu.memory_space<vmem>> -> memref<1x50x128xf32, #tpu.memory_space<vmem>>
      %dma_start3A_787 = tpu.memref_squeeze %dma_start3A_786 : memref<1x50x128xf32, #tpu.memory_space<vmem>> -> memref<50x128xf32, #tpu.memory_space<vmem>>
      %dma_start3A_788 = arith.constant 0 : i32
      %dma_start3A_789 = arith.constant 0 : i32
      %dma_start3A_790 = tpu.memref_slice %arg4[%add3A_782, %dma_start3A_788, %dma_start3A_789] : memref<4096x50x128xf32, #tpu.memory_space<hbm>> -> memref<1x50x128xf32, #tpu.memory_space<hbm>>
      %dma_start3A_791 = tpu.memref_squeeze %dma_start3A_790 : memref<1x50x128xf32, #tpu.memory_space<hbm>> -> memref<50x128xf32, #tpu.memory_space<hbm>>
      %dma_start3A_792 = arith.constant 0 : i32
      %dma_start3A_793 = arith.constant 0 : i32
      %dma_start3A_794 = tpu.memref_slice %arg4[%add3A_782, %dma_start3A_792, %dma_start3A_793] : memref<4096x50x128xf32, #tpu.memory_space<hbm>> -> memref<1x50x128xf32, #tpu.memory_space<hbm>>
      %dma_start3A_795 = tpu.memref_squeeze %dma_start3A_794 : memref<1x50x128xf32, #tpu.memory_space<hbm>> -> memref<50x128xf32, #tpu.memory_space<hbm>>
      %dma_start3A_796 = arith.constant 0 : i32
      %dma_start3A_797 = arith.constant 0 : i32
      %dma_start3A_798 = tpu.memref_slice %arg6[%dma_start3A_783, %dma_start3A_796, %dma_start3A_797] : memref<8x100x128xf32, #tpu.memory_space<vmem>> -> memref<1x50x128xf32, #tpu.memory_space<vmem>>
      %dma_start3A_799 = tpu.memref_squeeze %dma_start3A_798 : memref<1x50x128xf32, #tpu.memory_space<vmem>> -> memref<50x128xf32, #tpu.memory_space<vmem>>
      tpu.enqueue_dma source(%dma_start3A_799 : memref<50x128xf32, #tpu.memory_space<vmem>>) target(%dma_start3A_795 : memref<50x128xf32, #tpu.memory_space<hbm>>) target_semaphore(%arg21 : memref<!tpu.dma_semaphore, #tpu.memory_space<semaphore_mem>>)
      %mul3A_800 = arith.constant 2 : i32
      %mul3A_801 = arith.muli %add3A_754, %mul3A_800 : i32
      %add3A_802 = arith.addi %mul3A_2, %mul3A_801 : i32
      %add3A_803 = arith.constant 1 : i32
      %add3A_804 = arith.addi %add3A_802, %add3A_803 : i32
      %dma_start3A_805 = arith.constant 6 : i32
      %dma_start3A_806 = arith.constant 50 : i32
      %dma_start3A_807 = arith.constant 0 : i32
      %dma_start3A_808 = tpu.memref_slice %arg6[%dma_start3A_805, %dma_start3A_806, %dma_start3A_807] : memref<8x100x128xf32, #tpu.memory_space<vmem>> -> memref<1x50x128xf32, #tpu.memory_space<vmem>>
      %dma_start3A_809 = tpu.memref_squeeze %dma_start3A_808 : memref<1x50x128xf32, #tpu.memory_space<vmem>> -> memref<50x128xf32, #tpu.memory_space<vmem>>
      %dma_start3A_810 = arith.constant 0 : i32
      %dma_start3A_811 = arith.constant 0 : i32
      %dma_start3A_812 = tpu.memref_slice %arg4[%add3A_804, %dma_start3A_810, %dma_start3A_811] : memref<4096x50x128xf32, #tpu.memory_space<hbm>> -> memref<1x50x128xf32, #tpu.memory_space<hbm>>
      %dma_start3A_813 = tpu.memref_squeeze %dma_start3A_812 : memref<1x50x128xf32, #tpu.memory_space<hbm>> -> memref<50x128xf32, #tpu.memory_space<hbm>>
      %dma_start3A_814 = arith.constant 0 : i32
      %dma_start3A_815 = arith.constant 0 : i32
      %dma_start3A_816 = tpu.memref_slice %arg4[%add3A_804, %dma_start3A_814, %dma_start3A_815] : memref<4096x50x128xf32, #tpu.memory_space<hbm>> -> memref<1x50x128xf32, #tpu.memory_space<hbm>>
      %dma_start3A_817 = tpu.memref_squeeze %dma_start3A_816 : memref<1x50x128xf32, #tpu.memory_space<hbm>> -> memref<50x128xf32, #tpu.memory_space<hbm>>
      %dma_start3A_818 = arith.constant 50 : i32
      %dma_start3A_819 = arith.constant 0 : i32
      %dma_start3A_820 = tpu.memref_slice %arg6[%dma_start3A_805, %dma_start3A_818, %dma_start3A_819] : memref<8x100x128xf32, #tpu.memory_space<vmem>> -> memref<1x50x128xf32, #tpu.memory_space<vmem>>
      %dma_start3A_821 = tpu.memref_squeeze %dma_start3A_820 : memref<1x50x128xf32, #tpu.memory_space<vmem>> -> memref<50x128xf32, #tpu.memory_space<vmem>>
      tpu.enqueue_dma source(%dma_start3A_821 : memref<50x128xf32, #tpu.memory_space<vmem>>) target(%dma_start3A_817 : memref<50x128xf32, #tpu.memory_space<hbm>>) target_semaphore(%arg21 : memref<!tpu.dma_semaphore, #tpu.memory_space<semaphore_mem>>)
      %add3A_822 = arith.constant 7 : i32
      %add3A_823 = arith.addi %add3A_341, %add3A_822 : i32
      %add3A_824 = arith.constant 5 : i32
      %add3A_825 = arith.addi %add3A_823, %add3A_824 : i32
      %lt3A_826 = arith.constant 64 : i32
      %lt3A_827 = arith.cmpi slt, %add3A_825, %lt3A_826 : i32
      %convert_element_type3A_828 = arith.extui %lt3A_827 : i1 to i32
      %cond3A_829 = arith.constant 0 : i32
      %cond3A_830 = arith.cmpi ne, %convert_element_type3A_828, %cond3A_829 : i32
      scf.if %cond3A_830 {
        %ge3A = arith.constant 3 : i32
        %ge3A_891 = arith.cmpi sge, %add3A_823, %ge3A : i32
        %convert_element_type3A_892 = arith.extui %ge3A_891 : i1 to i32
        %cond3A_893 = arith.constant 0 : i32
        %cond3A_894 = arith.cmpi ne, %convert_element_type3A_892, %cond3A_893 : i32
        scf.if %cond3A_894 {
          %dma_wait3A_908 = arith.constant 4 : i32
          %dma_wait3A_909 = arith.constant 0 : i32
          %dma_wait3A_910 = arith.constant 0 : i32
          %dma_wait3A_911 = tpu.memref_slice %arg6[%dma_wait3A_908, %dma_wait3A_909, %dma_wait3A_910] : memref<8x100x128xf32, #tpu.memory_space<vmem>> -> memref<1x50x128xf32, #tpu.memory_space<vmem>>
          %dma_wait3A_912 = tpu.memref_squeeze %dma_wait3A_911 : memref<1x50x128xf32, #tpu.memory_space<vmem>> -> memref<50x128xf32, #tpu.memory_space<vmem>>
          %dma_wait3A_913 = arith.constant 0 : i32
          %dma_wait3A_914 = arith.constant 0 : i32
          %dma_wait3A_915 = tpu.memref_slice %arg4[%mul3A_2, %dma_wait3A_913, %dma_wait3A_914] : memref<4096x50x128xf32, #tpu.memory_space<hbm>> -> memref<1x50x128xf32, #tpu.memory_space<hbm>>
          %dma_wait3A_916 = tpu.memref_squeeze %dma_wait3A_915 : memref<1x50x128xf32, #tpu.memory_space<hbm>> -> memref<50x128xf32, #tpu.memory_space<hbm>>
          %dma_wait3A_917 = arith.constant 0 : i32
          %dma_wait3A_918 = arith.constant 0 : i32
          %dma_wait3A_919 = tpu.memref_slice %arg4[%mul3A_2, %dma_wait3A_917, %dma_wait3A_918] : memref<4096x50x128xf32, #tpu.memory_space<hbm>> -> memref<1x50x128xf32, #tpu.memory_space<hbm>>
          %dma_wait3A_920 = tpu.memref_squeeze %dma_wait3A_919 : memref<1x50x128xf32, #tpu.memory_space<hbm>> -> memref<50x128xf32, #tpu.memory_space<hbm>>
          %dma_wait3A_921 = arith.constant 0 : i32
          %dma_wait3A_922 = arith.constant 0 : i32
          %dma_wait3A_923 = tpu.memref_slice %arg6[%dma_wait3A_908, %dma_wait3A_921, %dma_wait3A_922] : memref<8x100x128xf32, #tpu.memory_space<vmem>> -> memref<1x50x128xf32, #tpu.memory_space<vmem>>
          %dma_wait3A_924 = tpu.memref_squeeze %dma_wait3A_923 : memref<1x50x128xf32, #tpu.memory_space<vmem>> -> memref<50x128xf32, #tpu.memory_space<vmem>>
          tpu.wait_dma2 semaphore(%arg19 : memref<!tpu.dma_semaphore, #tpu.memory_space<semaphore_mem>>) src(%dma_wait3A_924 : memref<50x128xf32, #tpu.memory_space<vmem>>) dst(%dma_wait3A_920 : memref<50x128xf32, #tpu.memory_space<hbm>>)
          %dma_wait3A_925 = arith.constant 4 : i32
          %dma_wait3A_926 = arith.constant 50 : i32
          %dma_wait3A_927 = arith.constant 0 : i32
          %dma_wait3A_928 = tpu.memref_slice %arg6[%dma_wait3A_925, %dma_wait3A_926, %dma_wait3A_927] : memref<8x100x128xf32, #tpu.memory_space<vmem>> -> memref<1x50x128xf32, #tpu.memory_space<vmem>>
          %dma_wait3A_929 = tpu.memref_squeeze %dma_wait3A_928 : memref<1x50x128xf32, #tpu.memory_space<vmem>> -> memref<50x128xf32, #tpu.memory_space<vmem>>
          %dma_wait3A_930 = arith.constant 0 : i32
          %dma_wait3A_931 = arith.constant 0 : i32
          %dma_wait3A_932 = tpu.memref_slice %arg4[%mul3A_2, %dma_wait3A_930, %dma_wait3A_931] : memref<4096x50x128xf32, #tpu.memory_space<hbm>> -> memref<1x50x128xf32, #tpu.memory_space<hbm>>
          %dma_wait3A_933 = tpu.memref_squeeze %dma_wait3A_932 : memref<1x50x128xf32, #tpu.memory_space<hbm>> -> memref<50x128xf32, #tpu.memory_space<hbm>>
          %dma_wait3A_934 = arith.constant 0 : i32
          %dma_wait3A_935 = arith.constant 0 : i32
          %dma_wait3A_936 = tpu.memref_slice %arg4[%mul3A_2, %dma_wait3A_934, %dma_wait3A_935] : memref<4096x50x128xf32, #tpu.memory_space<hbm>> -> memref<1x50x128xf32, #tpu.memory_space<hbm>>
          %dma_wait3A_937 = tpu.memref_squeeze %dma_wait3A_936 : memref<1x50x128xf32, #tpu.memory_space<hbm>> -> memref<50x128xf32, #tpu.memory_space<hbm>>
          %dma_wait3A_938 = arith.constant 50 : i32
          %dma_wait3A_939 = arith.constant 0 : i32
          %dma_wait3A_940 = tpu.memref_slice %arg6[%dma_wait3A_925, %dma_wait3A_938, %dma_wait3A_939] : memref<8x100x128xf32, #tpu.memory_space<vmem>> -> memref<1x50x128xf32, #tpu.memory_space<vmem>>
          %dma_wait3A_941 = tpu.memref_squeeze %dma_wait3A_940 : memref<1x50x128xf32, #tpu.memory_space<vmem>> -> memref<50x128xf32, #tpu.memory_space<vmem>>
          tpu.wait_dma2 semaphore(%arg19 : memref<!tpu.dma_semaphore, #tpu.memory_space<semaphore_mem>>) src(%dma_wait3A_941 : memref<50x128xf32, #tpu.memory_space<vmem>>) dst(%dma_wait3A_937 : memref<50x128xf32, #tpu.memory_space<hbm>>)
        } else {
        }
        %add3A_895 = arith.constant 5 : i32
        %add3A_896 = arith.addi %add3A_823, %add3A_895 : i32
        %dma_start3A_897 = arith.constant 4 : i32
        %dma_start3A_898 = arith.constant 0 : i32
        %dma_start3A_899 = arith.constant 0 : i32
        %dma_start3A_900 = tpu.memref_slice %arg6[%dma_start3A_897, %dma_start3A_898, %dma_start3A_899] : memref<8x100x128xf32, #tpu.memory_space<vmem>> -> memref<1x100x128xf32, #tpu.memory_space<vmem>>
        %dma_start3A_901 = tpu.memref_squeeze %dma_start3A_900 : memref<1x100x128xf32, #tpu.memory_space<vmem>> -> memref<100x128xf32, #tpu.memory_space<vmem>>
        %dma_start3A_902 = arith.constant 0 : i32
        %dma_start3A_903 = tpu.memref_slice %arg5[%add3A_896, %dma_start3A_902] : memref<64x100xi32, #tpu.memory_space<vmem>> -> memref<1x100xi32, #tpu.memory_space<vmem>>
        %dma_start3A_904 = tpu.memref_squeeze %dma_start3A_903 : memref<1x100xi32, #tpu.memory_space<vmem>> -> memref<100xi32, #tpu.memory_space<vmem>>
        %dma_start3A_905 = arith.constant 0 : i32
        %dma_start3A_906 = arith.constant 0 : i32
        %dma_start3A_907 = tpu.memref_slice %arg2[%dma_start3A_905, %dma_start3A_906] : memref<100000x128xf32, #tpu.memory_space<hbm>> -> memref<100000x128xf32, #tpu.memory_space<hbm>>
        tpu.enqueue_indirect_dma source(%dma_start3A_907 : memref<100000x128xf32, #tpu.memory_space<hbm>>) target(%dma_start3A_901 : memref<100x128xf32, #tpu.memory_space<vmem>>) offsets(%dma_start3A_904 : memref<100xi32, #tpu.memory_space<vmem>>) semaphore(%arg11 : memref<!tpu.dma_semaphore, #tpu.memory_space<semaphore_mem>>)
      } else {
      }
      %dma_wait3A_831 = arith.constant 7 : i32
      %dma_wait3A_832 = arith.constant 0 : i32
      %dma_wait3A_833 = arith.constant 0 : i32
      %dma_wait3A_834 = tpu.memref_slice %arg6[%dma_wait3A_831, %dma_wait3A_832, %dma_wait3A_833] : memref<8x100x128xf32, #tpu.memory_space<vmem>> -> memref<1x100x128xf32, #tpu.memory_space<vmem>>
      %dma_wait3A_835 = tpu.memref_squeeze %dma_wait3A_834 : memref<1x100x128xf32, #tpu.memory_space<vmem>> -> memref<100x128xf32, #tpu.memory_space<vmem>>
      %dma_wait3A_836 = arith.constant 0 : i32
      %dma_wait3A_837 = tpu.memref_slice %arg5[%add3A_823, %dma_wait3A_836] : memref<64x100xi32, #tpu.memory_space<vmem>> -> memref<1x100xi32, #tpu.memory_space<vmem>>
      %dma_wait3A_838 = tpu.memref_squeeze %dma_wait3A_837 : memref<1x100xi32, #tpu.memory_space<vmem>> -> memref<100xi32, #tpu.memory_space<vmem>>
      %dma_wait3A_839 = arith.constant 0 : i32
      %dma_wait3A_840 = arith.constant 0 : i32
      %dma_wait3A_841 = tpu.memref_slice %arg2[%dma_wait3A_839, %dma_wait3A_840] : memref<100000x128xf32, #tpu.memory_space<hbm>> -> memref<100000x128xf32, #tpu.memory_space<hbm>>
      tpu.wait_indirect_dma semaphore(%arg14 : memref<!tpu.dma_semaphore, #tpu.memory_space<semaphore_mem>>) src(%dma_wait3A_841 : memref<100000x128xf32, #tpu.memory_space<hbm>>) dst(%dma_wait3A_835 : memref<100x128xf32, #tpu.memory_space<vmem>>)
      %scan3A_842 = arith.constant 0 : i32
      %scan3A_843 = arith.constant 100 : i32
      %scan3A_844 = arith.addi %scan3A_842, %scan3A_843 : i32
      %scan3A_845 = arith.constant 1 : i32
      scf.for %scan3A_891 = %scan3A_842 to %scan3A_844 step %scan3A_845  : i32 {
        %mul3A_892 = arith.constant 1 : i32
        %mul3A_893 = arith.muli %scan3A_891, %mul3A_892 : i32
        %add3A_894 = arith.constant 0 : i32
        %add3A_895 = arith.addi %add3A_894, %mul3A_893 : i32
        %get3A = arith.constant 7 : i32
        %get3A_896 = arith.index_cast %get3A : i32 to index
        %get3A_897 = arith.index_cast %add3A_895 : i32 to index
        %get3A_898 = arith.constant 0 : index
        %get3A_899 = tpu.vector_load %arg6[%get3A_896, %get3A_897, %get3A_898] {strides = array<i32>} : memref<8x100x128xf32, #tpu.memory_space<vmem>>, vector<1x1x16xf32>,
        %get3A_900 = vector.shape_cast %get3A_899 : vector<1x1x16xf32> to vector<16xf32>
        %mul3A_901 = arith.constant 11.3137083 : f32
        %mul3A_902 = vector.broadcast %mul3A_901 : f32 to vector<16xf32>
        %mul3A_903 = arith.mulf %get3A_900, %mul3A_902 : vector<16xf32>
        %swap3A = arith.constant 7 : i32
        %swap3A_904 = arith.index_cast %swap3A : i32 to index
        %swap3A_905 = arith.index_cast %add3A_895 : i32 to index
        %swap3A_906 = arith.constant 0 : index
        %swap3A_907 = tpu.vector_load %arg6[%swap3A_904, %swap3A_905, %swap3A_906] {strides = array<i32>} : memref<8x100x128xf32, #tpu.memory_space<vmem>>, vector<1x1x16xf32>,
        %swap3A_908 = vector.shape_cast %swap3A_907 : vector<1x1x16xf32> to vector<16xf32>
        %swap3A_909 = vector.shape_cast %mul3A_903 : vector<16xf32> to vector<1x1x16xf32>
        tpu.vector_store %arg6[%swap3A_904, %swap3A_905, %swap3A_906], %swap3A_909 {strides = array<i32>} : memref<8x100x128xf32, #tpu.memory_space<vmem>>, vector<1x1x16xf32>,
        %get3A_910 = arith.constant 7 : i32
        %get3A_911 = arith.index_cast %get3A_910 : i32 to index
        %get3A_912 = arith.index_cast %add3A_895 : i32 to index
        %get3A_913 = arith.constant 16 : index
        %get3A_914 = tpu.vector_load %arg6[%get3A_911, %get3A_912, %get3A_913] {strides = array<i32>} : memref<8x100x128xf32, #tpu.memory_space<vmem>>, vector<1x1x16xf32>,
        %get3A_915 = vector.shape_cast %get3A_914 : vector<1x1x16xf32> to vector<16xf32>
        %mul3A_916 = arith.constant 11.3137083 : f32
        %mul3A_917 = vector.broadcast %mul3A_916 : f32 to vector<16xf32>
        %mul3A_918 = arith.mulf %get3A_915, %mul3A_917 : vector<16xf32>
        %swap3A_919 = arith.constant 7 : i32
        %swap3A_920 = arith.index_cast %swap3A_919 : i32 to index
        %swap3A_921 = arith.index_cast %add3A_895 : i32 to index
        %swap3A_922 = arith.constant 16 : index
        %swap3A_923 = tpu.vector_load %arg6[%swap3A_920, %swap3A_921, %swap3A_922] {strides = array<i32>} : memref<8x100x128xf32, #tpu.memory_space<vmem>>, vector<1x1x16xf32>,
        %swap3A_924 = vector.shape_cast %swap3A_923 : vector<1x1x16xf32> to vector<16xf32>
        %swap3A_925 = vector.shape_cast %mul3A_918 : vector<16xf32> to vector<1x1x16xf32>
        tpu.vector_store %arg6[%swap3A_920, %swap3A_921, %swap3A_922], %swap3A_925 {strides = array<i32>} : memref<8x100x128xf32, #tpu.memory_space<vmem>>, vector<1x1x16xf32>,
        %get3A_926 = arith.constant 7 : i32
        %get3A_927 = arith.index_cast %get3A_926 : i32 to index
        %get3A_928 = arith.index_cast %add3A_895 : i32 to index
        %get3A_929 = arith.constant 32 : index
        %get3A_930 = tpu.vector_load %arg6[%get3A_927, %get3A_928, %get3A_929] {strides = array<i32>} : memref<8x100x128xf32, #tpu.memory_space<vmem>>, vector<1x1x16xf32>,
        %get3A_931 = vector.shape_cast %get3A_930 : vector<1x1x16xf32> to vector<16xf32>
        %mul3A_932 = arith.constant 11.3137083 : f32
        %mul3A_933 = vector.broadcast %mul3A_932 : f32 to vector<16xf32>
        %mul3A_934 = arith.mulf %get3A_931, %mul3A_933 : vector<16xf32>
        %swap3A_935 = arith.constant 7 : i32
        %swap3A_936 = arith.index_cast %swap3A_935 : i32 to index
        %swap3A_937 = arith.index_cast %add3A_895 : i32 to index
        %swap3A_938 = arith.constant 32 : index
        %swap3A_939 = tpu.vector_load %arg6[%swap3A_936, %swap3A_937, %swap3A_938] {strides = array<i32>} : memref<8x100x128xf32, #tpu.memory_space<vmem>>, vector<1x1x16xf32>,
        %swap3A_940 = vector.shape_cast %swap3A_939 : vector<1x1x16xf32> to vector<16xf32>
        %swap3A_941 = vector.shape_cast %mul3A_934 : vector<16xf32> to vector<1x1x16xf32>
        tpu.vector_store %arg6[%swap3A_936, %swap3A_937, %swap3A_938], %swap3A_941 {strides = array<i32>} : memref<8x100x128xf32, #tpu.memory_space<vmem>>, vector<1x1x16xf32>,
        %get3A_942 = arith.constant 7 : i32
        %get3A_943 = arith.index_cast %get3A_942 : i32 to index
        %get3A_944 = arith.index_cast %add3A_895 : i32 to index
        %get3A_945 = arith.constant 48 : index
        %get3A_946 = tpu.vector_load %arg6[%get3A_943, %get3A_944, %get3A_945] {strides = array<i32>} : memref<8x100x128xf32, #tpu.memory_space<vmem>>, vector<1x1x16xf32>,
        %get3A_947 = vector.shape_cast %get3A_946 : vector<1x1x16xf32> to vector<16xf32>
        %mul3A_948 = arith.constant 11.3137083 : f32
        %mul3A_949 = vector.broadcast %mul3A_948 : f32 to vector<16xf32>
        %mul3A_950 = arith.mulf %get3A_947, %mul3A_949 : vector<16xf32>
        %swap3A_951 = arith.constant 7 : i32
        %swap3A_952 = arith.index_cast %swap3A_951 : i32 to index
        %swap3A_953 = arith.index_cast %add3A_895 : i32 to index
        %swap3A_954 = arith.constant 48 : index
        %swap3A_955 = tpu.vector_load %arg6[%swap3A_952, %swap3A_953, %swap3A_954] {strides = array<i32>} : memref<8x100x128xf32, #tpu.memory_space<vmem>>, vector<1x1x16xf32>,
        %swap3A_956 = vector.shape_cast %swap3A_955 : vector<1x1x16xf32> to vector<16xf32>
        %swap3A_957 = vector.shape_cast %mul3A_950 : vector<16xf32> to vector<1x1x16xf32>
        tpu.vector_store %arg6[%swap3A_952, %swap3A_953, %swap3A_954], %swap3A_957 {strides = array<i32>} : memref<8x100x128xf32, #tpu.memory_space<vmem>>, vector<1x1x16xf32>,
        %get3A_958 = arith.constant 7 : i32
        %get3A_959 = arith.index_cast %get3A_958 : i32 to index
        %get3A_960 = arith.index_cast %add3A_895 : i32 to index
        %get3A_961 = arith.constant 64 : index
        %get3A_962 = tpu.vector_load %arg6[%get3A_959, %get3A_960, %get3A_961] {strides = array<i32>} : memref<8x100x128xf32, #tpu.memory_space<vmem>>, vector<1x1x16xf32>,
        %get3A_963 = vector.shape_cast %get3A_962 : vector<1x1x16xf32> to vector<16xf32>
        %mul3A_964 = arith.constant 11.3137083 : f32
        %mul3A_965 = vector.broadcast %mul3A_964 : f32 to vector<16xf32>
        %mul3A_966 = arith.mulf %get3A_963, %mul3A_965 : vector<16xf32>
        %swap3A_967 = arith.constant 7 : i32
        %swap3A_968 = arith.index_cast %swap3A_967 : i32 to index
        %swap3A_969 = arith.index_cast %add3A_895 : i32 to index
        %swap3A_970 = arith.constant 64 : index
        %swap3A_971 = tpu.vector_load %arg6[%swap3A_968, %swap3A_969, %swap3A_970] {strides = array<i32>} : memref<8x100x128xf32, #tpu.memory_space<vmem>>, vector<1x1x16xf32>,
        %swap3A_972 = vector.shape_cast %swap3A_971 : vector<1x1x16xf32> to vector<16xf32>
        %swap3A_973 = vector.shape_cast %mul3A_966 : vector<16xf32> to vector<1x1x16xf32>
        tpu.vector_store %arg6[%swap3A_968, %swap3A_969, %swap3A_970], %swap3A_973 {strides = array<i32>} : memref<8x100x128xf32, #tpu.memory_space<vmem>>, vector<1x1x16xf32>,
        %get3A_974 = arith.constant 7 : i32
        %get3A_975 = arith.index_cast %get3A_974 : i32 to index
        %get3A_976 = arith.index_cast %add3A_895 : i32 to index
        %get3A_977 = arith.constant 80 : index
        %get3A_978 = tpu.vector_load %arg6[%get3A_975, %get3A_976, %get3A_977] {strides = array<i32>} : memref<8x100x128xf32, #tpu.memory_space<vmem>>, vector<1x1x16xf32>,
        %get3A_979 = vector.shape_cast %get3A_978 : vector<1x1x16xf32> to vector<16xf32>
        %mul3A_980 = arith.constant 11.3137083 : f32
        %mul3A_981 = vector.broadcast %mul3A_980 : f32 to vector<16xf32>
        %mul3A_982 = arith.mulf %get3A_979, %mul3A_981 : vector<16xf32>
        %swap3A_983 = arith.constant 7 : i32
        %swap3A_984 = arith.index_cast %swap3A_983 : i32 to index
        %swap3A_985 = arith.index_cast %add3A_895 : i32 to index
        %swap3A_986 = arith.constant 80 : index
        %swap3A_987 = tpu.vector_load %arg6[%swap3A_984, %swap3A_985, %swap3A_986] {strides = array<i32>} : memref<8x100x128xf32, #tpu.memory_space<vmem>>, vector<1x1x16xf32>,
        %swap3A_988 = vector.shape_cast %swap3A_987 : vector<1x1x16xf32> to vector<16xf32>
        %swap3A_989 = vector.shape_cast %mul3A_982 : vector<16xf32> to vector<1x1x16xf32>
        tpu.vector_store %arg6[%swap3A_984, %swap3A_985, %swap3A_986], %swap3A_989 {strides = array<i32>} : memref<8x100x128xf32, #tpu.memory_space<vmem>>, vector<1x1x16xf32>,
        %get3A_990 = arith.constant 7 : i32
        %get3A_991 = arith.index_cast %get3A_990 : i32 to index
        %get3A_992 = arith.index_cast %add3A_895 : i32 to index
        %get3A_993 = arith.constant 96 : index
        %get3A_994 = tpu.vector_load %arg6[%get3A_991, %get3A_992, %get3A_993] {strides = array<i32>} : memref<8x100x128xf32, #tpu.memory_space<vmem>>, vector<1x1x16xf32>,
        %get3A_995 = vector.shape_cast %get3A_994 : vector<1x1x16xf32> to vector<16xf32>
        %mul3A_996 = arith.constant 11.3137083 : f32
        %mul3A_997 = vector.broadcast %mul3A_996 : f32 to vector<16xf32>
        %mul3A_998 = arith.mulf %get3A_995, %mul3A_997 : vector<16xf32>
        %swap3A_999 = arith.constant 7 : i32
        %swap3A_1000 = arith.index_cast %swap3A_999 : i32 to index
        %swap3A_1001 = arith.index_cast %add3A_895 : i32 to index
        %swap3A_1002 = arith.constant 96 : index
        %swap3A_1003 = tpu.vector_load %arg6[%swap3A_1000, %swap3A_1001, %swap3A_1002] {strides = array<i32>} : memref<8x100x128xf32, #tpu.memory_space<vmem>>, vector<1x1x16xf32>,
        %swap3A_1004 = vector.shape_cast %swap3A_1003 : vector<1x1x16xf32> to vector<16xf32>
        %swap3A_1005 = vector.shape_cast %mul3A_998 : vector<16xf32> to vector<1x1x16xf32>
        tpu.vector_store %arg6[%swap3A_1000, %swap3A_1001, %swap3A_1002], %swap3A_1005 {strides = array<i32>} : memref<8x100x128xf32, #tpu.memory_space<vmem>>, vector<1x1x16xf32>,
        %get3A_1006 = arith.constant 7 : i32
        %get3A_1007 = arith.index_cast %get3A_1006 : i32 to index
        %get3A_1008 = arith.index_cast %add3A_895 : i32 to index
        %get3A_1009 = arith.constant 112 : index
        %get3A_1010 = tpu.vector_load %arg6[%get3A_1007, %get3A_1008, %get3A_1009] {strides = array<i32>} : memref<8x100x128xf32, #tpu.memory_space<vmem>>, vector<1x1x16xf32>,
        %get3A_1011 = vector.shape_cast %get3A_1010 : vector<1x1x16xf32> to vector<16xf32>
        %mul3A_1012 = arith.constant 11.3137083 : f32
        %mul3A_1013 = vector.broadcast %mul3A_1012 : f32 to vector<16xf32>
        %mul3A_1014 = arith.mulf %get3A_1011, %mul3A_1013 : vector<16xf32>
        %swap3A_1015 = arith.constant 7 : i32
        %swap3A_1016 = arith.index_cast %swap3A_1015 : i32 to index
        %swap3A_1017 = arith.index_cast %add3A_895 : i32 to index
        %swap3A_1018 = arith.constant 112 : index
        %swap3A_1019 = tpu.vector_load %arg6[%swap3A_1016, %swap3A_1017, %swap3A_1018] {strides = array<i32>} : memref<8x100x128xf32, #tpu.memory_space<vmem>>, vector<1x1x16xf32>,
        %swap3A_1020 = vector.shape_cast %swap3A_1019 : vector<1x1x16xf32> to vector<16xf32>
        %swap3A_1021 = vector.shape_cast %mul3A_1014 : vector<16xf32> to vector<1x1x16xf32>
        tpu.vector_store %arg6[%swap3A_1016, %swap3A_1017, %swap3A_1018], %swap3A_1021 {strides = array<i32>} : memref<8x100x128xf32, #tpu.memory_space<vmem>>, vector<1x1x16xf32>,
      }
      %scan3A_846 = arith.constant 100 : i32
      %mul3A_847 = arith.constant 2 : i32
      %mul3A_848 = arith.muli %add3A_823, %mul3A_847 : i32
      %add3A_849 = arith.addi %mul3A_2, %mul3A_848 : i32
      %add3A_850 = arith.constant 0 : i32
      %add3A_851 = arith.addi %add3A_849, %add3A_850 : i32
      %dma_start3A_852 = arith.constant 7 : i32
      %dma_start3A_853 = arith.constant 0 : i32
      %dma_start3A_854 = arith.constant 0 : i32
      %dma_start3A_855 = tpu.memref_slice %arg6[%dma_start3A_852, %dma_start3A_853, %dma_start3A_854] : memref<8x100x128xf32, #tpu.memory_space<vmem>> -> memref<1x50x128xf32, #tpu.memory_space<vmem>>
      %dma_start3A_856 = tpu.memref_squeeze %dma_start3A_855 : memref<1x50x128xf32, #tpu.memory_space<vmem>> -> memref<50x128xf32, #tpu.memory_space<vmem>>
      %dma_start3A_857 = arith.constant 0 : i32
      %dma_start3A_858 = arith.constant 0 : i32
      %dma_start3A_859 = tpu.memref_slice %arg4[%add3A_851, %dma_start3A_857, %dma_start3A_858] : memref<4096x50x128xf32, #tpu.memory_space<hbm>> -> memref<1x50x128xf32, #tpu.memory_space<hbm>>
      %dma_start3A_860 = tpu.memref_squeeze %dma_start3A_859 : memref<1x50x128xf32, #tpu.memory_space<hbm>> -> memref<50x128xf32, #tpu.memory_space<hbm>>
      %dma_start3A_861 = arith.constant 0 : i32
      %dma_start3A_862 = arith.constant 0 : i32
      %dma_start3A_863 = tpu.memref_slice %arg4[%add3A_851, %dma_start3A_861, %dma_start3A_862] : memref<4096x50x128xf32, #tpu.memory_space<hbm>> -> memref<1x50x128xf32, #tpu.memory_space<hbm>>
      %dma_start3A_864 = tpu.memref_squeeze %dma_start3A_863 : memref<1x50x128xf32, #tpu.memory_space<hbm>> -> memref<50x128xf32, #tpu.memory_space<hbm>>
      %dma_start3A_865 = arith.constant 0 : i32
      %dma_start3A_866 = arith.constant 0 : i32
      %dma_start3A_867 = tpu.memref_slice %arg6[%dma_start3A_852, %dma_start3A_865, %dma_start3A_866] : memref<8x100x128xf32, #tpu.memory_space<vmem>> -> memref<1x50x128xf32, #tpu.memory_space<vmem>>
      %dma_start3A_868 = tpu.memref_squeeze %dma_start3A_867 : memref<1x50x128xf32, #tpu.memory_space<vmem>> -> memref<50x128xf32, #tpu.memory_space<vmem>>
      tpu.enqueue_dma source(%dma_start3A_868 : memref<50x128xf32, #tpu.memory_space<vmem>>) target(%dma_start3A_864 : memref<50x128xf32, #tpu.memory_space<hbm>>) target_semaphore(%arg22 : memref<!tpu.dma_semaphore, #tpu.memory_space<semaphore_mem>>)
      %mul3A_869 = arith.constant 2 : i32
      %mul3A_870 = arith.muli %add3A_823, %mul3A_869 : i32
      %add3A_871 = arith.addi %mul3A_2, %mul3A_870 : i32
      %add3A_872 = arith.constant 1 : i32
      %add3A_873 = arith.addi %add3A_871, %add3A_872 : i32
      %dma_start3A_874 = arith.constant 7 : i32
      %dma_start3A_875 = arith.constant 50 : i32
      %dma_start3A_876 = arith.constant 0 : i32
      %dma_start3A_877 = tpu.memref_slice %arg6[%dma_start3A_874, %dma_start3A_875, %dma_start3A_876] : memref<8x100x128xf32, #tpu.memory_space<vmem>> -> memref<1x50x128xf32, #tpu.memory_space<vmem>>
      %dma_start3A_878 = tpu.memref_squeeze %dma_start3A_877 : memref<1x50x128xf32, #tpu.memory_space<vmem>> -> memref<50x128xf32, #tpu.memory_space<vmem>>
      %dma_start3A_879 = arith.constant 0 : i32
      %dma_start3A_880 = arith.constant 0 : i32
      %dma_start3A_881 = tpu.memref_slice %arg4[%add3A_873, %dma_start3A_879, %dma_start3A_880] : memref<4096x50x128xf32, #tpu.memory_space<hbm>> -> memref<1x50x128xf32, #tpu.memory_space<hbm>>
      %dma_start3A_882 = tpu.memref_squeeze %dma_start3A_881 : memref<1x50x128xf32, #tpu.memory_space<hbm>> -> memref<50x128xf32, #tpu.memory_space<hbm>>
      %dma_start3A_883 = arith.constant 0 : i32
      %dma_start3A_884 = arith.constant 0 : i32
      %dma_start3A_885 = tpu.memref_slice %arg4[%add3A_873, %dma_start3A_883, %dma_start3A_884] : memref<4096x50x128xf32, #tpu.memory_space<hbm>> -> memref<1x50x128xf32, #tpu.memory_space<hbm>>
      %dma_start3A_886 = tpu.memref_squeeze %dma_start3A_885 : memref<1x50x128xf32, #tpu.memory_space<hbm>> -> memref<50x128xf32, #tpu.memory_space<hbm>>
      %dma_start3A_887 = arith.constant 50 : i32
      %dma_start3A_888 = arith.constant 0 : i32
      %dma_start3A_889 = tpu.memref_slice %arg6[%dma_start3A_874, %dma_start3A_887, %dma_start3A_888] : memref<8x100x128xf32, #tpu.memory_space<vmem>> -> memref<1x50x128xf32, #tpu.memory_space<vmem>>
      %dma_start3A_890 = tpu.memref_squeeze %dma_start3A_889 : memref<1x50x128xf32, #tpu.memory_space<vmem>> -> memref<50x128xf32, #tpu.memory_space<vmem>>
      tpu.enqueue_dma source(%dma_start3A_890 : memref<50x128xf32, #tpu.memory_space<vmem>>) target(%dma_start3A_886 : memref<50x128xf32, #tpu.memory_space<hbm>>) target_semaphore(%arg22 : memref<!tpu.dma_semaphore, #tpu.memory_space<semaphore_mem>>)
    }
    %scan3A_65 = arith.constant 8 : i32
    %dma_wait3A = arith.constant 0 : i32
    %dma_wait3A_66 = arith.constant 0 : i32
    %dma_wait3A_67 = arith.constant 0 : i32
    %dma_wait3A_68 = tpu.memref_slice %arg6[%dma_wait3A, %dma_wait3A_66, %dma_wait3A_67] : memref<8x100x128xf32, #tpu.memory_space<vmem>> -> memref<1x50x128xf32, #tpu.memory_space<vmem>>
    %dma_wait3A_69 = tpu.memref_squeeze %dma_wait3A_68 : memref<1x50x128xf32, #tpu.memory_space<vmem>> -> memref<50x128xf32, #tpu.memory_space<vmem>>
    %dma_wait3A_70 = arith.constant 0 : i32
    %dma_wait3A_71 = arith.constant 0 : i32
    %dma_wait3A_72 = tpu.memref_slice %arg4[%mul3A_2, %dma_wait3A_70, %dma_wait3A_71] : memref<4096x50x128xf32, #tpu.memory_space<hbm>> -> memref<1x50x128xf32, #tpu.memory_space<hbm>>
    %dma_wait3A_73 = tpu.memref_squeeze %dma_wait3A_72 : memref<1x50x128xf32, #tpu.memory_space<hbm>> -> memref<50x128xf32, #tpu.memory_space<hbm>>
    %dma_wait3A_74 = arith.constant 0 : i32
    %dma_wait3A_75 = arith.constant 0 : i32
    %dma_wait3A_76 = tpu.memref_slice %arg4[%mul3A_2, %dma_wait3A_74, %dma_wait3A_75] : memref<4096x50x128xf32, #tpu.memory_space<hbm>> -> memref<1x50x128xf32, #tpu.memory_space<hbm>>
    %dma_wait3A_77 = tpu.memref_squeeze %dma_wait3A_76 : memref<1x50x128xf32, #tpu.memory_space<hbm>> -> memref<50x128xf32, #tpu.memory_space<hbm>>
    %dma_wait3A_78 = arith.constant 0 : i32
    %dma_wait3A_79 = arith.constant 0 : i32
    %dma_wait3A_80 = tpu.memref_slice %arg6[%dma_wait3A, %dma_wait3A_78, %dma_wait3A_79] : memref<8x100x128xf32, #tpu.memory_space<vmem>> -> memref<1x50x128xf32, #tpu.memory_space<vmem>>
    %dma_wait3A_81 = tpu.memref_squeeze %dma_wait3A_80 : memref<1x50x128xf32, #tpu.memory_space<vmem>> -> memref<50x128xf32, #tpu.memory_space<vmem>>
    tpu.wait_dma2 semaphore(%arg15 : memref<!tpu.dma_semaphore, #tpu.memory_space<semaphore_mem>>) src(%dma_wait3A_81 : memref<50x128xf32, #tpu.memory_space<vmem>>) dst(%dma_wait3A_77 : memref<50x128xf32, #tpu.memory_space<hbm>>)
    %dma_wait3A_82 = arith.constant 0 : i32
    %dma_wait3A_83 = arith.constant 50 : i32
    %dma_wait3A_84 = arith.constant 0 : i32
    %dma_wait3A_85 = tpu.memref_slice %arg6[%dma_wait3A_82, %dma_wait3A_83, %dma_wait3A_84] : memref<8x100x128xf32, #tpu.memory_space<vmem>> -> memref<1x50x128xf32, #tpu.memory_space<vmem>>
    %dma_wait3A_86 = tpu.memref_squeeze %dma_wait3A_85 : memref<1x50x128xf32, #tpu.memory_space<vmem>> -> memref<50x128xf32, #tpu.memory_space<vmem>>
    %dma_wait3A_87 = arith.constant 0 : i32
    %dma_wait3A_88 = arith.constant 0 : i32
    %dma_wait3A_89 = tpu.memref_slice %arg4[%mul3A_2, %dma_wait3A_87, %dma_wait3A_88] : memref<4096x50x128xf32, #tpu.memory_space<hbm>> -> memref<1x50x128xf32, #tpu.memory_space<hbm>>
    %dma_wait3A_90 = tpu.memref_squeeze %dma_wait3A_89 : memref<1x50x128xf32, #tpu.memory_space<hbm>> -> memref<50x128xf32, #tpu.memory_space<hbm>>
    %dma_wait3A_91 = arith.constant 0 : i32
    %dma_wait3A_92 = arith.constant 0 : i32
    %dma_wait3A_93 = tpu.memref_slice %arg4[%mul3A_2, %dma_wait3A_91, %dma_wait3A_92] : memref<4096x50x128xf32, #tpu.memory_space<hbm>> -> memref<1x50x128xf32, #tpu.memory_space<hbm>>
    %dma_wait3A_94 = tpu.memref_squeeze %dma_wait3A_93 : memref<1x50x128xf32, #tpu.memory_space<hbm>> -> memref<50x128xf32, #tpu.memory_space<hbm>>
    %dma_wait3A_95 = arith.constant 50 : i32
    %dma_wait3A_96 = arith.constant 0 : i32
    %dma_wait3A_97 = tpu.memref_slice %arg6[%dma_wait3A_82, %dma_wait3A_95, %dma_wait3A_96] : memref<8x100x128xf32, #tpu.memory_space<vmem>> -> memref<1x50x128xf32, #tpu.memory_space<vmem>>
    %dma_wait3A_98 = tpu.memref_squeeze %dma_wait3A_97 : memref<1x50x128xf32, #tpu.memory_space<vmem>> -> memref<50x128xf32, #tpu.memory_space<vmem>>
    tpu.wait_dma2 semaphore(%arg15 : memref<!tpu.dma_semaphore, #tpu.memory_space<semaphore_mem>>) src(%dma_wait3A_98 : memref<50x128xf32, #tpu.memory_space<vmem>>) dst(%dma_wait3A_94 : memref<50x128xf32, #tpu.memory_space<hbm>>)
    %dma_wait3A_99 = arith.constant 1 : i32
    %dma_wait3A_100 = arith.constant 0 : i32
    %dma_wait3A_101 = arith.constant 0 : i32
    %dma_wait3A_102 = tpu.memref_slice %arg6[%dma_wait3A_99, %dma_wait3A_100, %dma_wait3A_101] : memref<8x100x128xf32, #tpu.memory_space<vmem>> -> memref<1x50x128xf32, #tpu.memory_space<vmem>>
    %dma_wait3A_103 = tpu.memref_squeeze %dma_wait3A_102 : memref<1x50x128xf32, #tpu.memory_space<vmem>> -> memref<50x128xf32, #tpu.memory_space<vmem>>
    %dma_wait3A_104 = arith.constant 0 : i32
    %dma_wait3A_105 = arith.constant 0 : i32
    %dma_wait3A_106 = tpu.memref_slice %arg4[%mul3A_2, %dma_wait3A_104, %dma_wait3A_105] : memref<4096x50x128xf32, #tpu.memory_space<hbm>> -> memref<1x50x128xf32, #tpu.memory_space<hbm>>
    %dma_wait3A_107 = tpu.memref_squeeze %dma_wait3A_106 : memref<1x50x128xf32, #tpu.memory_space<hbm>> -> memref<50x128xf32, #tpu.memory_space<hbm>>
    %dma_wait3A_108 = arith.constant 0 : i32
    %dma_wait3A_109 = arith.constant 0 : i32
    %dma_wait3A_110 = tpu.memref_slice %arg4[%mul3A_2, %dma_wait3A_108, %dma_wait3A_109] : memref<4096x50x128xf32, #tpu.memory_space<hbm>> -> memref<1x50x128xf32, #tpu.memory_space<hbm>>
    %dma_wait3A_111 = tpu.memref_squeeze %dma_wait3A_110 : memref<1x50x128xf32, #tpu.memory_space<hbm>> -> memref<50x128xf32, #tpu.memory_space<hbm>>
    %dma_wait3A_112 = arith.constant 0 : i32
    %dma_wait3A_113 = arith.constant 0 : i32
    %dma_wait3A_114 = tpu.memref_slice %arg6[%dma_wait3A_99, %dma_wait3A_112, %dma_wait3A_113] : memref<8x100x128xf32, #tpu.memory_space<vmem>> -> memref<1x50x128xf32, #tpu.memory_space<vmem>>
    %dma_wait3A_115 = tpu.memref_squeeze %dma_wait3A_114 : memref<1x50x128xf32, #tpu.memory_space<vmem>> -> memref<50x128xf32, #tpu.memory_space<vmem>>
    tpu.wait_dma2 semaphore(%arg16 : memref<!tpu.dma_semaphore, #tpu.memory_space<semaphore_mem>>) src(%dma_wait3A_115 : memref<50x128xf32, #tpu.memory_space<vmem>>) dst(%dma_wait3A_111 : memref<50x128xf32, #tpu.memory_space<hbm>>)
    %dma_wait3A_116 = arith.constant 1 : i32
    %dma_wait3A_117 = arith.constant 50 : i32
    %dma_wait3A_118 = arith.constant 0 : i32
    %dma_wait3A_119 = tpu.memref_slice %arg6[%dma_wait3A_116, %dma_wait3A_117, %dma_wait3A_118] : memref<8x100x128xf32, #tpu.memory_space<vmem>> -> memref<1x50x128xf32, #tpu.memory_space<vmem>>
    %dma_wait3A_120 = tpu.memref_squeeze %dma_wait3A_119 : memref<1x50x128xf32, #tpu.memory_space<vmem>> -> memref<50x128xf32, #tpu.memory_space<vmem>>
    %dma_wait3A_121 = arith.constant 0 : i32
    %dma_wait3A_122 = arith.constant 0 : i32
    %dma_wait3A_123 = tpu.memref_slice %arg4[%mul3A_2, %dma_wait3A_121, %dma_wait3A_122] : memref<4096x50x128xf32, #tpu.memory_space<hbm>> -> memref<1x50x128xf32, #tpu.memory_space<hbm>>
    %dma_wait3A_124 = tpu.memref_squeeze %dma_wait3A_123 : memref<1x50x128xf32, #tpu.memory_space<hbm>> -> memref<50x128xf32, #tpu.memory_space<hbm>>
    %dma_wait3A_125 = arith.constant 0 : i32
    %dma_wait3A_126 = arith.constant 0 : i32
    %dma_wait3A_127 = tpu.memref_slice %arg4[%mul3A_2, %dma_wait3A_125, %dma_wait3A_126] : memref<4096x50x128xf32, #tpu.memory_space<hbm>> -> memref<1x50x128xf32, #tpu.memory_space<hbm>>
    %dma_wait3A_128 = tpu.memref_squeeze %dma_wait3A_127 : memref<1x50x128xf32, #tpu.memory_space<hbm>> -> memref<50x128xf32, #tpu.memory_space<hbm>>
    %dma_wait3A_129 = arith.constant 50 : i32
    %dma_wait3A_130 = arith.constant 0 : i32
    %dma_wait3A_131 = tpu.memref_slice %arg6[%dma_wait3A_116, %dma_wait3A_129, %dma_wait3A_130] : memref<8x100x128xf32, #tpu.memory_space<vmem>> -> memref<1x50x128xf32, #tpu.memory_space<vmem>>
    %dma_wait3A_132 = tpu.memref_squeeze %dma_wait3A_131 : memref<1x50x128xf32, #tpu.memory_space<vmem>> -> memref<50x128xf32, #tpu.memory_space<vmem>>
    tpu.wait_dma2 semaphore(%arg16 : memref<!tpu.dma_semaphore, #tpu.memory_space<semaphore_mem>>) src(%dma_wait3A_132 : memref<50x128xf32, #tpu.memory_space<vmem>>) dst(%dma_wait3A_128 : memref<50x128xf32, #tpu.memory_space<hbm>>)
    %dma_wait3A_133 = arith.constant 2 : i32
    %dma_wait3A_134 = arith.constant 0 : i32
    %dma_wait3A_135 = arith.constant 0 : i32
    %dma_wait3A_136 = tpu.memref_slice %arg6[%dma_wait3A_133, %dma_wait3A_134, %dma_wait3A_135] : memref<8x100x128xf32, #tpu.memory_space<vmem>> -> memref<1x50x128xf32, #tpu.memory_space<vmem>>
    %dma_wait3A_137 = tpu.memref_squeeze %dma_wait3A_136 : memref<1x50x128xf32, #tpu.memory_space<vmem>> -> memref<50x128xf32, #tpu.memory_space<vmem>>
    %dma_wait3A_138 = arith.constant 0 : i32
    %dma_wait3A_139 = arith.constant 0 : i32
    %dma_wait3A_140 = tpu.memref_slice %arg4[%mul3A_2, %dma_wait3A_138, %dma_wait3A_139] : memref<4096x50x128xf32, #tpu.memory_space<hbm>> -> memref<1x50x128xf32, #tpu.memory_space<hbm>>
    %dma_wait3A_141 = tpu.memref_squeeze %dma_wait3A_140 : memref<1x50x128xf32, #tpu.memory_space<hbm>> -> memref<50x128xf32, #tpu.memory_space<hbm>>
    %dma_wait3A_142 = arith.constant 0 : i32
    %dma_wait3A_143 = arith.constant 0 : i32
    %dma_wait3A_144 = tpu.memref_slice %arg4[%mul3A_2, %dma_wait3A_142, %dma_wait3A_143] : memref<4096x50x128xf32, #tpu.memory_space<hbm>> -> memref<1x50x128xf32, #tpu.memory_space<hbm>>
    %dma_wait3A_145 = tpu.memref_squeeze %dma_wait3A_144 : memref<1x50x128xf32, #tpu.memory_space<hbm>> -> memref<50x128xf32, #tpu.memory_space<hbm>>
    %dma_wait3A_146 = arith.constant 0 : i32
    %dma_wait3A_147 = arith.constant 0 : i32
    %dma_wait3A_148 = tpu.memref_slice %arg6[%dma_wait3A_133, %dma_wait3A_146, %dma_wait3A_147] : memref<8x100x128xf32, #tpu.memory_space<vmem>> -> memref<1x50x128xf32, #tpu.memory_space<vmem>>
    %dma_wait3A_149 = tpu.memref_squeeze %dma_wait3A_148 : memref<1x50x128xf32, #tpu.memory_space<vmem>> -> memref<50x128xf32, #tpu.memory_space<vmem>>
    tpu.wait_dma2 semaphore(%arg17 : memref<!tpu.dma_semaphore, #tpu.memory_space<semaphore_mem>>) src(%dma_wait3A_149 : memref<50x128xf32, #tpu.memory_space<vmem>>) dst(%dma_wait3A_145 : memref<50x128xf32, #tpu.memory_space<hbm>>)
    %dma_wait3A_150 = arith.constant 2 : i32
    %dma_wait3A_151 = arith.constant 50 : i32
    %dma_wait3A_152 = arith.constant 0 : i32
    %dma_wait3A_153 = tpu.memref_slice %arg6[%dma_wait3A_150, %dma_wait3A_151, %dma_wait3A_152] : memref<8x100x128xf32, #tpu.memory_space<vmem>> -> memref<1x50x128xf32, #tpu.memory_space<vmem>>
    %dma_wait3A_154 = tpu.memref_squeeze %dma_wait3A_153 : memref<1x50x128xf32, #tpu.memory_space<vmem>> -> memref<50x128xf32, #tpu.memory_space<vmem>>
    %dma_wait3A_155 = arith.constant 0 : i32
    %dma_wait3A_156 = arith.constant 0 : i32
    %dma_wait3A_157 = tpu.memref_slice %arg4[%mul3A_2, %dma_wait3A_155, %dma_wait3A_156] : memref<4096x50x128xf32, #tpu.memory_space<hbm>> -> memref<1x50x128xf32, #tpu.memory_space<hbm>>
    %dma_wait3A_158 = tpu.memref_squeeze %dma_wait3A_157 : memref<1x50x128xf32, #tpu.memory_space<hbm>> -> memref<50x128xf32, #tpu.memory_space<hbm>>
    %dma_wait3A_159 = arith.constant 0 : i32
    %dma_wait3A_160 = arith.constant 0 : i32
    %dma_wait3A_161 = tpu.memref_slice %arg4[%mul3A_2, %dma_wait3A_159, %dma_wait3A_160] : memref<4096x50x128xf32, #tpu.memory_space<hbm>> -> memref<1x50x128xf32, #tpu.memory_space<hbm>>
    %dma_wait3A_162 = tpu.memref_squeeze %dma_wait3A_161 : memref<1x50x128xf32, #tpu.memory_space<hbm>> -> memref<50x128xf32, #tpu.memory_space<hbm>>
    %dma_wait3A_163 = arith.constant 50 : i32
    %dma_wait3A_164 = arith.constant 0 : i32
    %dma_wait3A_165 = tpu.memref_slice %arg6[%dma_wait3A_150, %dma_wait3A_163, %dma_wait3A_164] : memref<8x100x128xf32, #tpu.memory_space<vmem>> -> memref<1x50x128xf32, #tpu.memory_space<vmem>>
    %dma_wait3A_166 = tpu.memref_squeeze %dma_wait3A_165 : memref<1x50x128xf32, #tpu.memory_space<vmem>> -> memref<50x128xf32, #tpu.memory_space<vmem>>
    tpu.wait_dma2 semaphore(%arg17 : memref<!tpu.dma_semaphore, #tpu.memory_space<semaphore_mem>>) src(%dma_wait3A_166 : memref<50x128xf32, #tpu.memory_space<vmem>>) dst(%dma_wait3A_162 : memref<50x128xf32, #tpu.memory_space<hbm>>)
    %dma_wait3A_167 = arith.constant 3 : i32
    %dma_wait3A_168 = arith.constant 0 : i32
    %dma_wait3A_169 = arith.constant 0 : i32
    %dma_wait3A_170 = tpu.memref_slice %arg6[%dma_wait3A_167, %dma_wait3A_168, %dma_wait3A_169] : memref<8x100x128xf32, #tpu.memory_space<vmem>> -> memref<1x50x128xf32, #tpu.memory_space<vmem>>
    %dma_wait3A_171 = tpu.memref_squeeze %dma_wait3A_170 : memref<1x50x128xf32, #tpu.memory_space<vmem>> -> memref<50x128xf32, #tpu.memory_space<vmem>>
    %dma_wait3A_172 = arith.constant 0 : i32
    %dma_wait3A_173 = arith.constant 0 : i32
    %dma_wait3A_174 = tpu.memref_slice %arg4[%mul3A_2, %dma_wait3A_172, %dma_wait3A_173] : memref<4096x50x128xf32, #tpu.memory_space<hbm>> -> memref<1x50x128xf32, #tpu.memory_space<hbm>>
    %dma_wait3A_175 = tpu.memref_squeeze %dma_wait3A_174 : memref<1x50x128xf32, #tpu.memory_space<hbm>> -> memref<50x128xf32, #tpu.memory_space<hbm>>
    %dma_wait3A_176 = arith.constant 0 : i32
    %dma_wait3A_177 = arith.constant 0 : i32
    %dma_wait3A_178 = tpu.memref_slice %arg4[%mul3A_2, %dma_wait3A_176, %dma_wait3A_177] : memref<4096x50x128xf32, #tpu.memory_space<hbm>> -> memref<1x50x128xf32, #tpu.memory_space<hbm>>
    %dma_wait3A_179 = tpu.memref_squeeze %dma_wait3A_178 : memref<1x50x128xf32, #tpu.memory_space<hbm>> -> memref<50x128xf32, #tpu.memory_space<hbm>>
    %dma_wait3A_180 = arith.constant 0 : i32
    %dma_wait3A_181 = arith.constant 0 : i32
    %dma_wait3A_182 = tpu.memref_slice %arg6[%dma_wait3A_167, %dma_wait3A_180, %dma_wait3A_181] : memref<8x100x128xf32, #tpu.memory_space<vmem>> -> memref<1x50x128xf32, #tpu.memory_space<vmem>>
    %dma_wait3A_183 = tpu.memref_squeeze %dma_wait3A_182 : memref<1x50x128xf32, #tpu.memory_space<vmem>> -> memref<50x128xf32, #tpu.memory_space<vmem>>
    tpu.wait_dma2 semaphore(%arg18 : memref<!tpu.dma_semaphore, #tpu.memory_space<semaphore_mem>>) src(%dma_wait3A_183 : memref<50x128xf32, #tpu.memory_space<vmem>>) dst(%dma_wait3A_179 : memref<50x128xf32, #tpu.memory_space<hbm>>)
    %dma_wait3A_184 = arith.constant 3 : i32
    %dma_wait3A_185 = arith.constant 50 : i32
    %dma_wait3A_186 = arith.constant 0 : i32
    %dma_wait3A_187 = tpu.memref_slice %arg6[%dma_wait3A_184, %dma_wait3A_185, %dma_wait3A_186] : memref<8x100x128xf32, #tpu.memory_space<vmem>> -> memref<1x50x128xf32, #tpu.memory_space<vmem>>
    %dma_wait3A_188 = tpu.memref_squeeze %dma_wait3A_187 : memref<1x50x128xf32, #tpu.memory_space<vmem>> -> memref<50x128xf32, #tpu.memory_space<vmem>>
    %dma_wait3A_189 = arith.constant 0 : i32
    %dma_wait3A_190 = arith.constant 0 : i32
    %dma_wait3A_191 = tpu.memref_slice %arg4[%mul3A_2, %dma_wait3A_189, %dma_wait3A_190] : memref<4096x50x128xf32, #tpu.memory_space<hbm>> -> memref<1x50x128xf32, #tpu.memory_space<hbm>>
    %dma_wait3A_192 = tpu.memref_squeeze %dma_wait3A_191 : memref<1x50x128xf32, #tpu.memory_space<hbm>> -> memref<50x128xf32, #tpu.memory_space<hbm>>
    %dma_wait3A_193 = arith.constant 0 : i32
    %dma_wait3A_194 = arith.constant 0 : i32
    %dma_wait3A_195 = tpu.memref_slice %arg4[%mul3A_2, %dma_wait3A_193, %dma_wait3A_194] : memref<4096x50x128xf32, #tpu.memory_space<hbm>> -> memref<1x50x128xf32, #tpu.memory_space<hbm>>
    %dma_wait3A_196 = tpu.memref_squeeze %dma_wait3A_195 : memref<1x50x128xf32, #tpu.memory_space<hbm>> -> memref<50x128xf32, #tpu.memory_space<hbm>>
    %dma_wait3A_197 = arith.constant 50 : i32
    %dma_wait3A_198 = arith.constant 0 : i32
    %dma_wait3A_199 = tpu.memref_slice %arg6[%dma_wait3A_184, %dma_wait3A_197, %dma_wait3A_198] : memref<8x100x128xf32, #tpu.memory_space<vmem>> -> memref<1x50x128xf32, #tpu.memory_space<vmem>>
    %dma_wait3A_200 = tpu.memref_squeeze %dma_wait3A_199 : memref<1x50x128xf32, #tpu.memory_space<vmem>> -> memref<50x128xf32, #tpu.memory_space<vmem>>
    tpu.wait_dma2 semaphore(%arg18 : memref<!tpu.dma_semaphore, #tpu.memory_space<semaphore_mem>>) src(%dma_wait3A_200 : memref<50x128xf32, #tpu.memory_space<vmem>>) dst(%dma_wait3A_196 : memref<50x128xf32, #tpu.memory_space<hbm>>)
    %dma_wait3A_201 = arith.constant 4 : i32
    %dma_wait3A_202 = arith.constant 0 : i32
    %dma_wait3A_203 = arith.constant 0 : i32
    %dma_wait3A_204 = tpu.memref_slice %arg6[%dma_wait3A_201, %dma_wait3A_202, %dma_wait3A_203] : memref<8x100x128xf32, #tpu.memory_space<vmem>> -> memref<1x50x128xf32, #tpu.memory_space<vmem>>
    %dma_wait3A_205 = tpu.memref_squeeze %dma_wait3A_204 : memref<1x50x128xf32, #tpu.memory_space<vmem>> -> memref<50x128xf32, #tpu.memory_space<vmem>>
    %dma_wait3A_206 = arith.constant 0 : i32
    %dma_wait3A_207 = arith.constant 0 : i32
    %dma_wait3A_208 = tpu.memref_slice %arg4[%mul3A_2, %dma_wait3A_206, %dma_wait3A_207] : memref<4096x50x128xf32, #tpu.memory_space<hbm>> -> memref<1x50x128xf32, #tpu.memory_space<hbm>>
    %dma_wait3A_209 = tpu.memref_squeeze %dma_wait3A_208 : memref<1x50x128xf32, #tpu.memory_space<hbm>> -> memref<50x128xf32, #tpu.memory_space<hbm>>
    %dma_wait3A_210 = arith.constant 0 : i32
    %dma_wait3A_211 = arith.constant 0 : i32
    %dma_wait3A_212 = tpu.memref_slice %arg4[%mul3A_2, %dma_wait3A_210, %dma_wait3A_211] : memref<4096x50x128xf32, #tpu.memory_space<hbm>> -> memref<1x50x128xf32, #tpu.memory_space<hbm>>
    %dma_wait3A_213 = tpu.memref_squeeze %dma_wait3A_212 : memref<1x50x128xf32, #tpu.memory_space<hbm>> -> memref<50x128xf32, #tpu.memory_space<hbm>>
    %dma_wait3A_214 = arith.constant 0 : i32
    %dma_wait3A_215 = arith.constant 0 : i32
    %dma_wait3A_216 = tpu.memref_slice %arg6[%dma_wait3A_201, %dma_wait3A_214, %dma_wait3A_215] : memref<8x100x128xf32, #tpu.memory_space<vmem>> -> memref<1x50x128xf32, #tpu.memory_space<vmem>>
    %dma_wait3A_217 = tpu.memref_squeeze %dma_wait3A_216 : memref<1x50x128xf32, #tpu.memory_space<vmem>> -> memref<50x128xf32, #tpu.memory_space<vmem>>
    tpu.wait_dma2 semaphore(%arg19 : memref<!tpu.dma_semaphore, #tpu.memory_space<semaphore_mem>>) src(%dma_wait3A_217 : memref<50x128xf32, #tpu.memory_space<vmem>>) dst(%dma_wait3A_213 : memref<50x128xf32, #tpu.memory_space<hbm>>)
    %dma_wait3A_218 = arith.constant 4 : i32
    %dma_wait3A_219 = arith.constant 50 : i32
    %dma_wait3A_220 = arith.constant 0 : i32
    %dma_wait3A_221 = tpu.memref_slice %arg6[%dma_wait3A_218, %dma_wait3A_219, %dma_wait3A_220] : memref<8x100x128xf32, #tpu.memory_space<vmem>> -> memref<1x50x128xf32, #tpu.memory_space<vmem>>
    %dma_wait3A_222 = tpu.memref_squeeze %dma_wait3A_221 : memref<1x50x128xf32, #tpu.memory_space<vmem>> -> memref<50x128xf32, #tpu.memory_space<vmem>>
    %dma_wait3A_223 = arith.constant 0 : i32
    %dma_wait3A_224 = arith.constant 0 : i32
    %dma_wait3A_225 = tpu.memref_slice %arg4[%mul3A_2, %dma_wait3A_223, %dma_wait3A_224] : memref<4096x50x128xf32, #tpu.memory_space<hbm>> -> memref<1x50x128xf32, #tpu.memory_space<hbm>>
    %dma_wait3A_226 = tpu.memref_squeeze %dma_wait3A_225 : memref<1x50x128xf32, #tpu.memory_space<hbm>> -> memref<50x128xf32, #tpu.memory_space<hbm>>
    %dma_wait3A_227 = arith.constant 0 : i32
    %dma_wait3A_228 = arith.constant 0 : i32
    %dma_wait3A_229 = tpu.memref_slice %arg4[%mul3A_2, %dma_wait3A_227, %dma_wait3A_228] : memref<4096x50x128xf32, #tpu.memory_space<hbm>> -> memref<1x50x128xf32, #tpu.memory_space<hbm>>
    %dma_wait3A_230 = tpu.memref_squeeze %dma_wait3A_229 : memref<1x50x128xf32, #tpu.memory_space<hbm>> -> memref<50x128xf32, #tpu.memory_space<hbm>>
    %dma_wait3A_231 = arith.constant 50 : i32
    %dma_wait3A_232 = arith.constant 0 : i32
    %dma_wait3A_233 = tpu.memref_slice %arg6[%dma_wait3A_218, %dma_wait3A_231, %dma_wait3A_232] : memref<8x100x128xf32, #tpu.memory_space<vmem>> -> memref<1x50x128xf32, #tpu.memory_space<vmem>>
    %dma_wait3A_234 = tpu.memref_squeeze %dma_wait3A_233 : memref<1x50x128xf32, #tpu.memory_space<vmem>> -> memref<50x128xf32, #tpu.memory_space<vmem>>
    tpu.wait_dma2 semaphore(%arg19 : memref<!tpu.dma_semaphore, #tpu.memory_space<semaphore_mem>>) src(%dma_wait3A_234 : memref<50x128xf32, #tpu.memory_space<vmem>>) dst(%dma_wait3A_230 : memref<50x128xf32, #tpu.memory_space<hbm>>)
    %dma_wait3A_235 = arith.constant 5 : i32
    %dma_wait3A_236 = arith.constant 0 : i32
    %dma_wait3A_237 = arith.constant 0 : i32
    %dma_wait3A_238 = tpu.memref_slice %arg6[%dma_wait3A_235, %dma_wait3A_236, %dma_wait3A_237] : memref<8x100x128xf32, #tpu.memory_space<vmem>> -> memref<1x50x128xf32, #tpu.memory_space<vmem>>
    %dma_wait3A_239 = tpu.memref_squeeze %dma_wait3A_238 : memref<1x50x128xf32, #tpu.memory_space<vmem>> -> memref<50x128xf32, #tpu.memory_space<vmem>>
    %dma_wait3A_240 = arith.constant 0 : i32
    %dma_wait3A_241 = arith.constant 0 : i32
    %dma_wait3A_242 = tpu.memref_slice %arg4[%mul3A_2, %dma_wait3A_240, %dma_wait3A_241] : memref<4096x50x128xf32, #tpu.memory_space<hbm>> -> memref<1x50x128xf32, #tpu.memory_space<hbm>>
    %dma_wait3A_243 = tpu.memref_squeeze %dma_wait3A_242 : memref<1x50x128xf32, #tpu.memory_space<hbm>> -> memref<50x128xf32, #tpu.memory_space<hbm>>
    %dma_wait3A_244 = arith.constant 0 : i32
    %dma_wait3A_245 = arith.constant 0 : i32
    %dma_wait3A_246 = tpu.memref_slice %arg4[%mul3A_2, %dma_wait3A_244, %dma_wait3A_245] : memref<4096x50x128xf32, #tpu.memory_space<hbm>> -> memref<1x50x128xf32, #tpu.memory_space<hbm>>
    %dma_wait3A_247 = tpu.memref_squeeze %dma_wait3A_246 : memref<1x50x128xf32, #tpu.memory_space<hbm>> -> memref<50x128xf32, #tpu.memory_space<hbm>>
    %dma_wait3A_248 = arith.constant 0 : i32
    %dma_wait3A_249 = arith.constant 0 : i32
    %dma_wait3A_250 = tpu.memref_slice %arg6[%dma_wait3A_235, %dma_wait3A_248, %dma_wait3A_249] : memref<8x100x128xf32, #tpu.memory_space<vmem>> -> memref<1x50x128xf32, #tpu.memory_space<vmem>>
    %dma_wait3A_251 = tpu.memref_squeeze %dma_wait3A_250 : memref<1x50x128xf32, #tpu.memory_space<vmem>> -> memref<50x128xf32, #tpu.memory_space<vmem>>
    tpu.wait_dma2 semaphore(%arg20 : memref<!tpu.dma_semaphore, #tpu.memory_space<semaphore_mem>>) src(%dma_wait3A_251 : memref<50x128xf32, #tpu.memory_space<vmem>>) dst(%dma_wait3A_247 : memref<50x128xf32, #tpu.memory_space<hbm>>)
    %dma_wait3A_252 = arith.constant 5 : i32
    %dma_wait3A_253 = arith.constant 50 : i32
    %dma_wait3A_254 = arith.constant 0 : i32
    %dma_wait3A_255 = tpu.memref_slice %arg6[%dma_wait3A_252, %dma_wait3A_253, %dma_wait3A_254] : memref<8x100x128xf32, #tpu.memory_space<vmem>> -> memref<1x50x128xf32, #tpu.memory_space<vmem>>
    %dma_wait3A_256 = tpu.memref_squeeze %dma_wait3A_255 : memref<1x50x128xf32, #tpu.memory_space<vmem>> -> memref<50x128xf32, #tpu.memory_space<vmem>>
    %dma_wait3A_257 = arith.constant 0 : i32
    %dma_wait3A_258 = arith.constant 0 : i32
    %dma_wait3A_259 = tpu.memref_slice %arg4[%mul3A_2, %dma_wait3A_257, %dma_wait3A_258] : memref<4096x50x128xf32, #tpu.memory_space<hbm>> -> memref<1x50x128xf32, #tpu.memory_space<hbm>>
    %dma_wait3A_260 = tpu.memref_squeeze %dma_wait3A_259 : memref<1x50x128xf32, #tpu.memory_space<hbm>> -> memref<50x128xf32, #tpu.memory_space<hbm>>
    %dma_wait3A_261 = arith.constant 0 : i32
    %dma_wait3A_262 = arith.constant 0 : i32
    %dma_wait3A_263 = tpu.memref_slice %arg4[%mul3A_2, %dma_wait3A_261, %dma_wait3A_262] : memref<4096x50x128xf32, #tpu.memory_space<hbm>> -> memref<1x50x128xf32, #tpu.memory_space<hbm>>
    %dma_wait3A_264 = tpu.memref_squeeze %dma_wait3A_263 : memref<1x50x128xf32, #tpu.memory_space<hbm>> -> memref<50x128xf32, #tpu.memory_space<hbm>>
    %dma_wait3A_265 = arith.constant 50 : i32
    %dma_wait3A_266 = arith.constant 0 : i32
    %dma_wait3A_267 = tpu.memref_slice %arg6[%dma_wait3A_252, %dma_wait3A_265, %dma_wait3A_266] : memref<8x100x128xf32, #tpu.memory_space<vmem>> -> memref<1x50x128xf32, #tpu.memory_space<vmem>>
    %dma_wait3A_268 = tpu.memref_squeeze %dma_wait3A_267 : memref<1x50x128xf32, #tpu.memory_space<vmem>> -> memref<50x128xf32, #tpu.memory_space<vmem>>
    tpu.wait_dma2 semaphore(%arg20 : memref<!tpu.dma_semaphore, #tpu.memory_space<semaphore_mem>>) src(%dma_wait3A_268 : memref<50x128xf32, #tpu.memory_space<vmem>>) dst(%dma_wait3A_264 : memref<50x128xf32, #tpu.memory_space<hbm>>)
    %dma_wait3A_269 = arith.constant 6 : i32
    %dma_wait3A_270 = arith.constant 0 : i32
    %dma_wait3A_271 = arith.constant 0 : i32
    %dma_wait3A_272 = tpu.memref_slice %arg6[%dma_wait3A_269, %dma_wait3A_270, %dma_wait3A_271] : memref<8x100x128xf32, #tpu.memory_space<vmem>> -> memref<1x50x128xf32, #tpu.memory_space<vmem>>
    %dma_wait3A_273 = tpu.memref_squeeze %dma_wait3A_272 : memref<1x50x128xf32, #tpu.memory_space<vmem>> -> memref<50x128xf32, #tpu.memory_space<vmem>>
    %dma_wait3A_274 = arith.constant 0 : i32
    %dma_wait3A_275 = arith.constant 0 : i32
    %dma_wait3A_276 = tpu.memref_slice %arg4[%mul3A_2, %dma_wait3A_274, %dma_wait3A_275] : memref<4096x50x128xf32, #tpu.memory_space<hbm>> -> memref<1x50x128xf32, #tpu.memory_space<hbm>>
    %dma_wait3A_277 = tpu.memref_squeeze %dma_wait3A_276 : memref<1x50x128xf32, #tpu.memory_space<hbm>> -> memref<50x128xf32, #tpu.memory_space<hbm>>
    %dma_wait3A_278 = arith.constant 0 : i32
    %dma_wait3A_279 = arith.constant 0 : i32
    %dma_wait3A_280 = tpu.memref_slice %arg4[%mul3A_2, %dma_wait3A_278, %dma_wait3A_279] : memref<4096x50x128xf32, #tpu.memory_space<hbm>> -> memref<1x50x128xf32, #tpu.memory_space<hbm>>
    %dma_wait3A_281 = tpu.memref_squeeze %dma_wait3A_280 : memref<1x50x128xf32, #tpu.memory_space<hbm>> -> memref<50x128xf32, #tpu.memory_space<hbm>>
    %dma_wait3A_282 = arith.constant 0 : i32
    %dma_wait3A_283 = arith.constant 0 : i32
    %dma_wait3A_284 = tpu.memref_slice %arg6[%dma_wait3A_269, %dma_wait3A_282, %dma_wait3A_283] : memref<8x100x128xf32, #tpu.memory_space<vmem>> -> memref<1x50x128xf32, #tpu.memory_space<vmem>>
    %dma_wait3A_285 = tpu.memref_squeeze %dma_wait3A_284 : memref<1x50x128xf32, #tpu.memory_space<vmem>> -> memref<50x128xf32, #tpu.memory_space<vmem>>
    tpu.wait_dma2 semaphore(%arg21 : memref<!tpu.dma_semaphore, #tpu.memory_space<semaphore_mem>>) src(%dma_wait3A_285 : memref<50x128xf32, #tpu.memory_space<vmem>>) dst(%dma_wait3A_281 : memref<50x128xf32, #tpu.memory_space<hbm>>)
    %dma_wait3A_286 = arith.constant 6 : i32
    %dma_wait3A_287 = arith.constant 50 : i32
    %dma_wait3A_288 = arith.constant 0 : i32
    %dma_wait3A_289 = tpu.memref_slice %arg6[%dma_wait3A_286, %dma_wait3A_287, %dma_wait3A_288] : memref<8x100x128xf32, #tpu.memory_space<vmem>> -> memref<1x50x128xf32, #tpu.memory_space<vmem>>
    %dma_wait3A_290 = tpu.memref_squeeze %dma_wait3A_289 : memref<1x50x128xf32, #tpu.memory_space<vmem>> -> memref<50x128xf32, #tpu.memory_space<vmem>>
    %dma_wait3A_291 = arith.constant 0 : i32
    %dma_wait3A_292 = arith.constant 0 : i32
    %dma_wait3A_293 = tpu.memref_slice %arg4[%mul3A_2, %dma_wait3A_291, %dma_wait3A_292] : memref<4096x50x128xf32, #tpu.memory_space<hbm>> -> memref<1x50x128xf32, #tpu.memory_space<hbm>>
    %dma_wait3A_294 = tpu.memref_squeeze %dma_wait3A_293 : memref<1x50x128xf32, #tpu.memory_space<hbm>> -> memref<50x128xf32, #tpu.memory_space<hbm>>
    %dma_wait3A_295 = arith.constant 0 : i32
    %dma_wait3A_296 = arith.constant 0 : i32
    %dma_wait3A_297 = tpu.memref_slice %arg4[%mul3A_2, %dma_wait3A_295, %dma_wait3A_296] : memref<4096x50x128xf32, #tpu.memory_space<hbm>> -> memref<1x50x128xf32, #tpu.memory_space<hbm>>
    %dma_wait3A_298 = tpu.memref_squeeze %dma_wait3A_297 : memref<1x50x128xf32, #tpu.memory_space<hbm>> -> memref<50x128xf32, #tpu.memory_space<hbm>>
    %dma_wait3A_299 = arith.constant 50 : i32
    %dma_wait3A_300 = arith.constant 0 : i32
    %dma_wait3A_301 = tpu.memref_slice %arg6[%dma_wait3A_286, %dma_wait3A_299, %dma_wait3A_300] : memref<8x100x128xf32, #tpu.memory_space<vmem>> -> memref<1x50x128xf32, #tpu.memory_space<vmem>>
    %dma_wait3A_302 = tpu.memref_squeeze %dma_wait3A_301 : memref<1x50x128xf32, #tpu.memory_space<vmem>> -> memref<50x128xf32, #tpu.memory_space<vmem>>
    tpu.wait_dma2 semaphore(%arg21 : memref<!tpu.dma_semaphore, #tpu.memory_space<semaphore_mem>>) src(%dma_wait3A_302 : memref<50x128xf32, #tpu.memory_space<vmem>>) dst(%dma_wait3A_298 : memref<50x128xf32, #tpu.memory_space<hbm>>)
    %dma_wait3A_303 = arith.constant 7 : i32
    %dma_wait3A_304 = arith.constant 0 : i32
    %dma_wait3A_305 = arith.constant 0 : i32
    %dma_wait3A_306 = tpu.memref_slice %arg6[%dma_wait3A_303, %dma_wait3A_304, %dma_wait3A_305] : memref<8x100x128xf32, #tpu.memory_space<vmem>> -> memref<1x50x128xf32, #tpu.memory_space<vmem>>
    %dma_wait3A_307 = tpu.memref_squeeze %dma_wait3A_306 : memref<1x50x128xf32, #tpu.memory_space<vmem>> -> memref<50x128xf32, #tpu.memory_space<vmem>>
    %dma_wait3A_308 = arith.constant 0 : i32
    %dma_wait3A_309 = arith.constant 0 : i32
    %dma_wait3A_310 = tpu.memref_slice %arg4[%mul3A_2, %dma_wait3A_308, %dma_wait3A_309] : memref<4096x50x128xf32, #tpu.memory_space<hbm>> -> memref<1x50x128xf32, #tpu.memory_space<hbm>>
    %dma_wait3A_311 = tpu.memref_squeeze %dma_wait3A_310 : memref<1x50x128xf32, #tpu.memory_space<hbm>> -> memref<50x128xf32, #tpu.memory_space<hbm>>
    %dma_wait3A_312 = arith.constant 0 : i32
    %dma_wait3A_313 = arith.constant 0 : i32
    %dma_wait3A_314 = tpu.memref_slice %arg4[%mul3A_2, %dma_wait3A_312, %dma_wait3A_313] : memref<4096x50x128xf32, #tpu.memory_space<hbm>> -> memref<1x50x128xf32, #tpu.memory_space<hbm>>
    %dma_wait3A_315 = tpu.memref_squeeze %dma_wait3A_314 : memref<1x50x128xf32, #tpu.memory_space<hbm>> -> memref<50x128xf32, #tpu.memory_space<hbm>>
    %dma_wait3A_316 = arith.constant 0 : i32
    %dma_wait3A_317 = arith.constant 0 : i32
    %dma_wait3A_318 = tpu.memref_slice %arg6[%dma_wait3A_303, %dma_wait3A_316, %dma_wait3A_317] : memref<8x100x128xf32, #tpu.memory_space<vmem>> -> memref<1x50x128xf32, #tpu.memory_space<vmem>>
    %dma_wait3A_319 = tpu.memref_squeeze %dma_wait3A_318 : memref<1x50x128xf32, #tpu.memory_space<vmem>> -> memref<50x128xf32, #tpu.memory_space<vmem>>
    tpu.wait_dma2 semaphore(%arg22 : memref<!tpu.dma_semaphore, #tpu.memory_space<semaphore_mem>>) src(%dma_wait3A_319 : memref<50x128xf32, #tpu.memory_space<vmem>>) dst(%dma_wait3A_315 : memref<50x128xf32, #tpu.memory_space<hbm>>)
    %dma_wait3A_320 = arith.constant 7 : i32
    %dma_wait3A_321 = arith.constant 50 : i32
    %dma_wait3A_322 = arith.constant 0 : i32
    %dma_wait3A_323 = tpu.memref_slice %arg6[%dma_wait3A_320, %dma_wait3A_321, %dma_wait3A_322] : memref<8x100x128xf32, #tpu.memory_space<vmem>> -> memref<1x50x128xf32, #tpu.memory_space<vmem>>
    %dma_wait3A_324 = tpu.memref_squeeze %dma_wait3A_323 : memref<1x50x128xf32, #tpu.memory_space<vmem>> -> memref<50x128xf32, #tpu.memory_space<vmem>>
    %dma_wait3A_325 = arith.constant 0 : i32
    %dma_wait3A_326 = arith.constant 0 : i32
    %dma_wait3A_327 = tpu.memref_slice %arg4[%mul3A_2, %dma_wait3A_325, %dma_wait3A_326] : memref<4096x50x128xf32, #tpu.memory_space<hbm>> -> memref<1x50x128xf32, #tpu.memory_space<hbm>>
    %dma_wait3A_328 = tpu.memref_squeeze %dma_wait3A_327 : memref<1x50x128xf32, #tpu.memory_space<hbm>> -> memref<50x128xf32, #tpu.memory_space<hbm>>
    %dma_wait3A_329 = arith.constant 0 : i32
    %dma_wait3A_330 = arith.constant 0 : i32
    %dma_wait3A_331 = tpu.memref_slice %arg4[%mul3A_2, %dma_wait3A_329, %dma_wait3A_330] : memref<4096x50x128xf32, #tpu.memory_space<hbm>> -> memref<1x50x128xf32, #tpu.memory_space<hbm>>
    %dma_wait3A_332 = tpu.memref_squeeze %dma_wait3A_331 : memref<1x50x128xf32, #tpu.memory_space<hbm>> -> memref<50x128xf32, #tpu.memory_space<hbm>>
    %dma_wait3A_333 = arith.constant 50 : i32
    %dma_wait3A_334 = arith.constant 0 : i32
    %dma_wait3A_335 = tpu.memref_slice %arg6[%dma_wait3A_320, %dma_wait3A_333, %dma_wait3A_334] : memref<8x100x128xf32, #tpu.memory_space<vmem>> -> memref<1x50x128xf32, #tpu.memory_space<vmem>>
    %dma_wait3A_336 = tpu.memref_squeeze %dma_wait3A_335 : memref<1x50x128xf32, #tpu.memory_space<vmem>> -> memref<50x128xf32, #tpu.memory_space<vmem>>
    tpu.wait_dma2 semaphore(%arg22 : memref<!tpu.dma_semaphore, #tpu.memory_space<semaphore_mem>>) src(%dma_wait3A_336 : memref<50x128xf32, #tpu.memory_space<vmem>>) dst(%dma_wait3A_332 : memref<50x128xf32, #tpu.memory_space<hbm>>)
    return
  }
}

</mosaic_0001>

<sc_bundles>
// kernel: kernel.3.cloned.1.call-start
scs
__scs_entry_jumppad:
0x0: {  	(pc) =	sbr.rel $0x88, $3  }
0x1: {  	(tag) =	ssettag $0x0;
	lr =	simm.s32 $0x1  }
0x2: {  	[smem:$0x3F9F] =	sst lr;
	_ =	strace $0xD0000000  }
0x3: {  	_ = 	snop  }
0x4: {  	_ = 	snop  }
0x5: {  	_ = 	snop  }
0x6: {  	_ = 	snop  }
0x7: {  	_ = 	snop  }
__scs_overlays_trampoline_lowered:
0x8: {  	[smem:$0x3FAE] =	sst s0  }
0x9: {  	[smem:$0x3FAF] =	sst s1  }
0xa: {  	[smem:$0x3FB0] =	sst s2  }
0xb: {  	[smem:$0x3FB1] =	sst s3  }
0xc: {  	[smem:$0x3FB2] =	sst s4  }
0xd: {  	[smem:$0x3FB3] =	sst s5  }
0xe: {  	[smem:$0x3FB4] =	sst s6  }
0xf: {  	[smem:$0x3FB5] =	sst s7  }
0x10: {  	[smem:$0x3FB6] =	sst s8  }
0x11: {  	[smem:$0x3FB7] =	sst s9;
	s0 =	simm.s32 @!p0 $0x0  }
0x12: {  	s1 =	sld [smem:$0x3F9D];
	s0 =	simm.s32 @p0 $0x1  }
0x13: {  	[smem:$0x3FB8] =	sst s0;
	s0 =	simm.s32 @!p1 $0x0  }
0x14: {  	s2 =	sld [smem:$0x3F9C];
	s0 =	simm.s32 @p1 $0x1  }
0x15: {  	[smem:$0x3FB9] =	sst s0;
	s0 =	simm.s32 @!p2 $0x0  }
0x16: {  	s3 =	sld [smem:$0x3FDB];
	s0 =	simm.s32 @p2 $0x1  }
0x17: {  	s4 =	simm.s32 $0x1BF5;
	[smem:$0x3FBB] =	sst s0  }
0x18: {  	s0 =	sld [smem:$0x3F9E];
	_ =	swait.ge [sflag:s4], $0x0  }
0x19: {  	s7 =	sld [smem:$0x3F9F]  }
0x1a: {  	s8 =	sadd.s32 $0xFFFFE003, lr  }
0x1b: {  	s9 =	sadd.s32 $0xFFFFFEF7, lr;
	s5 =	simm.s32 $0xFFFFFFFF;
	p2 =	slt.u32 s8, $0xFFFFF086  }
0x1c: {  	p1 =	slt.u32 s9, $0xF7A;
	s5 =	simm.s32 @!p2 $0x0  }
0x1d: {  	s5 =	simm.s32 @p1 $0x1;
	p0 =	seq.s32 s7, s2  }
0x1e: {  	s7 =	smul.u32 @!p0 $0xF7A, s2;
	p2 =	seq.s32 @!p0 s5, $0x0  }
0x1f: {  	s9 =	smul.u32 $0xF7A, s1;
	s8 =	simm.s32 @!p0 $0x1BF5;
	p2 =	por !p2, p0  }
0x20: {  	[sflag:s8] =	ssyncset.s32 @!p0 $0xFFFFF086;
	s6 =	sadd.s32 @!p0 s3, s7;
	s7 =	simm.s32 @!p0 $0x108  }
0x21: {  	s3 =	sadd.s32 s3, s9;
	s6 =	sadd.s32 @!p0 $0x88, s6;
	s7 =	simm.s32 @p2 $0x1082  }
0x22: {  	[simem:s7], [sflag:s8] =	dma.local @!p0 [hbm:s6], $0xF7A  }
0x23: {  	s9 =	sor.u32 $0xD0000000, s2;
	s6 =	simm.s32 $0x108;
	_ =	swait.ge @!p0 [sflag:s8], $0x0  }
0x24: {  	s3 =	sadd.s32 $0x88, s3;
	s6 =	simm.s32 @!p1 $0x1082;
	[sflag:s4] =	ssyncset.s32 $0xFFFFF086  }
0x25: {  	[simem:s6], [sflag:s4] =	dma.local [hbm:s3], $0xF7A  }
0x26: {  	[smem:$0x3F9F] =	sst s1;
	(tag) =	ssettag s2;
	_ =	strace s9  }
0x27: {  	s1 =	sld [smem:$0x3FAF]  }
0x28: {  	s2 =	sld [smem:$0x3FB0]  }
0x29: {  	s4 =	sld [smem:$0x3FB2]  }
0x2a: {  	p0 =	seq.s32 s5, $0x0;
	s5 =	sld [smem:$0x3FB3]  }
0x2b: {  	s6 =	sld [smem:$0x3FB4]  }
0x2c: {  	s7 =	sld [smem:$0x3FB5]  }
0x2d: {  	s3 =	simm.s32 $0x108;
	s8 =	sld [smem:$0x3FB6]  }
0x2e: {  	s3 =	simm.s32 @!p0 $0x1082;
	s9 =	sld [smem:$0x3FB7]  }
0x2f: {  	lr =	sadd.s32 s0, s3;
	s0 =	sld [smem:$0x3FAE]  }
0x30: {  	s3 =	sld [smem:$0x3FB1]  }
0x31: {  	[smem:$0x3FBA] =	sst s10  }
0x32: {  	s10 =	sld [smem:$0x3FB8];
	_ =	sdelay $0x3  }
0x33: {  	p0 =	seq.s32 s10, $0x1;
	s10 =	sld [smem:$0x3FBA];
	_ =	sdelay $0x3  }
0x34: {  	[smem:$0x3FBA] =	sst s10  }
0x35: {  	s10 =	sld [smem:$0x3FB9];
	_ =	sdelay $0x3  }
0x36: {  	p1 =	seq.s32 s10, $0x1;
	s10 =	sld [smem:$0x3FBA];
	_ =	sdelay $0x3  }
0x37: {  	[smem:$0x3FBA] =	sst s10  }
0x38: {  	s10 =	sld [smem:$0x3FBB]  }
0x39: {  	_ = 	snop;
	(pc) =	sbr.ind lr, $3  }
0x3a: {  	_ = 	snop  }
0x3b: {  	_ = 	snop  }
0x3c: {  	p2 =	seq.s32 s10, $0x1;
	s10 =	sld [smem:$0x3FBA]  }
0x3d: {  	_ =	shalt  }
0x3e: {  	_ =	shalt  }
0x3f: {  	_ =	shalt  }
0x40: {  	_ =	shalt  }
0x41: {  	_ =	shalt  }
0x42: {  	_ =	shalt  }
0x43: {  	_ =	shalt  }
0x44: {  	_ =	shalt  }
0x45: {  	_ =	shalt  }
0x46: {  	_ =	shalt  }
0x47: {  	_ =	shalt  }
0x48: {  	_ =	shalt  }
0x49: {  	_ =	shalt  }
0x4a: {  	_ =	shalt  }
0x4b: {  	_ =	shalt  }
0x4c: {  	_ =	shalt  }
0x4d: {  	_ =	shalt  }
0x4e: {  	_ =	shalt  }
0x4f: {  	_ =	shalt  }
0x50: {  	_ =	shalt  }
0x51: {  	_ =	shalt  }
0x52: {  	_ =	shalt  }
0x53: {  	_ =	shalt  }
0x54: {  	_ =	shalt  }
0x55: {  	_ =	shalt  }
0x56: {  	_ =	shalt  }
0x57: {  	_ =	shalt  }
0x58: {  	_ =	shalt  }
0x59: {  	_ =	shalt  }
0x5a: {  	_ =	shalt  }
0x5b: {  	_ =	shalt  }
0x5c: {  	_ =	shalt  }
0x5d: {  	_ =	shalt  }
0x5e: {  	_ =	shalt  }
0x5f: {  	_ =	shalt  }
0x60: {  	_ =	shalt  }
0x61: {  	_ =	shalt  }
0x62: {  	_ =	shalt  }
0x63: {  	_ =	shalt  }
0x64: {  	_ =	shalt  }
0x65: {  	_ =	shalt  }
0x66: {  	_ =	shalt  }
0x67: {  	_ =	shalt  }
0x68: {  	_ =	shalt  }
0x69: {  	_ =	shalt  }
0x6a: {  	_ =	shalt  }
0x6b: {  	_ =	shalt  }
0x6c: {  	_ =	shalt  }
0x6d: {  	_ =	shalt  }
0x6e: {  	_ =	shalt  }
0x6f: {  	_ =	shalt  }
0x70: {  	_ =	shalt  }
0x71: {  	_ =	shalt  }
0x72: {  	_ =	shalt  }
0x73: {  	_ =	shalt  }
0x74: {  	_ =	shalt  }
0x75: {  	_ =	shalt  }
0x76: {  	_ =	shalt  }
0x77: {  	_ =	shalt  }
0x78: {  	_ =	shalt  }
0x79: {  	_ =	shalt  }
0x7a: {  	_ =	shalt  }
0x7b: {  	_ =	shalt  }
0x7c: {  	_ =	shalt  }
0x7d: {  	_ =	shalt  }
0x7e: {  	_ =	shalt  }
0x7f: {  	_ =	shalt  }
0x80: {  	_ =	shalt  }
0x81: {  	_ =	shalt  }
0x82: {  	_ =	shalt  }
0x83: {  	_ =	shalt  }
0x84: {  	_ =	shalt  }
0x85: {  	_ =	shalt  }
0x86: {  	_ =	shalt  }
0x87: {  	_ =	shalt  }
.Lfunc_end0:
.L_simem_size_0:
called_computation_lowered:
.L_overlay_start_0:
0x88: {  	s2 =	sld [smem:$0x3FD9]  }
0x89: {  	s3 =	sld [smem:$0x3FFE];
	_ =	sdelay $0x1  }
0x8a: {  	s1 =	srdreg.scid  }
0x8b: {  	s0 =	sand.u32 $0x1, s1  }
0x8c: {  	s17 =	sshll.u32 s0, $0xA;
	s2 =	sadd.s32 s3, s2  }
0x8d: {  	s2 =	sadd.s32 s2, s17  }
0x8e: {  	[smem:$0x3FC6] =	sst s2  }
0x8f: {  	_ = 	snop  }
0x90: {  	s2 =	sld [smem:$0x3FC8]  }
0x91: {  	s18 =	sld [smem:$0x3FD0];
	(tm) =	ssettm $0x1  }
0x92: {  	s4 =	sld [smem:$0x3FFB];
	_ =	sdelay $0x3  }
0x93: {  	_ =	strace s4  }
0x94: {  	s4 =	sld [smem:$0x3FFC];
	_ =	sdelay $0x3  }
0x95: {  	_ =	strace s4  }
0x96: {  	s4 =	sld [smem:$0x3FFD];
	_ =	sdelay $0x3  }
0x97: {  	_ =	strace s4  }
0x98: {  	_ =	strace $0x8FFFFFFF  }
0x99: {  	s19 =	sld [smem:$0x3FDB];
	_ =	sdelay $0x1  }
0x9a: {  	s5 =	simm.s32 $_scs_section_size  }
0x9b: {  	s6 =	simm.s32 $_size__tile_overlayer_lowered;
	s7 =	simm.s32 $_tile_overlayer_lowered  }
0x9c: {  	s22 =	simm.s32 $0x1BFF;
	s21 =	sshll.u32 s7, $0x1;
	s4 =	sadd.s32 s5, s19  }
0x9d: {  	s8 =	simm.s32 $0x0;
	s20 =	sshll.u32 s6, $0x1;
	s6 =	sadd.s32 s21, s4  }
0x9e: {  	[timem:s8], [sflag:s22] =	dma.local [hbm:s6], s20  }
0x9f: {  	_ =	swait.ge [sflag:s22], s20  }
0xa0: {  	s5 =	ssub.s32 $0x0, s20;
	[sflag:s22] =	ssyncset.done $0x0  }
0xa1: {  	[sflag:s22] =	ssyncadd.s32 s5;
	_ =	sdelay $0x1  }
0xa2: {  	s23 =	simm.s32 $0x1B8B  }
0xa3: {  	_ =	swait.ge [sflag:s23], $0x1  }
0xa4: {  	[sflag:s23] =	ssyncset.done $0x0  }
0xa5: {  	s25 =	simm.s32 $0x1B8E;
	s24 =	sld [smem:$0x3FFE];
	[sflag:s23] =	ssyncadd.s32 $0xFFFFFFFF  }
0xa6: {  	s26 =	simm.s32 $execute0_lowered;
	[smem:$0x3FD2] =	sst s25  }
0xa7: {  	s6 =	sshll.u32 s26, $0x1;
	_ =	strace $0x80000046;
	[dreg:$0x1] =	wrdreg $0xFFFFFFFF  }
0xa8: {  	s28 =	simm.s32 $_size_execute0_lowered;
	s4 =	sadd.s32 s4, s6;
	[dreg:$0x0] =	wrdreg $0x0  }
0xa9: {  	s6 =	sshll.u32 s28, $0x1;
	[dreg:$0x2] =	wrdreg s4  }
0xaa: {  	[dreg:$0x3] =	wrdreg s6  }
0xab: {  	[dreg:$0x4] =	wrdreg $0xC0  }
0xac: {  	_ =	task [dreg:s8], $0x5FFFF  }
0xad: {  	[dreg:$0x1] =	wrdreg $0xFFFFFFFF  }
0xae: {  	[dreg:$0x0] =	wrdreg $0x60  }
0xaf: {  	[dreg:$0x2] =	wrdreg s2  }
0xb0: {  	[dreg:$0x3] =	wrdreg s18  }
0xb1: {  	[dreg:$0x4] =	wrdreg s24  }
0xb2: {  	[dreg:$0x5] =	wrdreg $0x9  }
0xb3: {  	_ =	task.clear_ibuf [dreg:s8], $0x6FFFF;
	_ =	strace $0x90000046  }
0xb4: {  	s29 =	simm.s32 $0x9;
	_ =	strace $0x80000048  }
0xb5: {  	_ =	swait.ge [sflag:s29], $0x1  }
0xb6: {  	[sflag:s29] =	ssyncadd.s32 $0xFFFFFFFF  }
0xb7: {  	_ =	strace $0x90000048  }
0xb8: {  	_ =	sfence  }
0xb9: {  	s30 =	sld [smem:$0x0];
	_ =	sdelay $0x2  }
0xba: {  	s31 =	sshll.u32 s1, $0xD;
	s1 =	sshrl.u32 s1, $0x2  }
0xbb: {  	s3 =	sand.u32 $0x4000, s31;
	s1 =	sadd.s32 s1, s30  }
0xbc: {  	s0 =	sor.u32 s3, s0;
	s1 =	sshll.u32 s1, $0x11  }
0xbd: {  	s0 =	sor.u32 s1, s0  }
0xbe: {  	s0 =	sadd.s32 $0x8F2B, s0  }
0xbf: {  	[sflag:s0] =	ssyncadd.remote.s32 $0x1  }
0xc0: {  	_ =	sfence.sel $0xFFFF  }
0xc1: {  	[dreg:$0x0] =	wrdreg $0xFFFFFFFF;
	(pc) =	sbr.abs _section_cstart, $3  }
0xc2: {  	[dreg:$0x1] =	wrdreg $0xFFFFFFFF  }
0xc3: {  	_ =	task.clear_ibuf [dreg:s8], $0x2FFFF;
	_ =	strace $0x9FFFFFFF  }
0xc4: {  	(tm) =	ssettm $0x7FFFFFFF  }
0xc5: {  	_ =	shalt  }
tec
execute0_lowered:
.L_overlay_start_1:
0x0: {  	(tag) =	ssettag $0x1  }
0x1: {  	s1 =	rddreg [dreg:$0x0]  }
0x2: {  	s0 =	rddreg [dreg:$0x1]  }
0x3: {  	s2 =	rddreg [dreg:$0x2]  }
0x4: {  	s3 =	simm.s32 $0x0;
	s4 =	srdreg.scid;
	s7 =	stileid.u32  }
0x5: {  	s10 =	simm.s32 $0x64;
	s13 =	simm.s32 $0x5400;
	s15 =	simm.s32 $0x8800  }
0x6: {  	s17 =	simm.s32 $0xBC00;
	s19 =	simm.s32 $0xF000;
	s20 =	simm.s32 $0x12400  }
0x7: {  	s21 =	simm.s32 $0x1;
	s23 =	simm.s32 $0x15800;
	s24 =	simm.s32 $0x2  }
0x8: {  	s26 =	simm.s32 $0x18C00;
	s28 =	simm.s32 $0x3;
	s30 =	simm.s32 $0x4  }
0x9: {  	s12 =	simm.s32 $0x6;
	s16 =	simm.s32 $0x7;
	s9 =	simm.s32 $0x0  }
0xa: {  	[smem:$0x7FF] =	sst s3;
	s5 =	sand.u32 $0x1, s4;
	s7 =	sshll.u32 s7, $0x1  }
0xb: {  	s4 =	sadd.s32 $0x400, s2;
	s6 =	ssub.s32 $0x2, s5;
	s7 =	sor.u32 s5, s7  }
0xc: {  	s8 =	sshrl.u32 s6, $0x1;
	s5 =	sshll.u32 s7, $0x7;
	s7 =	sshll.u32 s7, $0xA  }
0xd: {  	_ =	strace $0x80000047;
	s6 =	ssub.s32 s6, s8;
	s0 =	sadd.s32 s0, s7  }
0xe: {  	s7 =	sadd.s32 $0x780, s2;
	[dreg:$0x4] =	wrdreg s0;
	s31 =	smax.u32 s6, $0x1  }
0xf: {  	s0 =	simm.s32 $0x5;
	s6 =	simm.s32 $0x8;
	[dreg:$0x5] =	wrdreg s31  }
.LBB2_1:
0x10: {  	[dreg:$0x6] =	wrdreg s9  }
0x11: {  	s2 =	rddreg [dreg:$0x4];
	s14 =	simm.s32 $0x11  }
0x12: {  	[tilespmem:s3], [sflag:$0x11] =	stream.linear.gather [hbm4b:s2+s3], $0x2000, $0x38;
	[tilespmem:$0x1C000] =	vst v63  }
0x13: {  	_ =	swait.ge [sflag:s14], $0x2000  }
0x14: {  	[sflag:s14] =	ssyncset.done $0x0  }
0x15: {  	s18 =	simm.s32 $0x2000;
	[sflag:s14] =	ssyncadd.s32 $0xFFFFE000  }
0x16: {  	[tilespmem:s18], [sflag:$0x1] =	stream.indirect.gather [hbm4b:s1+s10], $0x80, s3, s10, $0xb8;
	[tilespmem:$0x1C000] =	vst v63  }
0x17: {  	s22 =	simm.s32 $0x80  }
0x18: {  	[tilespmem:s13], [sflag:$0x2] =	stream.indirect.gather [hbm4b:s1+s10], $0x80, s22, s10, $0xb8;
	[tilespmem:$0x1C000] =	vst v63  }
0x19: {  	s25 =	simm.s32 $0x100  }
0x1a: {  	[tilespmem:s15], [sflag:$0x3] =	stream.indirect.gather [hbm4b:s1+s10], $0x80, s25, s10, $0xb8;
	[tilespmem:$0x1C000] =	vst v63  }
0x1b: {  	s29 =	simm.s32 $0x180  }
0x1c: {  	[tilespmem:s17], [sflag:$0x4] =	stream.indirect.gather [hbm4b:s1+s10], $0x80, s29, s10, $0xb8;
	[tilespmem:$0x1C000] =	vst v63  }
0x1d: {  	s31 =	simm.s32 $0x200;
	s9 =	simm.s32 $0x0  }
0x1e: {  	[tilespmem:s19], [sflag:$0x5] =	stream.indirect.gather [hbm4b:s1+s10], $0x80, s31, s10, $0xb8;
	[tilespmem:$0x1C000] =	vst v63  }
.LBB2_2:
0x1f: {  	p0 =	seq.s32 s9, $0x0  }
0x20: {  	s11 =	simm.s32 @!p0 $0xE  }
0x21: {  	_ =	swait.ge @!p0 [sflag:s11], $0x1900  }
0x22: {  	[sflag:s11] =	ssyncset.done @!p0 $0x0  }
0x23: {  	s2 =	sshll.u32 s9, $0x3;
	[sflag:s11] =	ssyncadd.s32 @!p0 $0xFFFFE700  }
0x24: {  	s29 =	sor.u32 $0x5, s2;
	_ =	swait.ge @!p0 [sflag:s11], $0x1900  }
0x25: {  	s14 =	sshll.u32 s29, $0x7;
	[sflag:s11] =	ssyncset.done @!p0 $0x0  }
0x26: {  	s31 =	sand.u32 $0x3FFFFF80, s14;
	[sflag:s11] =	ssyncadd.s32 @!p0 $0xFFFFE700  }
0x27: {  	[tilespmem:s20], [sflag:$0x6] =	stream.indirect.gather [hbm4b:s1+s10], $0x80, s31, s10, $0xb8;
	[tilespmem:$0x1C000] =	vst v63  }
0x28: {  	_ =	swait.ge [sflag:s21], $0x3200  }
0x29: {  	[sflag:s21] =	ssyncset.done $0x0  }
0x2a: {  	s22 =	simm.s32 $0x0;
	[sflag:s21] =	ssyncadd.s32 $0xFFFFCE00  }
0x2b: {  	v2 =	vld [tilespmem:s22+$0x2000]  }
0x2c: {  	v5 =	vld [tilespmem:s22+$0x2010]  }
0x2d: {  	v4 =	vld [tilespmem:s22+$0x2020]  }
0x2e: {  	v3 =	vld [tilespmem:s22+$0x2030]  }
0x2f: {  	v0 =	vld [tilespmem:s22+$0x2040]  }
0x30: {  	v1 =	vld [tilespmem:s22+$0x2050];
	v6 =	vmul.f32 $1.131370830e+01, v2  }
0x31: {  	s14 =	simm.s32 $0x200;
	v5 =	vmul.f32 $1.131370830e+01, v5;
	v2 =	vld [tilespmem:s22+$0x2060]  }
.LBB2_3:
0x32: {  	s11 =	sshra.s32 s14, $0x2;
	p1 =	sne.s32 s14, $0xC600;
	[tilespmem:s22+$0x2000] =	vst v6;
	v4 =	vmul.f32 $1.131370830e+01, v4;
	v6 =	vld [tilespmem:s22+$0x2070]  }
0x33: {  	v7 =	vld [tilespmem:s11+$0x2000];
	[tilespmem:s22+$0x2010] =	vst v5;
	v3 =	vmul.f32 $1.131370830e+01, v3  }
0x34: {  	v5 =	vld [tilespmem:s11+$0x2010];
	[tilespmem:s22+$0x2020] =	vst v4;
	v0 =	vmul.f32 $1.131370830e+01, v0  }
.Ltmp0:
0x35: {  	v4 =	vld [tilespmem:s11+$0x2020];
	[tilespmem:s22+$0x2030] =	vst v3;
	v1 =	vmul.f32 $1.131370830e+01, v1;
	(pc) =	sbr.rel @p1 .LBB2_3-.Ltmp0, $4  }
0x36: {  	v3 =	vld [tilespmem:s11+$0x2030];
	[tilespmem:s22+$0x2040] =	vst v0;
	v2 =	vmul.f32 $1.131370830e+01, v2  }
0x37: {  	v0 =	vld [tilespmem:s11+$0x2040];
	[tilespmem:s22+$0x2050] =	vst v1;
	v8 =	vmul.f32 $1.131370830e+01, v6  }
0x38: {  	v6 =	vmul.f32 $1.131370830e+01, v7;
	v1 =	vld [tilespmem:s11+$0x2050];
	[tilespmem:s22+$0x2060] =	vst v2  }
0x39: {  	s14 =	sadd.s32 $0x200, s14;
	v5 =	vmul.f32 $1.131370830e+01, v5;
	v2 =	vld [tilespmem:s11+$0x2060];
	[tilespmem:s22+$0x2070] =	vst v8;
	s22 =	smov.u32 s11  }
0x3a: {  	[tilespmem:s22+$0x2000] =	vst v6;
	v4 =	vmul.f32 $1.131370830e+01, v4;
	v6 =	vld [tilespmem:s22+$0x2070]  }
0x3b: {  	[tilespmem:s22+$0x2010] =	vst v5;
	v3 =	vmul.f32 $1.131370830e+01, v3  }
0x3c: {  	[tilespmem:s22+$0x2020] =	vst v4;
	v0 =	vmul.f32 $1.131370830e+01, v0  }
0x3d: {  	s11 =	sshll.u32 s9, $0x4;
	[tilespmem:s22+$0x2030] =	vst v3;
	v1 =	vmul.f32 $1.131370830e+01, v1  }
0x3e: {  	s14 =	sor.u32 s5, s11;
	[tilespmem:s22+$0x2040] =	vst v0;
	v0 =	vmul.f32 $1.131370830e+01, v2  }
0x3f: {  	s31 =	smul.u32 $0x380, s14;
	[tilespmem:s22+$0x2050] =	vst v1;
	v1 =	vmul.f32 $1.131370830e+01, v6  }
0x40: {  	[tilespmem:s22+$0x2060] =	vst v0  }
0x41: {  	s8 =	simm.s32 $0x2000;
	s25 =	sadd.s32 s4, s31;
	[tilespmem:s22+$0x2070] =	vst v1  }
0x42: {  	[hbm4b:s25+s3] =	stream.linear.scatter [tilespmem:s8], [sflag:$0x9], $0x1900, $0x38;
	[tilespmem:$0x1C000] =	vst v63  }
0x43: {  	s18 =	simm.s32 $0x3900;
	s11 =	simm.s32 @!p0 $0xF;
	s8 =	sadd.s32 s31, s7  }
0x44: {  	[hbm4b:s8+s3] =	stream.linear.scatter [tilespmem:s18], [sflag:$0x9], $0x1900, $0x38;
	[tilespmem:$0x1C000] =	vst v63  }
0x45: {  	_ =	swait.ge @!p0 [sflag:s11], $0x1900  }
0x46: {  	[sflag:s11] =	ssyncset.done @!p0 $0x0  }
0x47: {  	[sflag:s11] =	ssyncadd.s32 @!p0 $0xFFFFE700  }
0x48: {  	s25 =	sor.u32 $0x6, s2;
	_ =	swait.ge @!p0 [sflag:s11], $0x1900  }
0x49: {  	s18 =	sshll.u32 s25, $0x7;
	[sflag:s11] =	ssyncset.done @!p0 $0x0  }
0x4a: {  	s22 =	sand.u32 $0x3FFFFF80, s18;
	[sflag:s11] =	ssyncadd.s32 @!p0 $0xFFFFE700  }
0x4b: {  	[tilespmem:s23], [sflag:$0x7] =	stream.indirect.gather [hbm4b:s1+s10], $0x80, s22, s10, $0xb8;
	[tilespmem:$0x1C000] =	vst v63  }
0x4c: {  	_ =	swait.ge [sflag:s24], $0x3200  }
0x4d: {  	[sflag:s24] =	ssyncset.done $0x0  }
0x4e: {  	s22 =	simm.s32 $0x0;
	[sflag:s24] =	ssyncadd.s32 $0xFFFFCE00  }
0x4f: {  	v3 =	vld [tilespmem:s22+$0x5400]  }
0x50: {  	v5 =	vld [tilespmem:s22+$0x5410]  }
0x51: {  	v4 =	vld [tilespmem:s22+$0x5420]  }
0x52: {  	v2 =	vld [tilespmem:s22+$0x5430]  }
0x53: {  	v0 =	vld [tilespmem:s22+$0x5440]  }
0x54: {  	v1 =	vld [tilespmem:s22+$0x5450];
	v6 =	vmul.f32 $1.131370830e+01, v3  }
0x55: {  	s18 =	simm.s32 $0x200;
	v5 =	vmul.f32 $1.131370830e+01, v5;
	v3 =	vld [tilespmem:s22+$0x5460]  }
.LBB2_5:
0x56: {  	s11 =	sshra.s32 s18, $0x2;
	p1 =	sne.s32 s18, $0xC600;
	[tilespmem:s22+$0x5400] =	vst v6;
	v4 =	vmul.f32 $1.131370830e+01, v4;
	v6 =	vld [tilespmem:s22+$0x5470]  }
0x57: {  	v7 =	vld [tilespmem:s11+$0x5400];
	[tilespmem:s22+$0x5410] =	vst v5;
	v2 =	vmul.f32 $1.131370830e+01, v2  }
0x58: {  	v5 =	vld [tilespmem:s11+$0x5410];
	[tilespmem:s22+$0x5420] =	vst v4;
	v0 =	vmul.f32 $1.131370830e+01, v0  }
.Ltmp1:
0x59: {  	v4 =	vld [tilespmem:s11+$0x5420];
	[tilespmem:s22+$0x5430] =	vst v2;
	v1 =	vmul.f32 $1.131370830e+01, v1;
	(pc) =	sbr.rel @p1 .LBB2_5-.Ltmp1, $4  }
0x5a: {  	v2 =	vld [tilespmem:s11+$0x5430];
	[tilespmem:s22+$0x5440] =	vst v0;
	v3 =	vmul.f32 $1.131370830e+01, v3  }
0x5b: {  	v0 =	vld [tilespmem:s11+$0x5440];
	[tilespmem:s22+$0x5450] =	vst v1;
	v8 =	vmul.f32 $1.131370830e+01, v6  }
0x5c: {  	v6 =	vmul.f32 $1.131370830e+01, v7;
	v1 =	vld [tilespmem:s11+$0x5450];
	[tilespmem:s22+$0x5460] =	vst v3  }
0x5d: {  	s18 =	sadd.s32 $0x200, s18;
	v5 =	vmul.f32 $1.131370830e+01, v5;
	v3 =	vld [tilespmem:s11+$0x5460];
	[tilespmem:s22+$0x5470] =	vst v8;
	s22 =	smov.u32 s11  }
0x5e: {  	[tilespmem:s22+$0x5400] =	vst v6;
	v4 =	vmul.f32 $1.131370830e+01, v4;
	v6 =	vld [tilespmem:s22+$0x5470]  }
0x5f: {  	[tilespmem:s22+$0x5410] =	vst v5;
	v2 =	vmul.f32 $1.131370830e+01, v2  }
0x60: {  	s11 =	sor.u32 $0x2, s14;
	[tilespmem:s22+$0x5420] =	vst v4;
	v0 =	vmul.f32 $1.131370830e+01, v0  }
0x61: {  	s18 =	smul.u32 $0x380, s11;
	[tilespmem:s22+$0x5430] =	vst v2;
	v1 =	vmul.f32 $1.131370830e+01, v1  }
0x62: {  	s11 =	smul.u32 $0x1C00, s11;
	[tilespmem:s22+$0x5440] =	vst v0;
	v0 =	vmul.f32 $1.131370830e+01, v3  }
0x63: {  	[tilespmem:s22+$0x5450] =	vst v1;
	v1 =	vmul.f32 $1.131370830e+01, v6  }
0x64: {  	s11 =	sshrl.u32 s11, $0x3;
	[tilespmem:s22+$0x5460] =	vst v0  }
0x65: {  	s18 =	sadd.s32 s4, s18;
	s11 =	sadd.s32 s4, s11;
	[tilespmem:s22+$0x5470] =	vst v1  }
0x66: {  	[hbm4b:s18+s3] =	stream.linear.scatter [tilespmem:s13], [sflag:$0xA], $0x1900, $0x38;
	[tilespmem:$0x1C000] =	vst v63  }
0x67: {  	s8 =	simm.s32 $0x6D00;
	s11 =	sadd.s32 $0x380, s11  }
0x68: {  	[hbm4b:s11+s3] =	stream.linear.scatter [tilespmem:s8], [sflag:$0xA], $0x1900, $0x38;
	[tilespmem:$0x1C000] =	vst v63  }
0x69: {  	s11 =	simm.s32 @!p0 $0x10  }
0x6a: {  	_ =	swait.ge @!p0 [sflag:s11], $0x1900  }
0x6b: {  	[sflag:s11] =	ssyncset.done @!p0 $0x0  }
0x6c: {  	[sflag:s11] =	ssyncadd.s32 @!p0 $0xFFFFE700  }
0x6d: {  	s22 =	sor.u32 $0x7, s2;
	_ =	swait.ge @!p0 [sflag:s11], $0x1900  }
0x6e: {  	s2 =	sshll.u32 s22, $0x7;
	[sflag:s11] =	ssyncset.done @!p0 $0x0  }
0x6f: {  	s2 =	sand.u32 $0x3FFFFF80, s2;
	[sflag:s11] =	ssyncadd.s32 @!p0 $0xFFFFE700  }
0x70: {  	[tilespmem:s26], [sflag:$0x8] =	stream.indirect.gather [hbm4b:s1+s10], $0x80, s2, s10, $0xb8;
	[tilespmem:$0x1C000] =	vst v63  }
0x71: {  	_ =	swait.ge [sflag:s28], $0x3200  }
0x72: {  	[sflag:s28] =	ssyncset.done $0x0  }
0x73: {  	s2 =	simm.s32 $0x0;
	[sflag:s28] =	ssyncadd.s32 $0xFFFFCE00  }
0x74: {  	v3 =	vld [tilespmem:s2+$0x8800]  }
0x75: {  	v5 =	vld [tilespmem:s2+$0x8810]  }
0x76: {  	v4 =	vld [tilespmem:s2+$0x8820]  }
0x77: {  	v2 =	vld [tilespmem:s2+$0x8830]  }
0x78: {  	v0 =	vld [tilespmem:s2+$0x8840]  }
0x79: {  	v1 =	vld [tilespmem:s2+$0x8850];
	v6 =	vmul.f32 $1.131370830e+01, v3  }
0x7a: {  	s18 =	simm.s32 $0x200;
	v5 =	vmul.f32 $1.131370830e+01, v5;
	v3 =	vld [tilespmem:s2+$0x8860]  }
.LBB2_7:
0x7b: {  	s11 =	sshra.s32 s18, $0x2;
	p0 =	sne.s32 s18, $0xC600;
	[tilespmem:s2+$0x8800] =	vst v6;
	v4 =	vmul.f32 $1.131370830e+01, v4;
	v6 =	vld [tilespmem:s2+$0x8870]  }
0x7c: {  	v7 =	vld [tilespmem:s11+$0x8800];
	[tilespmem:s2+$0x8810] =	vst v5;
	v2 =	vmul.f32 $1.131370830e+01, v2  }
0x7d: {  	v5 =	vld [tilespmem:s11+$0x8810];
	[tilespmem:s2+$0x8820] =	vst v4;
	v0 =	vmul.f32 $1.131370830e+01, v0  }
.Ltmp2:
0x7e: {  	v4 =	vld [tilespmem:s11+$0x8820];
	[tilespmem:s2+$0x8830] =	vst v2;
	v1 =	vmul.f32 $1.131370830e+01, v1;
	(pc) =	sbr.rel @p0 .LBB2_7-.Ltmp2, $4  }
0x7f: {  	v2 =	vld [tilespmem:s11+$0x8830];
	[tilespmem:s2+$0x8840] =	vst v0;
	v3 =	vmul.f32 $1.131370830e+01, v3  }
0x80: {  	v0 =	vld [tilespmem:s11+$0x8840];
	[tilespmem:s2+$0x8850] =	vst v1;
	v8 =	vmul.f32 $1.131370830e+01, v6  }
0x81: {  	v6 =	vmul.f32 $1.131370830e+01, v7;
	v1 =	vld [tilespmem:s11+$0x8850];
	[tilespmem:s2+$0x8860] =	vst v3  }
0x82: {  	s18 =	sadd.s32 $0x200, s18;
	v5 =	vmul.f32 $1.131370830e+01, v5;
	v3 =	vld [tilespmem:s11+$0x8860];
	[tilespmem:s2+$0x8870] =	vst v8;
	s2 =	smov.u32 s11  }
0x83: {  	[tilespmem:s2+$0x8800] =	vst v6;
	v4 =	vmul.f32 $1.131370830e+01, v4;
	v6 =	vld [tilespmem:s2+$0x8870]  }
0x84: {  	[tilespmem:s2+$0x8810] =	vst v5;
	v2 =	vmul.f32 $1.131370830e+01, v2  }
0x85: {  	s11 =	sor.u32 $0x4, s14;
	[tilespmem:s2+$0x8820] =	vst v4;
	v0 =	vmul.f32 $1.131370830e+01, v0  }
0x86: {  	s18 =	smul.u32 $0x380, s11;
	[tilespmem:s2+$0x8830] =	vst v2;
	v1 =	vmul.f32 $1.131370830e+01, v1  }
0x87: {  	s11 =	smul.u32 $0x1C00, s11;
	[tilespmem:s2+$0x8840] =	vst v0;
	v0 =	vmul.f32 $1.131370830e+01, v3  }
0x88: {  	[tilespmem:s2+$0x8850] =	vst v1;
	v1 =	vmul.f32 $1.131370830e+01, v6  }
0x89: {  	s8 =	sadd.s32 s4, s18;
	s18 =	sshrl.u32 s11, $0x3;
	[tilespmem:s2+$0x8860] =	vst v0  }
0x8a: {  	[tilespmem:s2+$0x8870] =	vst v1;
	s2 =	sadd.s32 s4, s18  }
0x8b: {  	[hbm4b:s8+s3] =	stream.linear.scatter [tilespmem:s15], [sflag:$0xB], $0x1900, $0x38;
	[tilespmem:$0x1C000] =	vst v63  }
0x8c: {  	p0 =	seq.s32 s9, $0x7;
	s2 =	sadd.s32 $0x380, s2;
	s8 =	simm.s32 $0xA100  }
0x8d: {  	[hbm4b:s2+s3] =	stream.linear.scatter [tilespmem:s8], [sflag:$0xB], $0x1900, $0x38;
	[tilespmem:$0x1C000] =	vst v63  }
0x8e: {  	s2 =	simm.s32 @!p0 $0x9  }
0x8f: {  	_ =	swait.ge @!p0 [sflag:s2], $0x1900  }
0x90: {  	[sflag:s2] =	ssyncset.done @!p0 $0x0  }
0x91: {  	[sflag:s2] =	ssyncadd.s32 @!p0 $0xFFFFE700  }
0x92: {  	_ =	swait.ge @!p0 [sflag:s2], $0x1900  }
0x93: {  	s11 =	sshll.u32 @!p0 s9, $0xA;
	[sflag:s2] =	ssyncset.done @!p0 $0x0  }
0x94: {  	[sflag:s2] =	ssyncadd.s32 @!p0 $0xFFFFE700;
	s2 =	sand.u32 @!p0 $0x3FFFFC00, s11  }
0x95: {  	s18 =	simm.s32 @!p0 $0x64;
	s8 =	simm.s32 @!p0 $0x2000;
	s11 =	sadd.s32 @!p0 $0x400, s2  }
0x96: {  	[tilespmem:s8], [sflag:$0x1] =	stream.indirect.gather @!p0 [hbm4b:s1+s18], $0x80, s11, s18, $0xb8;
	[tilespmem:$0x1C000] =	vst v63  }
0x97: {  	_ =	swait.ge [sflag:s30], $0x3200  }
0x98: {  	[sflag:s30] =	ssyncset.done $0x0  }
0x99: {  	s18 =	simm.s32 $0x0;
	[sflag:s30] =	ssyncadd.s32 $0xFFFFCE00  }
0x9a: {  	v3 =	vld [tilespmem:s18+$0xBC00]  }
0x9b: {  	v5 =	vld [tilespmem:s18+$0xBC10]  }
0x9c: {  	v4 =	vld [tilespmem:s18+$0xBC20]  }
0x9d: {  	v2 =	vld [tilespmem:s18+$0xBC30]  }
0x9e: {  	v0 =	vld [tilespmem:s18+$0xBC40]  }
0x9f: {  	v1 =	vld [tilespmem:s18+$0xBC50];
	v6 =	vmul.f32 $1.131370830e+01, v3  }
0xa0: {  	s11 =	simm.s32 $0x200;
	v5 =	vmul.f32 $1.131370830e+01, v5;
	v3 =	vld [tilespmem:s18+$0xBC60]  }
.LBB2_9:
0xa1: {  	s8 =	sshra.s32 s11, $0x2;
	p1 =	sne.s32 s11, $0xC600;
	[tilespmem:s18+$0xBC00] =	vst v6;
	v4 =	vmul.f32 $1.131370830e+01, v4;
	v6 =	vld [tilespmem:s18+$0xBC70]  }
0xa2: {  	v7 =	vld [tilespmem:s8+$0xBC00];
	[tilespmem:s18+$0xBC10] =	vst v5;
	v2 =	vmul.f32 $1.131370830e+01, v2  }
0xa3: {  	v5 =	vld [tilespmem:s8+$0xBC10];
	[tilespmem:s18+$0xBC20] =	vst v4;
	v0 =	vmul.f32 $1.131370830e+01, v0  }
.Ltmp3:
0xa4: {  	v4 =	vld [tilespmem:s8+$0xBC20];
	[tilespmem:s18+$0xBC30] =	vst v2;
	v1 =	vmul.f32 $1.131370830e+01, v1;
	(pc) =	sbr.rel @p1 .LBB2_9-.Ltmp3, $4  }
0xa5: {  	v2 =	vld [tilespmem:s8+$0xBC30];
	[tilespmem:s18+$0xBC40] =	vst v0;
	v3 =	vmul.f32 $1.131370830e+01, v3  }
0xa6: {  	v0 =	vld [tilespmem:s8+$0xBC40];
	[tilespmem:s18+$0xBC50] =	vst v1;
	v8 =	vmul.f32 $1.131370830e+01, v6  }
0xa7: {  	v6 =	vmul.f32 $1.131370830e+01, v7;
	v1 =	vld [tilespmem:s8+$0xBC50];
	[tilespmem:s18+$0xBC60] =	vst v3  }
0xa8: {  	s11 =	sadd.s32 $0x200, s11;
	v5 =	vmul.f32 $1.131370830e+01, v5;
	v3 =	vld [tilespmem:s8+$0xBC60];
	[tilespmem:s18+$0xBC70] =	vst v8;
	s18 =	smov.u32 s8  }
0xa9: {  	[tilespmem:s18+$0xBC00] =	vst v6;
	v4 =	vmul.f32 $1.131370830e+01, v4;
	v6 =	vld [tilespmem:s18+$0xBC70]  }
0xaa: {  	[tilespmem:s18+$0xBC10] =	vst v5;
	v2 =	vmul.f32 $1.131370830e+01, v2  }
0xab: {  	s8 =	sor.u32 $0x6, s14;
	[tilespmem:s18+$0xBC20] =	vst v4;
	v0 =	vmul.f32 $1.131370830e+01, v0  }
0xac: {  	s11 =	smul.u32 $0x380, s8;
	[tilespmem:s18+$0xBC30] =	vst v2;
	v1 =	vmul.f32 $1.131370830e+01, v1  }
0xad: {  	s8 =	smul.u32 $0x1C00, s8;
	[tilespmem:s18+$0xBC40] =	vst v0;
	v0 =	vmul.f32 $1.131370830e+01, v3  }
0xae: {  	[tilespmem:s18+$0xBC50] =	vst v1;
	v1 =	vmul.f32 $1.131370830e+01, v6  }
0xaf: {  	s8 =	sshrl.u32 s8, $0x3;
	[tilespmem:s18+$0xBC60] =	vst v0  }
0xb0: {  	s11 =	sadd.s32 s4, s11;
	s8 =	sadd.s32 s4, s8;
	[tilespmem:s18+$0xBC70] =	vst v1  }
0xb1: {  	[hbm4b:s11+s3] =	stream.linear.scatter [tilespmem:s17], [sflag:$0xC], $0x1900, $0x38;
	[tilespmem:$0x1C000] =	vst v63  }
0xb2: {  	s8 =	sadd.s32 $0x380, s8;
	s18 =	simm.s32 $0xD500  }
0xb3: {  	[hbm4b:s8+s3] =	stream.linear.scatter [tilespmem:s18], [sflag:$0xC], $0x1900, $0x38;
	[tilespmem:$0x1C000] =	vst v63  }
0xb4: {  	s8 =	simm.s32 @!p0 $0xA  }
0xb5: {  	_ =	swait.ge @!p0 [sflag:s8], $0x1900  }
0xb6: {  	[sflag:s8] =	ssyncset.done @!p0 $0x0  }
0xb7: {  	[sflag:s8] =	ssyncadd.s32 @!p0 $0xFFFFE700  }
0xb8: {  	_ =	swait.ge @!p0 [sflag:s8], $0x1900  }
0xb9: {  	s14 =	simm.s32 @!p0 $0x5400;
	[sflag:s8] =	ssyncset.done @!p0 $0x0  }
0xba: {  	s11 =	simm.s32 @!p0 $0x64;
	[sflag:s8] =	ssyncadd.s32 @!p0 $0xFFFFE700;
	s8 =	sadd.s32 @!p0 $0x480, s2  }
0xbb: {  	[tilespmem:s14], [sflag:$0x2] =	stream.indirect.gather @!p0 [hbm4b:s1+s11], $0x80, s8, s11, $0xb8;
	[tilespmem:$0x1C000] =	vst v63  }
0xbc: {  	_ =	swait.ge [sflag:s0], $0x3200  }
0xbd: {  	[sflag:s0] =	ssyncset.done $0x0  }
0xbe: {  	s14 =	simm.s32 $0x0;
	[sflag:s0] =	ssyncadd.s32 $0xFFFFCE00  }
0xbf: {  	v3 =	vld [tilespmem:s14+$0xF000]  }
0xc0: {  	v5 =	vld [tilespmem:s14+$0xF010]  }
0xc1: {  	v4 =	vld [tilespmem:s14+$0xF020]  }
0xc2: {  	v2 =	vld [tilespmem:s14+$0xF030]  }
0xc3: {  	v0 =	vld [tilespmem:s14+$0xF040]  }
0xc4: {  	v1 =	vld [tilespmem:s14+$0xF050];
	v6 =	vmul.f32 $1.131370830e+01, v3  }
0xc5: {  	s11 =	simm.s32 $0x200;
	v5 =	vmul.f32 $1.131370830e+01, v5;
	v3 =	vld [tilespmem:s14+$0xF060]  }
.LBB2_11:
0xc6: {  	s8 =	sshra.s32 s11, $0x2;
	p1 =	sne.s32 s11, $0xC600;
	[tilespmem:s14+$0xF000] =	vst v6;
	v4 =	vmul.f32 $1.131370830e+01, v4;
	v6 =	vld [tilespmem:s14+$0xF070]  }
0xc7: {  	v7 =	vld [tilespmem:s8+$0xF000];
	[tilespmem:s14+$0xF010] =	vst v5;
	v2 =	vmul.f32 $1.131370830e+01, v2  }
0xc8: {  	v5 =	vld [tilespmem:s8+$0xF010];
	[tilespmem:s14+$0xF020] =	vst v4;
	v0 =	vmul.f32 $1.131370830e+01, v0  }
.Ltmp4:
0xc9: {  	v4 =	vld [tilespmem:s8+$0xF020];
	[tilespmem:s14+$0xF030] =	vst v2;
	v1 =	vmul.f32 $1.131370830e+01, v1;
	(pc) =	sbr.rel @p1 .LBB2_11-.Ltmp4, $4  }
0xca: {  	v2 =	vld [tilespmem:s8+$0xF030];
	[tilespmem:s14+$0xF040] =	vst v0;
	v3 =	vmul.f32 $1.131370830e+01, v3  }
0xcb: {  	v0 =	vld [tilespmem:s8+$0xF040];
	[tilespmem:s14+$0xF050] =	vst v1;
	v8 =	vmul.f32 $1.131370830e+01, v6  }
0xcc: {  	v6 =	vmul.f32 $1.131370830e+01, v7;
	v1 =	vld [tilespmem:s8+$0xF050];
	[tilespmem:s14+$0xF060] =	vst v3  }
0xcd: {  	s11 =	sadd.s32 $0x200, s11;
	v5 =	vmul.f32 $1.131370830e+01, v5;
	v3 =	vld [tilespmem:s8+$0xF060];
	[tilespmem:s14+$0xF070] =	vst v8;
	s14 =	smov.u32 s8  }
0xce: {  	[tilespmem:s14+$0xF000] =	vst v6;
	v4 =	vmul.f32 $1.131370830e+01, v4;
	v6 =	vld [tilespmem:s14+$0xF070]  }
0xcf: {  	[tilespmem:s14+$0xF010] =	vst v5;
	v2 =	vmul.f32 $1.131370830e+01, v2  }
0xd0: {  	[tilespmem:s14+$0xF020] =	vst v4;
	v0 =	vmul.f32 $1.131370830e+01, v0  }
0xd1: {  	[tilespmem:s14+$0xF030] =	vst v2;
	v1 =	vmul.f32 $1.131370830e+01, v1  }
0xd2: {  	[tilespmem:s14+$0xF040] =	vst v0;
	v0 =	vmul.f32 $1.131370830e+01, v3  }
0xd3: {  	[tilespmem:s14+$0xF050] =	vst v1;
	v1 =	vmul.f32 $1.131370830e+01, v6  }
0xd4: {  	s8 =	sadd.s32 $0x1C00, s31;
	[tilespmem:s14+$0xF060] =	vst v0  }
0xd5: {  	s11 =	sadd.s32 s4, s8;
	[tilespmem:s14+$0xF070] =	vst v1  }
0xd6: {  	[hbm4b:s11+s3] =	stream.linear.scatter [tilespmem:s19], [sflag:$0xD], $0x1900, $0x38;
	[tilespmem:$0x1C000] =	vst v63  }
0xd7: {  	s31 =	simm.s32 $0x10900;
	s8 =	sadd.s32 s8, s7  }
0xd8: {  	[hbm4b:s8+s3] =	stream.linear.scatter [tilespmem:s31], [sflag:$0xD], $0x1900, $0x38;
	[tilespmem:$0x1C000] =	vst v63  }
0xd9: {  	s8 =	simm.s32 @!p0 $0xB  }
0xda: {  	_ =	swait.ge @!p0 [sflag:s8], $0x1900  }
0xdb: {  	[sflag:s8] =	ssyncset.done @!p0 $0x0  }
0xdc: {  	[sflag:s8] =	ssyncadd.s32 @!p0 $0xFFFFE700  }
0xdd: {  	_ =	swait.ge @!p0 [sflag:s8], $0x1900  }
0xde: {  	s14 =	simm.s32 @!p0 $0x8800;
	[sflag:s8] =	ssyncset.done @!p0 $0x0  }
0xdf: {  	s11 =	simm.s32 @!p0 $0x64;
	[sflag:s8] =	ssyncadd.s32 @!p0 $0xFFFFE700;
	s8 =	sadd.s32 @!p0 $0x500, s2  }
0xe0: {  	[tilespmem:s14], [sflag:$0x3] =	stream.indirect.gather @!p0 [hbm4b:s1+s11], $0x80, s8, s11, $0xb8;
	[tilespmem:$0x1C000] =	vst v63  }
0xe1: {  	_ =	swait.ge [sflag:s12], $0x3200  }
0xe2: {  	[sflag:s12] =	ssyncset.done $0x0  }
0xe3: {  	s14 =	simm.s32 $0x0;
	[sflag:s12] =	ssyncadd.s32 $0xFFFFCE00  }
0xe4: {  	v2 =	vld [tilespmem:s14+$0x12400]  }
0xe5: {  	v5 =	vld [tilespmem:s14+$0x12410]  }
0xe6: {  	v4 =	vld [tilespmem:s14+$0x12420]  }
0xe7: {  	v3 =	vld [tilespmem:s14+$0x12430]  }
0xe8: {  	v0 =	vld [tilespmem:s14+$0x12440]  }
0xe9: {  	v1 =	vld [tilespmem:s14+$0x12450];
	v6 =	vmul.f32 $1.131370830e+01, v2  }
0xea: {  	s11 =	simm.s32 $0x200;
	v5 =	vmul.f32 $1.131370830e+01, v5;
	v2 =	vld [tilespmem:s14+$0x12460]  }
.LBB2_13:
0xeb: {  	s8 =	sshra.s32 s11, $0x2;
	p1 =	sne.s32 s11, $0xC600;
	[tilespmem:s14+$0x12400] =	vst v6;
	v4 =	vmul.f32 $1.131370830e+01, v4;
	v6 =	vld [tilespmem:s14+$0x12470]  }
0xec: {  	v7 =	vld [tilespmem:s8+$0x12400];
	[tilespmem:s14+$0x12410] =	vst v5;
	v3 =	vmul.f32 $1.131370830e+01, v3  }
0xed: {  	v5 =	vld [tilespmem:s8+$0x12410];
	[tilespmem:s14+$0x12420] =	vst v4;
	v0 =	vmul.f32 $1.131370830e+01, v0  }
.Ltmp5:
0xee: {  	v4 =	vld [tilespmem:s8+$0x12420];
	[tilespmem:s14+$0x12430] =	vst v3;
	v1 =	vmul.f32 $1.131370830e+01, v1;
	(pc) =	sbr.rel @p1 .LBB2_13-.Ltmp5, $4  }
0xef: {  	v3 =	vld [tilespmem:s8+$0x12430];
	[tilespmem:s14+$0x12440] =	vst v0;
	v2 =	vmul.f32 $1.131370830e+01, v2  }
0xf0: {  	v0 =	vld [tilespmem:s8+$0x12440];
	[tilespmem:s14+$0x12450] =	vst v1;
	v8 =	vmul.f32 $1.131370830e+01, v6  }
0xf1: {  	v6 =	vmul.f32 $1.131370830e+01, v7;
	v1 =	vld [tilespmem:s8+$0x12450];
	[tilespmem:s14+$0x12460] =	vst v2  }
0xf2: {  	s11 =	sadd.s32 $0x200, s11;
	v5 =	vmul.f32 $1.131370830e+01, v5;
	v2 =	vld [tilespmem:s8+$0x12460];
	[tilespmem:s14+$0x12470] =	vst v8;
	s14 =	smov.u32 s8  }
0xf3: {  	[tilespmem:s14+$0x12400] =	vst v6;
	v4 =	vmul.f32 $1.131370830e+01, v4;
	v6 =	vld [tilespmem:s14+$0x12470]  }
0xf4: {  	s8 =	sshll.u32 s29, $0x1;
	[tilespmem:s14+$0x12410] =	vst v5;
	v3 =	vmul.f32 $1.131370830e+01, v3  }
0xf5: {  	s8 =	sadd.s32 s5, s8;
	[tilespmem:s14+$0x12420] =	vst v4;
	v0 =	vmul.f32 $1.131370830e+01, v0  }
0xf6: {  	s11 =	smul.u32 $0x380, s8;
	[tilespmem:s14+$0x12430] =	vst v3;
	v1 =	vmul.f32 $1.131370830e+01, v1  }
0xf7: {  	s8 =	smul.u32 $0x1C00, s8;
	[tilespmem:s14+$0x12440] =	vst v0;
	v0 =	vmul.f32 $1.131370830e+01, v2  }
0xf8: {  	[tilespmem:s14+$0x12450] =	vst v1;
	v1 =	vmul.f32 $1.131370830e+01, v6  }
0xf9: {  	s8 =	sshrl.u32 s8, $0x3;
	[tilespmem:s14+$0x12460] =	vst v0  }
0xfa: {  	s11 =	sadd.s32 s4, s11;
	s8 =	sadd.s32 s4, s8;
	[tilespmem:s14+$0x12470] =	vst v1  }
0xfb: {  	[hbm4b:s11+s3] =	stream.linear.scatter [tilespmem:s20], [sflag:$0xE], $0x1900, $0x38;
	[tilespmem:$0x1C000] =	vst v63  }
0xfc: {  	s31 =	simm.s32 $0x13D00;
	s8 =	sadd.s32 $0x380, s8  }
0xfd: {  	[hbm4b:s8+s3] =	stream.linear.scatter [tilespmem:s31], [sflag:$0xE], $0x1900, $0x38;
	[tilespmem:$0x1C000] =	vst v63  }
0xfe: {  	s8 =	simm.s32 @!p0 $0xC  }
0xff: {  	_ =	swait.ge @!p0 [sflag:s8], $0x1900  }
0x100: {  	[sflag:s8] =	ssyncset.done @!p0 $0x0  }
0x101: {  	[sflag:s8] =	ssyncadd.s32 @!p0 $0xFFFFE700  }
0x102: {  	_ =	swait.ge @!p0 [sflag:s8], $0x1900  }
0x103: {  	s14 =	simm.s32 @!p0 $0xBC00;
	[sflag:s8] =	ssyncset.done @!p0 $0x0  }
0x104: {  	s11 =	simm.s32 @!p0 $0x64;
	[sflag:s8] =	ssyncadd.s32 @!p0 $0xFFFFE700;
	s8 =	sadd.s32 @!p0 $0x580, s2  }
0x105: {  	[tilespmem:s14], [sflag:$0x4] =	stream.indirect.gather @!p0 [hbm4b:s1+s11], $0x80, s8, s11, $0xb8;
	[tilespmem:$0x1C000] =	vst v63  }
0x106: {  	_ =	swait.ge [sflag:s16], $0x3200  }
0x107: {  	[sflag:s16] =	ssyncset.done $0x0  }
0x108: {  	s14 =	simm.s32 $0x0;
	[sflag:s16] =	ssyncadd.s32 $0xFFFFCE00  }
0x109: {  	v2 =	vld [tilespmem:s14+$0x15800]  }
0x10a: {  	v5 =	vld [tilespmem:s14+$0x15810]  }
0x10b: {  	v4 =	vld [tilespmem:s14+$0x15820]  }
0x10c: {  	v3 =	vld [tilespmem:s14+$0x15830]  }
0x10d: {  	v0 =	vld [tilespmem:s14+$0x15840]  }
0x10e: {  	v1 =	vld [tilespmem:s14+$0x15850];
	v6 =	vmul.f32 $1.131370830e+01, v2  }
0x10f: {  	s11 =	simm.s32 $0x200;
	v5 =	vmul.f32 $1.131370830e+01, v5;
	v2 =	vld [tilespmem:s14+$0x15860]  }
.LBB2_15:
0x110: {  	s8 =	sshra.s32 s11, $0x2;
	p1 =	sne.s32 s11, $0xC600;
	[tilespmem:s14+$0x15800] =	vst v6;
	v4 =	vmul.f32 $1.131370830e+01, v4;
	v6 =	vld [tilespmem:s14+$0x15870]  }
0x111: {  	v7 =	vld [tilespmem:s8+$0x15800];
	[tilespmem:s14+$0x15810] =	vst v5;
	v3 =	vmul.f32 $1.131370830e+01, v3  }
0x112: {  	v5 =	vld [tilespmem:s8+$0x15810];
	[tilespmem:s14+$0x15820] =	vst v4;
	v0 =	vmul.f32 $1.131370830e+01, v0  }
.Ltmp6:
0x113: {  	v4 =	vld [tilespmem:s8+$0x15820];
	[tilespmem:s14+$0x15830] =	vst v3;
	v1 =	vmul.f32 $1.131370830e+01, v1;
	(pc) =	sbr.rel @p1 .LBB2_15-.Ltmp6, $4  }
0x114: {  	v3 =	vld [tilespmem:s8+$0x15830];
	[tilespmem:s14+$0x15840] =	vst v0;
	v2 =	vmul.f32 $1.131370830e+01, v2  }
0x115: {  	v0 =	vld [tilespmem:s8+$0x15840];
	[tilespmem:s14+$0x15850] =	vst v1;
	v8 =	vmul.f32 $1.131370830e+01, v6  }
0x116: {  	v6 =	vmul.f32 $1.131370830e+01, v7;
	v1 =	vld [tilespmem:s8+$0x15850];
	[tilespmem:s14+$0x15860] =	vst v2  }
0x117: {  	s11 =	sadd.s32 $0x200, s11;
	v5 =	vmul.f32 $1.131370830e+01, v5;
	v2 =	vld [tilespmem:s8+$0x15860];
	[tilespmem:s14+$0x15870] =	vst v8;
	s14 =	smov.u32 s8  }
0x118: {  	[tilespmem:s14+$0x15800] =	vst v6;
	v4 =	vmul.f32 $1.131370830e+01, v4;
	v6 =	vld [tilespmem:s14+$0x15870]  }
0x119: {  	s8 =	sshll.u32 s25, $0x1;
	[tilespmem:s14+$0x15810] =	vst v5;
	v3 =	vmul.f32 $1.131370830e+01, v3  }
0x11a: {  	s8 =	sadd.s32 s5, s8;
	[tilespmem:s14+$0x15820] =	vst v4;
	v0 =	vmul.f32 $1.131370830e+01, v0  }
0x11b: {  	s11 =	smul.u32 $0x380, s8;
	[tilespmem:s14+$0x15830] =	vst v3;
	v1 =	vmul.f32 $1.131370830e+01, v1  }
0x11c: {  	s8 =	smul.u32 $0x1C00, s8;
	[tilespmem:s14+$0x15840] =	vst v0;
	v0 =	vmul.f32 $1.131370830e+01, v2  }
0x11d: {  	[tilespmem:s14+$0x15850] =	vst v1;
	v1 =	vmul.f32 $1.131370830e+01, v6  }
0x11e: {  	s8 =	sshrl.u32 s8, $0x3;
	[tilespmem:s14+$0x15860] =	vst v0  }
0x11f: {  	s11 =	sadd.s32 s4, s11;
	s8 =	sadd.s32 s4, s8;
	[tilespmem:s14+$0x15870] =	vst v1  }
0x120: {  	[hbm4b:s11+s3] =	stream.linear.scatter [tilespmem:s23], [sflag:$0xF], $0x1900, $0x38;
	[tilespmem:$0x1C000] =	vst v63  }
0x121: {  	s31 =	simm.s32 $0x17100;
	s8 =	sadd.s32 $0x380, s8  }
0x122: {  	[hbm4b:s8+s3] =	stream.linear.scatter [tilespmem:s31], [sflag:$0xF], $0x1900, $0x38;
	[tilespmem:$0x1C000] =	vst v63  }
0x123: {  	s8 =	simm.s32 @!p0 $0xD  }
0x124: {  	_ =	swait.ge @!p0 [sflag:s8], $0x1900  }
0x125: {  	[sflag:s8] =	ssyncset.done @!p0 $0x0  }
0x126: {  	[sflag:s8] =	ssyncadd.s32 @!p0 $0xFFFFE700  }
0x127: {  	_ =	swait.ge @!p0 [sflag:s8], $0x1900  }
0x128: {  	s2 =	sadd.s32 @!p0 $0x600, s2;
	[sflag:s8] =	ssyncset.done @!p0 $0x0  }
0x129: {  	s11 =	simm.s32 @!p0 $0xF000;
	[sflag:s8] =	ssyncadd.s32 @!p0 $0xFFFFE700;
	s8 =	simm.s32 @!p0 $0x64  }
0x12a: {  	[tilespmem:s11], [sflag:$0x5] =	stream.indirect.gather @!p0 [hbm4b:s1+s8], $0x80, s2, s8, $0xb8;
	[tilespmem:$0x1C000] =	vst v63  }
0x12b: {  	_ =	swait.ge [sflag:s6], $0x3200  }
0x12c: {  	[sflag:s6] =	ssyncset.done $0x0  }
0x12d: {  	s2 =	simm.s32 $0x0;
	[sflag:s6] =	ssyncadd.s32 $0xFFFFCE00  }
0x12e: {  	v2 =	vld [tilespmem:s2+$0x18C00]  }
0x12f: {  	v5 =	vld [tilespmem:s2+$0x18C10]  }
0x130: {  	v4 =	vld [tilespmem:s2+$0x18C20]  }
0x131: {  	v3 =	vld [tilespmem:s2+$0x18C30]  }
0x132: {  	v0 =	vld [tilespmem:s2+$0x18C40]  }
0x133: {  	v1 =	vld [tilespmem:s2+$0x18C50];
	v6 =	vmul.f32 $1.131370830e+01, v2  }
0x134: {  	s11 =	simm.s32 $0x200;
	v5 =	vmul.f32 $1.131370830e+01, v5;
	v2 =	vld [tilespmem:s2+$0x18C60]  }
.LBB2_17:
0x135: {  	s8 =	sshra.s32 s11, $0x2;
	p0 =	sne.s32 s11, $0xC600;
	[tilespmem:s2+$0x18C00] =	vst v6;
	v4 =	vmul.f32 $1.131370830e+01, v4;
	v6 =	vld [tilespmem:s2+$0x18C70]  }
0x136: {  	v7 =	vld [tilespmem:s8+$0x18C00];
	[tilespmem:s2+$0x18C10] =	vst v5;
	v3 =	vmul.f32 $1.131370830e+01, v3  }
0x137: {  	v5 =	vld [tilespmem:s8+$0x18C10];
	[tilespmem:s2+$0x18C20] =	vst v4;
	v0 =	vmul.f32 $1.131370830e+01, v0  }
.Ltmp7:
0x138: {  	v4 =	vld [tilespmem:s8+$0x18C20];
	[tilespmem:s2+$0x18C30] =	vst v3;
	v1 =	vmul.f32 $1.131370830e+01, v1;
	(pc) =	sbr.rel @p0 .LBB2_17-.Ltmp7, $4  }
0x139: {  	v3 =	vld [tilespmem:s8+$0x18C30];
	[tilespmem:s2+$0x18C40] =	vst v0;
	v2 =	vmul.f32 $1.131370830e+01, v2  }
0x13a: {  	v0 =	vld [tilespmem:s8+$0x18C40];
	[tilespmem:s2+$0x18C50] =	vst v1;
	v8 =	vmul.f32 $1.131370830e+01, v6  }
0x13b: {  	v6 =	vmul.f32 $1.131370830e+01, v7;
	v1 =	vld [tilespmem:s8+$0x18C50];
	[tilespmem:s2+$0x18C60] =	vst v2  }
0x13c: {  	s11 =	sadd.s32 $0x200, s11;
	v5 =	vmul.f32 $1.131370830e+01, v5;
	v2 =	vld [tilespmem:s8+$0x18C60];
	[tilespmem:s2+$0x18C70] =	vst v8;
	s2 =	smov.u32 s8  }
0x13d: {  	[tilespmem:s2+$0x18C00] =	vst v6;
	v4 =	vmul.f32 $1.131370830e+01, v4;
	v61 =	vld [tilespmem:s2+$0x18C70]  }
0x13e: {  	s8 =	sshll.u32 s22, $0x1;
	[tilespmem:s2+$0x18C10] =	vst v5;
	v3 =	vmul.f32 $1.131370830e+01, v3  }
0x13f: {  	s8 =	sadd.s32 s5, s8;
	[tilespmem:s2+$0x18C20] =	vst v4;
	v0 =	vmul.f32 $1.131370830e+01, v0  }
0x140: {  	s11 =	smul.u32 $0x380, s8;
	[tilespmem:s2+$0x18C30] =	vst v3;
	v1 =	vmul.f32 $1.131370830e+01, v1  }
0x141: {  	s9 =	sadd.s32 $0x1, s9;
	s8 =	smul.u32 $0x1C00, s8;
	[tilespmem:s2+$0x18C40] =	vst v0;
	v62 =	vmul.f32 $1.131370830e+01, v2  }
0x142: {  	p0 =	sne.s32 s9, $0x8;
	[tilespmem:s2+$0x18C50] =	vst v1;
	v63 =	vmul.f32 $1.131370830e+01, v61  }
.Ltmp8:
0x143: {  	s29 =	sshrl.u32 s8, $0x3;
	[tilespmem:s2+$0x18C60] =	vst v62;
	(pc) =	sbr.rel @p0 .LBB2_2-.Ltmp8, $4  }
0x144: {  	s25 =	sadd.s32 s4, s11;
	[tilespmem:s2+$0x18C70] =	vst v63;
	s2 =	sadd.s32 s4, s29  }
0x145: {  	[hbm4b:s25+s3] =	stream.linear.scatter [tilespmem:s26], [sflag:$0x10], $0x1900, $0x38;
	[tilespmem:$0x1C000] =	vst v63  }
0x146: {  	s31 =	simm.s32 $0x1A500;
	s2 =	sadd.s32 $0x380, s2  }
0x147: {  	[hbm4b:s2+s3] =	stream.linear.scatter [tilespmem:s31], [sflag:$0x10], $0x1900, $0x38;
	[tilespmem:$0x1C000] =	vst v63  }
0x148: {  	s2 =	simm.s32 $0x9  }
0x149: {  	_ =	swait.ge [sflag:s2], $0x1900  }
0x14a: {  	[sflag:s2] =	ssyncset.done $0x0  }
0x14b: {  	[sflag:s2] =	ssyncadd.s32 $0xFFFFE700  }
0x14c: {  	_ =	swait.ge [sflag:s2], $0x1900  }
0x14d: {  	[sflag:s2] =	ssyncset.done $0x0  }
0x14e: {  	s11 =	simm.s32 $0xA;
	[sflag:s2] =	ssyncadd.s32 $0xFFFFE700  }
0x14f: {  	_ =	swait.ge [sflag:s11], $0x1900  }
0x150: {  	[sflag:s11] =	ssyncset.done $0x0  }
0x151: {  	[sflag:s11] =	ssyncadd.s32 $0xFFFFE700  }
0x152: {  	_ =	swait.ge [sflag:s11], $0x1900  }
0x153: {  	[sflag:s11] =	ssyncset.done $0x0  }
0x154: {  	s14 =	simm.s32 $0xB;
	[sflag:s11] =	ssyncadd.s32 $0xFFFFE700  }
0x155: {  	_ =	swait.ge [sflag:s14], $0x1900  }
0x156: {  	[sflag:s14] =	ssyncset.done $0x0  }
0x157: {  	[sflag:s14] =	ssyncadd.s32 $0xFFFFE700  }
0x158: {  	_ =	swait.ge [sflag:s14], $0x1900  }
0x159: {  	[sflag:s14] =	ssyncset.done $0x0  }
0x15a: {  	s18 =	simm.s32 $0xC;
	[sflag:s14] =	ssyncadd.s32 $0xFFFFE700  }
0x15b: {  	_ =	swait.ge [sflag:s18], $0x1900  }
0x15c: {  	[sflag:s18] =	ssyncset.done $0x0  }
0x15d: {  	[sflag:s18] =	ssyncadd.s32 $0xFFFFE700  }
0x15e: {  	_ =	swait.ge [sflag:s18], $0x1900  }
0x15f: {  	[sflag:s18] =	ssyncset.done $0x0  }
0x160: {  	s22 =	simm.s32 $0xD;
	[sflag:s18] =	ssyncadd.s32 $0xFFFFE700  }
0x161: {  	_ =	swait.ge [sflag:s22], $0x1900  }
0x162: {  	[sflag:s22] =	ssyncset.done $0x0  }
0x163: {  	[sflag:s22] =	ssyncadd.s32 $0xFFFFE700  }
0x164: {  	_ =	swait.ge [sflag:s22], $0x1900  }
0x165: {  	[sflag:s22] =	ssyncset.done $0x0  }
0x166: {  	s25 =	simm.s32 $0xE;
	[sflag:s22] =	ssyncadd.s32 $0xFFFFE700  }
0x167: {  	_ =	swait.ge [sflag:s25], $0x1900  }
0x168: {  	[sflag:s25] =	ssyncset.done $0x0  }
0x169: {  	[sflag:s25] =	ssyncadd.s32 $0xFFFFE700  }
0x16a: {  	_ =	swait.ge [sflag:s25], $0x1900  }
0x16b: {  	[sflag:s25] =	ssyncset.done $0x0  }
0x16c: {  	s29 =	simm.s32 $0xF;
	[sflag:s25] =	ssyncadd.s32 $0xFFFFE700  }
0x16d: {  	_ =	swait.ge [sflag:s29], $0x1900  }
0x16e: {  	[sflag:s29] =	ssyncset.done $0x0  }
0x16f: {  	[sflag:s29] =	ssyncadd.s32 $0xFFFFE700  }
0x170: {  	_ =	swait.ge [sflag:s29], $0x1900  }
0x171: {  	[sflag:s29] =	ssyncset.done $0x0  }
0x172: {  	s8 =	simm.s32 $0x10;
	[sflag:s29] =	ssyncadd.s32 $0xFFFFE700  }
0x173: {  	_ =	swait.ge [sflag:s8], $0x1900  }
0x174: {  	[sflag:s8] =	ssyncset.done $0x0  }
0x175: {  	[sflag:s8] =	ssyncadd.s32 $0xFFFFE700  }
0x176: {  	_ =	swait.ge [sflag:s8], $0x1900  }
0x177: {  	s9 =	rddreg [dreg:$0x6]  }
0x178: {  	s31 =	rddreg [dreg:$0x5];
	s9 =	sadd.s32 $0x1, s9  }
0x179: {  	p0 =	sne.s32 s9, s31  }
.Ltmp9:
0x17a: {  	_ = 	snop;
	(pc) =	sbr.rel @p0 .LBB2_1-.Ltmp9, $3  }
0x17b: {  	_ =	sdelay $0x1  }
0x17c: {  	[sflag:s8] =	ssyncset.done $0x0  }
0x17d: {  	[sflag:s8] =	ssyncadd.s32 $0xFFFFE700  }
0x17e: {  	_ =	sfence.sel $0x180000  }
0x17f: {  	[bflag:$0x0] =	sbarrier.arrive $0xFFFF  }
0x180: {  	_ =	strace $0x90000047  }
0x181: {  	s0 =	stileid.u32;
	[bflag:$0x2] =	sbarrier.arrive $0xFFFF  }
0x182: {  	p0 =	sne.s32 s0, $0x0;
	s0 =	rddreg [dreg:$0x3]  }
0x183: {  	s0 =	sadd.s32 @!p0 $0x100000, s0  }
0x184: {  	[sflag:s0] =	ssyncadd.tile.s32 @!p0 $0x1;
	_ =	shalt  }
.Lfunc_end2:
_tile_overlayer_lowered:
.L_overlay_start_2:
0x185: {  	(tag) =	ssettag $0x2  }
0x186: {  	s0 =	rddreg [dreg:$0x0];
	s2 =	stileid.u32  }
0x187: {  	s1 =	rddreg [dreg:$0x1];
	p0 =	sne.s32 s2, $0x0  }
0x188: {  	s3 =	rddreg [dreg:$0x2];
	[bflag:$0x3] =	sbarrier.arrive $0xFFFF;
	s2 =	simm.s32 @!p0 $0x1C11  }
0x189: {  	[timem:s3], [sflag:s2] =	dma.local @!p0 [hbm:s0], s1  }
0x18a: {  	s0 =	simm.s32 @!p0 $0x11  }
0x18b: {  	_ =	swait.ge @!p0 [sflag:s0], s1  }
0x18c: {  	s1 =	ssub.s32 @!p0 $0x0, s1;
	[sflag:s0] =	ssyncset.done @!p0 $0x0  }
0x18d: {  	[sflag:s0] =	ssyncadd.s32 @!p0 s1  }
0x18e: {  	[bflag:$0x3] =	sbarrier.arrive $0xFFFF  }
0x18f: {  	_ =	shalt  }

</sc_bundles>
